<compile_context>
chip_gen: v7x
topology: tpu7x:2x2x1
jax: 0.10.2.dev20260603
libtpu: 0.0.44.dev20260713+nightly
codegen_flags: <defaults>
</compile_context>

<pallas_src>
import functools

import jax
import jax.numpy as jnp
from jax import lax
from jax.experimental import pallas as pl
from jax.experimental.pallas import tpu as pltpu
from jax.experimental.pallas import tpu_sc as plsc

N_E = 1024
E_DIM = 64
BETA = 0.25
TB = 576
NB = 32


def _vq_body(z_ref, emb_ref, enc_ref, idx_ref, loss_ref, perp_ref,
             loss_acc, cnt_acc, *, n_total):
    i = pl.program_id(0)
    nsteps = pl.num_programs(0)

    zb = z_ref[0]
    emb = emb_ref[...]

    e_sq = jnp.sum(emb ** 2, axis=1, keepdims=True)
    z_sq = jnp.sum(zb * zb, axis=0, keepdims=True)
    d = jax.lax.dot_general(emb, zb, (((1,), (0,)), ((), ())),
                            preferred_element_type=jnp.float32)
    dist = (z_sq + e_sq) - 2.0 * d

    min_d = jnp.min(dist, axis=0, keepdims=True)
    sub_f = jax.lax.broadcasted_iota(jnp.int32, (N_E, TB), 0).astype(jnp.float32)
    idx_f = jnp.min(jnp.where(dist == min_d, sub_f, jnp.float32(N_E)),
                    axis=0, keepdims=True)
    idx_i = idx_f.astype(jnp.int32)
    idx_ref[...] = idx_i[None]

    lane = jax.lax.broadcasted_iota(jnp.int32, (TB, N_E), 1)
    enc = jnp.where(lane == idx_i.reshape(TB, 1), 1.0, 0.0)
    enc_ref[...] = enc

    @pl.when(i == 0)
    def _init():
        loss_acc[0] = 0.0
        cnt_acc[...] = jnp.zeros_like(cnt_acc)

    loss_acc[0] += jnp.sum(min_d)
    cnt_acc[...] += jnp.sum(enc, axis=0, keepdims=True)

    @pl.when(i == nsteps - 1)
    def _finalize():
        total = loss_acc[0] / (n_total * E_DIM)
        loss_ref[...] = jnp.full((1, 1), total * (1.0 + BETA), jnp.float32)
        e_mean = cnt_acc[...] / n_total
        ent = e_mean * jnp.log(e_mean + 1e-10)
        perp_ref[...] = jnp.exp(-jnp.sum(ent, axis=1, keepdims=True))


def _sc_gather_body(idx_hbm, emb_hbm, out_hbm, idx_v, emb_v, zq_v, sem):
    wid = lax.axis_index("s") * 2 + lax.axis_index("c")
    base = wid * TB
    pltpu.sync_copy(idx_hbm.at[pl.ds(base, TB)], idx_v)
    pltpu.sync_copy(emb_hbm, emb_v)

    @plsc.parallel_loop(0, TB // 16, unroll=2)
    def _gather_chunk(r):
        ids = idx_v[pl.ds(r * 16, 16)]
        addr0 = ids * E_DIM
        for c in range(E_DIM):
            vals = plsc.load_gather(emb_v, [addr0 + c])
            zq_v[c, pl.ds(r * 16, 16)] = vals
    pltpu.sync_copy(zq_v, out_hbm.at[wid])


def _sc_gather(idx_flat, emb_flat):
    mesh = plsc.VectorSubcoreMesh(core_axis_name="c", subcore_axis_name="s")
    return pl.kernel(
        _sc_gather_body,
        mesh=mesh,
        compiler_params=pltpu.CompilerParams(needs_layout_passes=False),
        out_type=jax.ShapeDtypeStruct((NB, E_DIM, TB), jnp.float32),
        scratch_types=[
            pltpu.VMEM((TB,), jnp.int32),
            pltpu.VMEM((N_E * E_DIM,), jnp.float32),
            pltpu.VMEM((E_DIM, TB), jnp.float32),
            pltpu.SemaphoreType.DMA,
        ],
    )(idx_flat, emb_flat)


def kernel(z, embedding):
    B, ed, T = z.shape
    n = B * T

    enc, idx3, loss, perp = pl.pallas_call(
        functools.partial(_vq_body, n_total=n),
        grid=(B,),
        in_specs=[
            pl.BlockSpec((1, ed, T), lambda i: (i, 0, 0)),
            pl.BlockSpec((N_E, ed), lambda i: (0, 0)),
        ],
        out_specs=[
            pl.BlockSpec((TB, N_E), lambda i: (i, 0)),
            pl.BlockSpec((1, 1, TB), lambda i: (i, 0, 0)),
            pl.BlockSpec((1, 1), lambda i: (0, 0)),
            pl.BlockSpec((1, 1), lambda i: (0, 0)),
        ],
        out_shape=[
            jax.ShapeDtypeStruct((n, N_E), jnp.float32),
            jax.ShapeDtypeStruct((B, 1, T), jnp.int32),
            jax.ShapeDtypeStruct((1, 1), jnp.float32),
            jax.ShapeDtypeStruct((1, 1), jnp.float32),
        ],
        scratch_shapes=[
            pltpu.SMEM((1,), jnp.float32),
            pltpu.VMEM((1, N_E), jnp.float32),
        ],
    )(z, embedding)

    idx_flat = idx3.reshape(n)
    z_q_out = _sc_gather(idx_flat, embedding.reshape(N_E * E_DIM))
    return loss[0, 0], z_q_out, perp[0, 0], enc, idx_flat[:, None]

# --- scband reference (transcript-rebuilt; emitter-appended) ---
"""Pipeline reference for scband-vector-quantizer-random-restart-22900765622860 (READ-ONLY COPY).

The authoritative reference and input builder live on the scoring server;
editing this copy changes nothing except your own understanding.
"""

import jax, jax.numpy as jnp
import numpy as np

N_E = 1024
E_DIM = 64
BETA = 0.25


def setup_inputs(seed: int = 0) -> dict:
    key = jax.random.key(seed)
    k1, k2 = jax.random.split(key)
    z = jax.random.normal(k1, (32, 64, 576), dtype=jnp.float32)
    embedding = jax.random.uniform(
        k2, (N_E, E_DIM), dtype=jnp.float32, minval=-1.0 / N_E, maxval=1.0 / N_E
    )
    return {"z": z, "embedding": embedding}


def reference(z, embedding):
    # z: [B, e_dim, T] -> [B, T, e_dim]
    zp = jnp.transpose(z, (0, 2, 1))
    zf = zp.reshape(-1, E_DIM)
    # squared L2 distances to every codebook entry
    d = (
        jnp.sum(zf ** 2, axis=1, keepdims=True)
        + jnp.sum(embedding ** 2, axis=1)
        - 2.0 * (zf @ embedding.T)
    )
    min_encoding_indices = jnp.argmin(d, axis=1)[:, None]
    # scatter one-hot encodings (equivalent to zeros().scatter_(1, idx, 1))
    min_encodings = jax.nn.one_hot(min_encoding_indices[:, 0], N_E, dtype=jnp.float32)
    # quantized latents via embedding lookup expressed as matmul
    z_q = (min_encodings @ embedding).reshape(zp.shape)
    # commitment + codebook loss
    loss = (
        jnp.mean((jax.lax.stop_gradient(z_q) - zp) ** 2)
        + BETA * jnp.mean((z_q - jax.lax.stop_gradient(zp)) ** 2)
    )
    # straight-through estimator
    z_q_st = zp + jax.lax.stop_gradient(z_q - zp)
    e_mean = jnp.mean(min_encodings, axis=0)
    perplexity = jnp.exp(-jnp.sum(e_mean * jnp.log(e_mean + 1e-10)))
    z_q_out = jnp.transpose(z_q_st, (0, 2, 1))
    return loss, z_q_out, perplexity, min_encodings, min_encoding_indices

if __name__ == "__main__":
    import jax
    _d = setup_inputs()
    print(jax.jit(kernel)(*tuple(_d.values())))

</pallas_src>

<mosaic_0001>
#map = affine_map<(d0, d1) -> (0)>
#map1 = affine_map<(d0, d1) -> (0, 0, 0)>
module attributes {stable_mosaic.version = 14 : i64} {
  func.func @_sc_gather_body(%arg0: i32, %arg1: i32, %arg2: memref<18432xi32, #tpu.memory_space<hbm>>, %arg3: memref<65536xf32, #tpu.memory_space<hbm>>, %arg4: memref<32x64x576xf32, #tpu.memory_space<hbm>>, %arg5: memref<576xi32, #tpu.memory_space<vmem>>, %arg6: memref<65536xf32, #tpu.memory_space<vmem>>, %arg7: memref<64x576xf32, #tpu.memory_space<vmem>>, %arg8: memref<!tpu.dma_semaphore, #tpu.memory_space<semaphore_mem>>) attributes {dimension_semantics = [#tpu.dimension_semantics<core_parallel>, #tpu.dimension_semantics<subcore_parallel>], iteration_bounds = array<i64: 2, 16>, scalar_prefetch = 0 : i64, scratch_operands = 4 : i64, tpu.core_type = #tpu.core_type<sc_vector_subcore>, window_params = [{transform_indices = #map}, {transform_indices = #map}, {transform_indices = #map1}]} {
    %mul3A = arith.constant 2 : i32
    %mul3A_0 = arith.muli %arg1, %mul3A : i32
    %add3A = arith.addi %mul3A_0, %arg0 : i32
    %mul3A_1 = arith.constant 576 : i32
    %mul3A_2 = arith.muli %add3A, %mul3A_1 : i32
    "tpu.region"() ({
      %run_scoped3A = tpu.sem_alloc : memref<!tpu.dma_semaphore, #tpu.memory_space<semaphore_mem>>
      %dma_start3A = tpu.memref_slice %arg2[%mul3A_2] : memref<18432xi32, #tpu.memory_space<hbm>> -> memref<576xi32, #tpu.memory_space<hbm>>
      %dma_start3A_5 = tpu.memref_slice %arg2[%mul3A_2] : memref<18432xi32, #tpu.memory_space<hbm>> -> memref<576xi32, #tpu.memory_space<hbm>>
      tpu.enqueue_dma source(%dma_start3A_5 : memref<576xi32, #tpu.memory_space<hbm>>) target(%arg5 : memref<576xi32, #tpu.memory_space<vmem>>) target_semaphore(%run_scoped3A : memref<!tpu.dma_semaphore, #tpu.memory_space<semaphore_mem>>)
      %dma_wait3A = tpu.memref_slice %arg2[%mul3A_2] : memref<18432xi32, #tpu.memory_space<hbm>> -> memref<576xi32, #tpu.memory_space<hbm>>
      %dma_wait3A_6 = tpu.memref_slice %arg2[%mul3A_2] : memref<18432xi32, #tpu.memory_space<hbm>> -> memref<576xi32, #tpu.memory_space<hbm>>
      tpu.wait_dma2 semaphore(%run_scoped3A : memref<!tpu.dma_semaphore, #tpu.memory_space<semaphore_mem>>) src(%dma_wait3A_6 : memref<576xi32, #tpu.memory_space<hbm>>) dst(%arg5 : memref<576xi32, #tpu.memory_space<vmem>>)
      tpu.yield
    }) : () -> ()
    "tpu.region"() ({
      %run_scoped3A = tpu.sem_alloc : memref<!tpu.dma_semaphore, #tpu.memory_space<semaphore_mem>>
      tpu.enqueue_dma source(%arg3 : memref<65536xf32, #tpu.memory_space<hbm>>) target(%arg6 : memref<65536xf32, #tpu.memory_space<vmem>>) target_semaphore(%run_scoped3A : memref<!tpu.dma_semaphore, #tpu.memory_space<semaphore_mem>>)
      tpu.wait_dma2 semaphore(%run_scoped3A : memref<!tpu.dma_semaphore, #tpu.memory_space<semaphore_mem>>) src(%arg3 : memref<65536xf32, #tpu.memory_space<hbm>>) dst(%arg6 : memref<65536xf32, #tpu.memory_space<vmem>>)
      tpu.yield
    }) : () -> ()
    %parallel_loop3A = arith.constant 0 : i32
    %parallel_loop3A_3 = arith.constant 36 : i32
    %parallel_loop3A_4 = arith.constant 1 : i32
    scf.for %parallel_loop3A_5 = %parallel_loop3A to %parallel_loop3A_3 step %parallel_loop3A_4  : i32 {
      %parallel_loop3A_6 = arith.constant 16 : i32
      %parallel_loop3A_7 = arith.muli %parallel_loop3A_5, %parallel_loop3A_6 : i32
      %parallel_loop3A_8 = arith.index_cast %parallel_loop3A_7 : i32 to index
      %parallel_loop3A_9 = tpu.vector_load %arg5[%parallel_loop3A_8] {strides = array<i32>} : memref<576xi32, #tpu.memory_space<vmem>>, vector<16xi32>,
      %parallel_loop3A_10 = arith.constant 64 : i32
      %parallel_loop3A_11 = vector.broadcast %parallel_loop3A_10 : i32 to vector<16xi32>
      %parallel_loop3A_12 = arith.muli %parallel_loop3A_9, %parallel_loop3A_11 : vector<16xi32>
      %parallel_loop3A_13 = arith.constant 0 : i32
      %parallel_loop3A_14 = vector.broadcast %parallel_loop3A_13 : i32 to vector<16xi32>
      %parallel_loop3A_15 = arith.addi %parallel_loop3A_12, %parallel_loop3A_14 : vector<16xi32>
      %parallel_loop3A_16 = tpu.vector_load_idx %arg6[%parallel_loop3A_15] : memref<65536xf32, #tpu.memory_space<vmem>>[vector<16xi32>], vector<16xf32>,
      %parallel_loop3A_17 = arith.constant 16 : i32
      %parallel_loop3A_18 = arith.muli %parallel_loop3A_5, %parallel_loop3A_17 : i32
      %parallel_loop3A_19 = arith.constant 0 : i32
      %parallel_loop3A_20 = arith.index_cast %parallel_loop3A_19 : i32 to index
      %parallel_loop3A_21 = arith.index_cast %parallel_loop3A_18 : i32 to index
      %parallel_loop3A_22 = tpu.vector_load %arg7[%parallel_loop3A_20, %parallel_loop3A_21] {strides = array<i32>} : memref<64x576xf32, #tpu.memory_space<vmem>>, vector<16xf32>,
      tpu.vector_store %arg7[%parallel_loop3A_20, %parallel_loop3A_21], %parallel_loop3A_16 {strides = array<i32>} : memref<64x576xf32, #tpu.memory_space<vmem>>, vector<16xf32>,
      %parallel_loop3A_23 = arith.constant 1 : i32
      %parallel_loop3A_24 = vector.broadcast %parallel_loop3A_23 : i32 to vector<16xi32>
      %parallel_loop3A_25 = arith.addi %parallel_loop3A_12, %parallel_loop3A_24 : vector<16xi32>
      %parallel_loop3A_26 = tpu.vector_load_idx %arg6[%parallel_loop3A_25] : memref<65536xf32, #tpu.memory_space<vmem>>[vector<16xi32>], vector<16xf32>,
      %parallel_loop3A_27 = arith.constant 16 : i32
      %parallel_loop3A_28 = arith.muli %parallel_loop3A_5, %parallel_loop3A_27 : i32
      %parallel_loop3A_29 = arith.constant 1 : i32
      %parallel_loop3A_30 = arith.index_cast %parallel_loop3A_29 : i32 to index
      %parallel_loop3A_31 = arith.index_cast %parallel_loop3A_28 : i32 to index
      %parallel_loop3A_32 = tpu.vector_load %arg7[%parallel_loop3A_30, %parallel_loop3A_31] {strides = array<i32>} : memref<64x576xf32, #tpu.memory_space<vmem>>, vector<16xf32>,
      tpu.vector_store %arg7[%parallel_loop3A_30, %parallel_loop3A_31], %parallel_loop3A_26 {strides = array<i32>} : memref<64x576xf32, #tpu.memory_space<vmem>>, vector<16xf32>,
      %parallel_loop3A_33 = arith.constant 2 : i32
      %parallel_loop3A_34 = vector.broadcast %parallel_loop3A_33 : i32 to vector<16xi32>
      %parallel_loop3A_35 = arith.addi %parallel_loop3A_12, %parallel_loop3A_34 : vector<16xi32>
      %parallel_loop3A_36 = tpu.vector_load_idx %arg6[%parallel_loop3A_35] : memref<65536xf32, #tpu.memory_space<vmem>>[vector<16xi32>], vector<16xf32>,
      %parallel_loop3A_37 = arith.constant 16 : i32
      %parallel_loop3A_38 = arith.muli %parallel_loop3A_5, %parallel_loop3A_37 : i32
      %parallel_loop3A_39 = arith.constant 2 : i32
      %parallel_loop3A_40 = arith.index_cast %parallel_loop3A_39 : i32 to index
      %parallel_loop3A_41 = arith.index_cast %parallel_loop3A_38 : i32 to index
      %parallel_loop3A_42 = tpu.vector_load %arg7[%parallel_loop3A_40, %parallel_loop3A_41] {strides = array<i32>} : memref<64x576xf32, #tpu.memory_space<vmem>>, vector<16xf32>,
      tpu.vector_store %arg7[%parallel_loop3A_40, %parallel_loop3A_41], %parallel_loop3A_36 {strides = array<i32>} : memref<64x576xf32, #tpu.memory_space<vmem>>, vector<16xf32>,
      %parallel_loop3A_43 = arith.constant 3 : i32
      %parallel_loop3A_44 = vector.broadcast %parallel_loop3A_43 : i32 to vector<16xi32>
      %parallel_loop3A_45 = arith.addi %parallel_loop3A_12, %parallel_loop3A_44 : vector<16xi32>
      %parallel_loop3A_46 = tpu.vector_load_idx %arg6[%parallel_loop3A_45] : memref<65536xf32, #tpu.memory_space<vmem>>[vector<16xi32>], vector<16xf32>,
      %parallel_loop3A_47 = arith.constant 16 : i32
      %parallel_loop3A_48 = arith.muli %parallel_loop3A_5, %parallel_loop3A_47 : i32
      %parallel_loop3A_49 = arith.constant 3 : i32
      %parallel_loop3A_50 = arith.index_cast %parallel_loop3A_49 : i32 to index
      %parallel_loop3A_51 = arith.index_cast %parallel_loop3A_48 : i32 to index
      %parallel_loop3A_52 = tpu.vector_load %arg7[%parallel_loop3A_50, %parallel_loop3A_51] {strides = array<i32>} : memref<64x576xf32, #tpu.memory_space<vmem>>, vector<16xf32>,
      tpu.vector_store %arg7[%parallel_loop3A_50, %parallel_loop3A_51], %parallel_loop3A_46 {strides = array<i32>} : memref<64x576xf32, #tpu.memory_space<vmem>>, vector<16xf32>,
      %parallel_loop3A_53 = arith.constant 4 : i32
      %parallel_loop3A_54 = vector.broadcast %parallel_loop3A_53 : i32 to vector<16xi32>
      %parallel_loop3A_55 = arith.addi %parallel_loop3A_12, %parallel_loop3A_54 : vector<16xi32>
      %parallel_loop3A_56 = tpu.vector_load_idx %arg6[%parallel_loop3A_55] : memref<65536xf32, #tpu.memory_space<vmem>>[vector<16xi32>], vector<16xf32>,
      %parallel_loop3A_57 = arith.constant 16 : i32
      %parallel_loop3A_58 = arith.muli %parallel_loop3A_5, %parallel_loop3A_57 : i32
      %parallel_loop3A_59 = arith.constant 4 : i32
      %parallel_loop3A_60 = arith.index_cast %parallel_loop3A_59 : i32 to index
      %parallel_loop3A_61 = arith.index_cast %parallel_loop3A_58 : i32 to index
      %parallel_loop3A_62 = tpu.vector_load %arg7[%parallel_loop3A_60, %parallel_loop3A_61] {strides = array<i32>} : memref<64x576xf32, #tpu.memory_space<vmem>>, vector<16xf32>,
      tpu.vector_store %arg7[%parallel_loop3A_60, %parallel_loop3A_61], %parallel_loop3A_56 {strides = array<i32>} : memref<64x576xf32, #tpu.memory_space<vmem>>, vector<16xf32>,
      %parallel_loop3A_63 = arith.constant 5 : i32
      %parallel_loop3A_64 = vector.broadcast %parallel_loop3A_63 : i32 to vector<16xi32>
      %parallel_loop3A_65 = arith.addi %parallel_loop3A_12, %parallel_loop3A_64 : vector<16xi32>
      %parallel_loop3A_66 = tpu.vector_load_idx %arg6[%parallel_loop3A_65] : memref<65536xf32, #tpu.memory_space<vmem>>[vector<16xi32>], vector<16xf32>,
      %parallel_loop3A_67 = arith.constant 16 : i32
      %parallel_loop3A_68 = arith.muli %parallel_loop3A_5, %parallel_loop3A_67 : i32
      %parallel_loop3A_69 = arith.constant 5 : i32
      %parallel_loop3A_70 = arith.index_cast %parallel_loop3A_69 : i32 to index
      %parallel_loop3A_71 = arith.index_cast %parallel_loop3A_68 : i32 to index
      %parallel_loop3A_72 = tpu.vector_load %arg7[%parallel_loop3A_70, %parallel_loop3A_71] {strides = array<i32>} : memref<64x576xf32, #tpu.memory_space<vmem>>, vector<16xf32>,
      tpu.vector_store %arg7[%parallel_loop3A_70, %parallel_loop3A_71], %parallel_loop3A_66 {strides = array<i32>} : memref<64x576xf32, #tpu.memory_space<vmem>>, vector<16xf32>,
      %parallel_loop3A_73 = arith.constant 6 : i32
      %parallel_loop3A_74 = vector.broadcast %parallel_loop3A_73 : i32 to vector<16xi32>
      %parallel_loop3A_75 = arith.addi %parallel_loop3A_12, %parallel_loop3A_74 : vector<16xi32>
      %parallel_loop3A_76 = tpu.vector_load_idx %arg6[%parallel_loop3A_75] : memref<65536xf32, #tpu.memory_space<vmem>>[vector<16xi32>], vector<16xf32>,
      %parallel_loop3A_77 = arith.constant 16 : i32
      %parallel_loop3A_78 = arith.muli %parallel_loop3A_5, %parallel_loop3A_77 : i32
      %parallel_loop3A_79 = arith.constant 6 : i32
      %parallel_loop3A_80 = arith.index_cast %parallel_loop3A_79 : i32 to index
      %parallel_loop3A_81 = arith.index_cast %parallel_loop3A_78 : i32 to index
      %parallel_loop3A_82 = tpu.vector_load %arg7[%parallel_loop3A_80, %parallel_loop3A_81] {strides = array<i32>} : memref<64x576xf32, #tpu.memory_space<vmem>>, vector<16xf32>,
      tpu.vector_store %arg7[%parallel_loop3A_80, %parallel_loop3A_81], %parallel_loop3A_76 {strides = array<i32>} : memref<64x576xf32, #tpu.memory_space<vmem>>, vector<16xf32>,
      %parallel_loop3A_83 = arith.constant 7 : i32
      %parallel_loop3A_84 = vector.broadcast %parallel_loop3A_83 : i32 to vector<16xi32>
      %parallel_loop3A_85 = arith.addi %parallel_loop3A_12, %parallel_loop3A_84 : vector<16xi32>
      %parallel_loop3A_86 = tpu.vector_load_idx %arg6[%parallel_loop3A_85] : memref<65536xf32, #tpu.memory_space<vmem>>[vector<16xi32>], vector<16xf32>,
      %parallel_loop3A_87 = arith.constant 16 : i32
      %parallel_loop3A_88 = arith.muli %parallel_loop3A_5, %parallel_loop3A_87 : i32
      %parallel_loop3A_89 = arith.constant 7 : i32
      %parallel_loop3A_90 = arith.index_cast %parallel_loop3A_89 : i32 to index
      %parallel_loop3A_91 = arith.index_cast %parallel_loop3A_88 : i32 to index
      %parallel_loop3A_92 = tpu.vector_load %arg7[%parallel_loop3A_90, %parallel_loop3A_91] {strides = array<i32>} : memref<64x576xf32, #tpu.memory_space<vmem>>, vector<16xf32>,
      tpu.vector_store %arg7[%parallel_loop3A_90, %parallel_loop3A_91], %parallel_loop3A_86 {strides = array<i32>} : memref<64x576xf32, #tpu.memory_space<vmem>>, vector<16xf32>,
      %parallel_loop3A_93 = arith.constant 8 : i32
      %parallel_loop3A_94 = vector.broadcast %parallel_loop3A_93 : i32 to vector<16xi32>
      %parallel_loop3A_95 = arith.addi %parallel_loop3A_12, %parallel_loop3A_94 : vector<16xi32>
      %parallel_loop3A_96 = tpu.vector_load_idx %arg6[%parallel_loop3A_95] : memref<65536xf32, #tpu.memory_space<vmem>>[vector<16xi32>], vector<16xf32>,
      %parallel_loop3A_97 = arith.constant 16 : i32
      %parallel_loop3A_98 = arith.muli %parallel_loop3A_5, %parallel_loop3A_97 : i32
      %parallel_loop3A_99 = arith.constant 8 : i32
      %parallel_loop3A_100 = arith.index_cast %parallel_loop3A_99 : i32 to index
      %parallel_loop3A_101 = arith.index_cast %parallel_loop3A_98 : i32 to index
      %parallel_loop3A_102 = tpu.vector_load %arg7[%parallel_loop3A_100, %parallel_loop3A_101] {strides = array<i32>} : memref<64x576xf32, #tpu.memory_space<vmem>>, vector<16xf32>,
      tpu.vector_store %arg7[%parallel_loop3A_100, %parallel_loop3A_101], %parallel_loop3A_96 {strides = array<i32>} : memref<64x576xf32, #tpu.memory_space<vmem>>, vector<16xf32>,
      %parallel_loop3A_103 = arith.constant 9 : i32
      %parallel_loop3A_104 = vector.broadcast %parallel_loop3A_103 : i32 to vector<16xi32>
      %parallel_loop3A_105 = arith.addi %parallel_loop3A_12, %parallel_loop3A_104 : vector<16xi32>
      %parallel_loop3A_106 = tpu.vector_load_idx %arg6[%parallel_loop3A_105] : memref<65536xf32, #tpu.memory_space<vmem>>[vector<16xi32>], vector<16xf32>,
      %parallel_loop3A_107 = arith.constant 16 : i32
      %parallel_loop3A_108 = arith.muli %parallel_loop3A_5, %parallel_loop3A_107 : i32
      %parallel_loop3A_109 = arith.constant 9 : i32
      %parallel_loop3A_110 = arith.index_cast %parallel_loop3A_109 : i32 to index
      %parallel_loop3A_111 = arith.index_cast %parallel_loop3A_108 : i32 to index
      %parallel_loop3A_112 = tpu.vector_load %arg7[%parallel_loop3A_110, %parallel_loop3A_111] {strides = array<i32>} : memref<64x576xf32, #tpu.memory_space<vmem>>, vector<16xf32>,
      tpu.vector_store %arg7[%parallel_loop3A_110, %parallel_loop3A_111], %parallel_loop3A_106 {strides = array<i32>} : memref<64x576xf32, #tpu.memory_space<vmem>>, vector<16xf32>,
      %parallel_loop3A_113 = arith.constant 10 : i32
      %parallel_loop3A_114 = vector.broadcast %parallel_loop3A_113 : i32 to vector<16xi32>
      %parallel_loop3A_115 = arith.addi %parallel_loop3A_12, %parallel_loop3A_114 : vector<16xi32>
      %parallel_loop3A_116 = tpu.vector_load_idx %arg6[%parallel_loop3A_115] : memref<65536xf32, #tpu.memory_space<vmem>>[vector<16xi32>], vector<16xf32>,
      %parallel_loop3A_117 = arith.constant 16 : i32
      %parallel_loop3A_118 = arith.muli %parallel_loop3A_5, %parallel_loop3A_117 : i32
      %parallel_loop3A_119 = arith.constant 10 : i32
      %parallel_loop3A_120 = arith.index_cast %parallel_loop3A_119 : i32 to index
      %parallel_loop3A_121 = arith.index_cast %parallel_loop3A_118 : i32 to index
      %parallel_loop3A_122 = tpu.vector_load %arg7[%parallel_loop3A_120, %parallel_loop3A_121] {strides = array<i32>} : memref<64x576xf32, #tpu.memory_space<vmem>>, vector<16xf32>,
      tpu.vector_store %arg7[%parallel_loop3A_120, %parallel_loop3A_121], %parallel_loop3A_116 {strides = array<i32>} : memref<64x576xf32, #tpu.memory_space<vmem>>, vector<16xf32>,
      %parallel_loop3A_123 = arith.constant 11 : i32
      %parallel_loop3A_124 = vector.broadcast %parallel_loop3A_123 : i32 to vector<16xi32>
      %parallel_loop3A_125 = arith.addi %parallel_loop3A_12, %parallel_loop3A_124 : vector<16xi32>
      %parallel_loop3A_126 = tpu.vector_load_idx %arg6[%parallel_loop3A_125] : memref<65536xf32, #tpu.memory_space<vmem>>[vector<16xi32>], vector<16xf32>,
      %parallel_loop3A_127 = arith.constant 16 : i32
      %parallel_loop3A_128 = arith.muli %parallel_loop3A_5, %parallel_loop3A_127 : i32
      %parallel_loop3A_129 = arith.constant 11 : i32
      %parallel_loop3A_130 = arith.index_cast %parallel_loop3A_129 : i32 to index
      %parallel_loop3A_131 = arith.index_cast %parallel_loop3A_128 : i32 to index
      %parallel_loop3A_132 = tpu.vector_load %arg7[%parallel_loop3A_130, %parallel_loop3A_131] {strides = array<i32>} : memref<64x576xf32, #tpu.memory_space<vmem>>, vector<16xf32>,
      tpu.vector_store %arg7[%parallel_loop3A_130, %parallel_loop3A_131], %parallel_loop3A_126 {strides = array<i32>} : memref<64x576xf32, #tpu.memory_space<vmem>>, vector<16xf32>,
      %parallel_loop3A_133 = arith.constant 12 : i32
      %parallel_loop3A_134 = vector.broadcast %parallel_loop3A_133 : i32 to vector<16xi32>
      %parallel_loop3A_135 = arith.addi %parallel_loop3A_12, %parallel_loop3A_134 : vector<16xi32>
      %parallel_loop3A_136 = tpu.vector_load_idx %arg6[%parallel_loop3A_135] : memref<65536xf32, #tpu.memory_space<vmem>>[vector<16xi32>], vector<16xf32>,
      %parallel_loop3A_137 = arith.constant 16 : i32
      %parallel_loop3A_138 = arith.muli %parallel_loop3A_5, %parallel_loop3A_137 : i32
      %parallel_loop3A_139 = arith.constant 12 : i32
      %parallel_loop3A_140 = arith.index_cast %parallel_loop3A_139 : i32 to index
      %parallel_loop3A_141 = arith.index_cast %parallel_loop3A_138 : i32 to index
      %parallel_loop3A_142 = tpu.vector_load %arg7[%parallel_loop3A_140, %parallel_loop3A_141] {strides = array<i32>} : memref<64x576xf32, #tpu.memory_space<vmem>>, vector<16xf32>,
      tpu.vector_store %arg7[%parallel_loop3A_140, %parallel_loop3A_141], %parallel_loop3A_136 {strides = array<i32>} : memref<64x576xf32, #tpu.memory_space<vmem>>, vector<16xf32>,
      %parallel_loop3A_143 = arith.constant 13 : i32
      %parallel_loop3A_144 = vector.broadcast %parallel_loop3A_143 : i32 to vector<16xi32>
      %parallel_loop3A_145 = arith.addi %parallel_loop3A_12, %parallel_loop3A_144 : vector<16xi32>
      %parallel_loop3A_146 = tpu.vector_load_idx %arg6[%parallel_loop3A_145] : memref<65536xf32, #tpu.memory_space<vmem>>[vector<16xi32>], vector<16xf32>,
      %parallel_loop3A_147 = arith.constant 16 : i32
      %parallel_loop3A_148 = arith.muli %parallel_loop3A_5, %parallel_loop3A_147 : i32
      %parallel_loop3A_149 = arith.constant 13 : i32
      %parallel_loop3A_150 = arith.index_cast %parallel_loop3A_149 : i32 to index
      %parallel_loop3A_151 = arith.index_cast %parallel_loop3A_148 : i32 to index
      %parallel_loop3A_152 = tpu.vector_load %arg7[%parallel_loop3A_150, %parallel_loop3A_151] {strides = array<i32>} : memref<64x576xf32, #tpu.memory_space<vmem>>, vector<16xf32>,
      tpu.vector_store %arg7[%parallel_loop3A_150, %parallel_loop3A_151], %parallel_loop3A_146 {strides = array<i32>} : memref<64x576xf32, #tpu.memory_space<vmem>>, vector<16xf32>,
      %parallel_loop3A_153 = arith.constant 14 : i32
      %parallel_loop3A_154 = vector.broadcast %parallel_loop3A_153 : i32 to vector<16xi32>
      %parallel_loop3A_155 = arith.addi %parallel_loop3A_12, %parallel_loop3A_154 : vector<16xi32>
      %parallel_loop3A_156 = tpu.vector_load_idx %arg6[%parallel_loop3A_155] : memref<65536xf32, #tpu.memory_space<vmem>>[vector<16xi32>], vector<16xf32>,
      %parallel_loop3A_157 = arith.constant 16 : i32
      %parallel_loop3A_158 = arith.muli %parallel_loop3A_5, %parallel_loop3A_157 : i32
      %parallel_loop3A_159 = arith.constant 14 : i32
      %parallel_loop3A_160 = arith.index_cast %parallel_loop3A_159 : i32 to index
      %parallel_loop3A_161 = arith.index_cast %parallel_loop3A_158 : i32 to index
      %parallel_loop3A_162 = tpu.vector_load %arg7[%parallel_loop3A_160, %parallel_loop3A_161] {strides = array<i32>} : memref<64x576xf32, #tpu.memory_space<vmem>>, vector<16xf32>,
      tpu.vector_store %arg7[%parallel_loop3A_160, %parallel_loop3A_161], %parallel_loop3A_156 {strides = array<i32>} : memref<64x576xf32, #tpu.memory_space<vmem>>, vector<16xf32>,
      %parallel_loop3A_163 = arith.constant 15 : i32
      %parallel_loop3A_164 = vector.broadcast %parallel_loop3A_163 : i32 to vector<16xi32>
      %parallel_loop3A_165 = arith.addi %parallel_loop3A_12, %parallel_loop3A_164 : vector<16xi32>
      %parallel_loop3A_166 = tpu.vector_load_idx %arg6[%parallel_loop3A_165] : memref<65536xf32, #tpu.memory_space<vmem>>[vector<16xi32>], vector<16xf32>,
      %parallel_loop3A_167 = arith.constant 16 : i32
      %parallel_loop3A_168 = arith.muli %parallel_loop3A_5, %parallel_loop3A_167 : i32
      %parallel_loop3A_169 = arith.constant 15 : i32
      %parallel_loop3A_170 = arith.index_cast %parallel_loop3A_169 : i32 to index
      %parallel_loop3A_171 = arith.index_cast %parallel_loop3A_168 : i32 to index
      %parallel_loop3A_172 = tpu.vector_load %arg7[%parallel_loop3A_170, %parallel_loop3A_171] {strides = array<i32>} : memref<64x576xf32, #tpu.memory_space<vmem>>, vector<16xf32>,
      tpu.vector_store %arg7[%parallel_loop3A_170, %parallel_loop3A_171], %parallel_loop3A_166 {strides = array<i32>} : memref<64x576xf32, #tpu.memory_space<vmem>>, vector<16xf32>,
      %parallel_loop3A_173 = arith.constant 16 : i32
      %parallel_loop3A_174 = vector.broadcast %parallel_loop3A_173 : i32 to vector<16xi32>
      %parallel_loop3A_175 = arith.addi %parallel_loop3A_12, %parallel_loop3A_174 : vector<16xi32>
      %parallel_loop3A_176 = tpu.vector_load_idx %arg6[%parallel_loop3A_175] : memref<65536xf32, #tpu.memory_space<vmem>>[vector<16xi32>], vector<16xf32>,
      %parallel_loop3A_177 = arith.constant 16 : i32
      %parallel_loop3A_178 = arith.muli %parallel_loop3A_5, %parallel_loop3A_177 : i32
      %parallel_loop3A_179 = arith.constant 16 : i32
      %parallel_loop3A_180 = arith.index_cast %parallel_loop3A_179 : i32 to index
      %parallel_loop3A_181 = arith.index_cast %parallel_loop3A_178 : i32 to index
      %parallel_loop3A_182 = tpu.vector_load %arg7[%parallel_loop3A_180, %parallel_loop3A_181] {strides = array<i32>} : memref<64x576xf32, #tpu.memory_space<vmem>>, vector<16xf32>,
      tpu.vector_store %arg7[%parallel_loop3A_180, %parallel_loop3A_181], %parallel_loop3A_176 {strides = array<i32>} : memref<64x576xf32, #tpu.memory_space<vmem>>, vector<16xf32>,
      %parallel_loop3A_183 = arith.constant 17 : i32
      %parallel_loop3A_184 = vector.broadcast %parallel_loop3A_183 : i32 to vector<16xi32>
      %parallel_loop3A_185 = arith.addi %parallel_loop3A_12, %parallel_loop3A_184 : vector<16xi32>
      %parallel_loop3A_186 = tpu.vector_load_idx %arg6[%parallel_loop3A_185] : memref<65536xf32, #tpu.memory_space<vmem>>[vector<16xi32>], vector<16xf32>,
      %parallel_loop3A_187 = arith.constant 16 : i32
      %parallel_loop3A_188 = arith.muli %parallel_loop3A_5, %parallel_loop3A_187 : i32
      %parallel_loop3A_189 = arith.constant 17 : i32
      %parallel_loop3A_190 = arith.index_cast %parallel_loop3A_189 : i32 to index
      %parallel_loop3A_191 = arith.index_cast %parallel_loop3A_188 : i32 to index
      %parallel_loop3A_192 = tpu.vector_load %arg7[%parallel_loop3A_190, %parallel_loop3A_191] {strides = array<i32>} : memref<64x576xf32, #tpu.memory_space<vmem>>, vector<16xf32>,
      tpu.vector_store %arg7[%parallel_loop3A_190, %parallel_loop3A_191], %parallel_loop3A_186 {strides = array<i32>} : memref<64x576xf32, #tpu.memory_space<vmem>>, vector<16xf32>,
      %parallel_loop3A_193 = arith.constant 18 : i32
      %parallel_loop3A_194 = vector.broadcast %parallel_loop3A_193 : i32 to vector<16xi32>
      %parallel_loop3A_195 = arith.addi %parallel_loop3A_12, %parallel_loop3A_194 : vector<16xi32>
      %parallel_loop3A_196 = tpu.vector_load_idx %arg6[%parallel_loop3A_195] : memref<65536xf32, #tpu.memory_space<vmem>>[vector<16xi32>], vector<16xf32>,
      %parallel_loop3A_197 = arith.constant 16 : i32
      %parallel_loop3A_198 = arith.muli %parallel_loop3A_5, %parallel_loop3A_197 : i32
      %parallel_loop3A_199 = arith.constant 18 : i32
      %parallel_loop3A_200 = arith.index_cast %parallel_loop3A_199 : i32 to index
      %parallel_loop3A_201 = arith.index_cast %parallel_loop3A_198 : i32 to index
      %parallel_loop3A_202 = tpu.vector_load %arg7[%parallel_loop3A_200, %parallel_loop3A_201] {strides = array<i32>} : memref<64x576xf32, #tpu.memory_space<vmem>>, vector<16xf32>,
      tpu.vector_store %arg7[%parallel_loop3A_200, %parallel_loop3A_201], %parallel_loop3A_196 {strides = array<i32>} : memref<64x576xf32, #tpu.memory_space<vmem>>, vector<16xf32>,
      %parallel_loop3A_203 = arith.constant 19 : i32
      %parallel_loop3A_204 = vector.broadcast %parallel_loop3A_203 : i32 to vector<16xi32>
      %parallel_loop3A_205 = arith.addi %parallel_loop3A_12, %parallel_loop3A_204 : vector<16xi32>
      %parallel_loop3A_206 = tpu.vector_load_idx %arg6[%parallel_loop3A_205] : memref<65536xf32, #tpu.memory_space<vmem>>[vector<16xi32>], vector<16xf32>,
      %parallel_loop3A_207 = arith.constant 16 : i32
      %parallel_loop3A_208 = arith.muli %parallel_loop3A_5, %parallel_loop3A_207 : i32
      %parallel_loop3A_209 = arith.constant 19 : i32
      %parallel_loop3A_210 = arith.index_cast %parallel_loop3A_209 : i32 to index
      %parallel_loop3A_211 = arith.index_cast %parallel_loop3A_208 : i32 to index
      %parallel_loop3A_212 = tpu.vector_load %arg7[%parallel_loop3A_210, %parallel_loop3A_211] {strides = array<i32>} : memref<64x576xf32, #tpu.memory_space<vmem>>, vector<16xf32>,
      tpu.vector_store %arg7[%parallel_loop3A_210, %parallel_loop3A_211], %parallel_loop3A_206 {strides = array<i32>} : memref<64x576xf32, #tpu.memory_space<vmem>>, vector<16xf32>,
      %parallel_loop3A_213 = arith.constant 20 : i32
      %parallel_loop3A_214 = vector.broadcast %parallel_loop3A_213 : i32 to vector<16xi32>
      %parallel_loop3A_215 = arith.addi %parallel_loop3A_12, %parallel_loop3A_214 : vector<16xi32>
      %parallel_loop3A_216 = tpu.vector_load_idx %arg6[%parallel_loop3A_215] : memref<65536xf32, #tpu.memory_space<vmem>>[vector<16xi32>], vector<16xf32>,
      %parallel_loop3A_217 = arith.constant 16 : i32
      %parallel_loop3A_218 = arith.muli %parallel_loop3A_5, %parallel_loop3A_217 : i32
      %parallel_loop3A_219 = arith.constant 20 : i32
      %parallel_loop3A_220 = arith.index_cast %parallel_loop3A_219 : i32 to index
      %parallel_loop3A_221 = arith.index_cast %parallel_loop3A_218 : i32 to index
      %parallel_loop3A_222 = tpu.vector_load %arg7[%parallel_loop3A_220, %parallel_loop3A_221] {strides = array<i32>} : memref<64x576xf32, #tpu.memory_space<vmem>>, vector<16xf32>,
      tpu.vector_store %arg7[%parallel_loop3A_220, %parallel_loop3A_221], %parallel_loop3A_216 {strides = array<i32>} : memref<64x576xf32, #tpu.memory_space<vmem>>, vector<16xf32>,
      %parallel_loop3A_223 = arith.constant 21 : i32
      %parallel_loop3A_224 = vector.broadcast %parallel_loop3A_223 : i32 to vector<16xi32>
      %parallel_loop3A_225 = arith.addi %parallel_loop3A_12, %parallel_loop3A_224 : vector<16xi32>
      %parallel_loop3A_226 = tpu.vector_load_idx %arg6[%parallel_loop3A_225] : memref<65536xf32, #tpu.memory_space<vmem>>[vector<16xi32>], vector<16xf32>,
      %parallel_loop3A_227 = arith.constant 16 : i32
      %parallel_loop3A_228 = arith.muli %parallel_loop3A_5, %parallel_loop3A_227 : i32
      %parallel_loop3A_229 = arith.constant 21 : i32
      %parallel_loop3A_230 = arith.index_cast %parallel_loop3A_229 : i32 to index
      %parallel_loop3A_231 = arith.index_cast %parallel_loop3A_228 : i32 to index
      %parallel_loop3A_232 = tpu.vector_load %arg7[%parallel_loop3A_230, %parallel_loop3A_231] {strides = array<i32>} : memref<64x576xf32, #tpu.memory_space<vmem>>, vector<16xf32>,
      tpu.vector_store %arg7[%parallel_loop3A_230, %parallel_loop3A_231], %parallel_loop3A_226 {strides = array<i32>} : memref<64x576xf32, #tpu.memory_space<vmem>>, vector<16xf32>,
      %parallel_loop3A_233 = arith.constant 22 : i32
      %parallel_loop3A_234 = vector.broadcast %parallel_loop3A_233 : i32 to vector<16xi32>
      %parallel_loop3A_235 = arith.addi %parallel_loop3A_12, %parallel_loop3A_234 : vector<16xi32>
      %parallel_loop3A_236 = tpu.vector_load_idx %arg6[%parallel_loop3A_235] : memref<65536xf32, #tpu.memory_space<vmem>>[vector<16xi32>], vector<16xf32>,
      %parallel_loop3A_237 = arith.constant 16 : i32
      %parallel_loop3A_238 = arith.muli %parallel_loop3A_5, %parallel_loop3A_237 : i32
      %parallel_loop3A_239 = arith.constant 22 : i32
      %parallel_loop3A_240 = arith.index_cast %parallel_loop3A_239 : i32 to index
      %parallel_loop3A_241 = arith.index_cast %parallel_loop3A_238 : i32 to index
      %parallel_loop3A_242 = tpu.vector_load %arg7[%parallel_loop3A_240, %parallel_loop3A_241] {strides = array<i32>} : memref<64x576xf32, #tpu.memory_space<vmem>>, vector<16xf32>,
      tpu.vector_store %arg7[%parallel_loop3A_240, %parallel_loop3A_241], %parallel_loop3A_236 {strides = array<i32>} : memref<64x576xf32, #tpu.memory_space<vmem>>, vector<16xf32>,
      %parallel_loop3A_243 = arith.constant 23 : i32
      %parallel_loop3A_244 = vector.broadcast %parallel_loop3A_243 : i32 to vector<16xi32>
      %parallel_loop3A_245 = arith.addi %parallel_loop3A_12, %parallel_loop3A_244 : vector<16xi32>
      %parallel_loop3A_246 = tpu.vector_load_idx %arg6[%parallel_loop3A_245] : memref<65536xf32, #tpu.memory_space<vmem>>[vector<16xi32>], vector<16xf32>,
      %parallel_loop3A_247 = arith.constant 16 : i32
      %parallel_loop3A_248 = arith.muli %parallel_loop3A_5, %parallel_loop3A_247 : i32
      %parallel_loop3A_249 = arith.constant 23 : i32
      %parallel_loop3A_250 = arith.index_cast %parallel_loop3A_249 : i32 to index
      %parallel_loop3A_251 = arith.index_cast %parallel_loop3A_248 : i32 to index
      %parallel_loop3A_252 = tpu.vector_load %arg7[%parallel_loop3A_250, %parallel_loop3A_251] {strides = array<i32>} : memref<64x576xf32, #tpu.memory_space<vmem>>, vector<16xf32>,
      tpu.vector_store %arg7[%parallel_loop3A_250, %parallel_loop3A_251], %parallel_loop3A_246 {strides = array<i32>} : memref<64x576xf32, #tpu.memory_space<vmem>>, vector<16xf32>,
      %parallel_loop3A_253 = arith.constant 24 : i32
      %parallel_loop3A_254 = vector.broadcast %parallel_loop3A_253 : i32 to vector<16xi32>
      %parallel_loop3A_255 = arith.addi %parallel_loop3A_12, %parallel_loop3A_254 : vector<16xi32>
      %parallel_loop3A_256 = tpu.vector_load_idx %arg6[%parallel_loop3A_255] : memref<65536xf32, #tpu.memory_space<vmem>>[vector<16xi32>], vector<16xf32>,
      %parallel_loop3A_257 = arith.constant 16 : i32
      %parallel_loop3A_258 = arith.muli %parallel_loop3A_5, %parallel_loop3A_257 : i32
      %parallel_loop3A_259 = arith.constant 24 : i32
      %parallel_loop3A_260 = arith.index_cast %parallel_loop3A_259 : i32 to index
      %parallel_loop3A_261 = arith.index_cast %parallel_loop3A_258 : i32 to index
      %parallel_loop3A_262 = tpu.vector_load %arg7[%parallel_loop3A_260, %parallel_loop3A_261] {strides = array<i32>} : memref<64x576xf32, #tpu.memory_space<vmem>>, vector<16xf32>,
      tpu.vector_store %arg7[%parallel_loop3A_260, %parallel_loop3A_261], %parallel_loop3A_256 {strides = array<i32>} : memref<64x576xf32, #tpu.memory_space<vmem>>, vector<16xf32>,
      %parallel_loop3A_263 = arith.constant 25 : i32
      %parallel_loop3A_264 = vector.broadcast %parallel_loop3A_263 : i32 to vector<16xi32>
      %parallel_loop3A_265 = arith.addi %parallel_loop3A_12, %parallel_loop3A_264 : vector<16xi32>
      %parallel_loop3A_266 = tpu.vector_load_idx %arg6[%parallel_loop3A_265] : memref<65536xf32, #tpu.memory_space<vmem>>[vector<16xi32>], vector<16xf32>,
      %parallel_loop3A_267 = arith.constant 16 : i32
      %parallel_loop3A_268 = arith.muli %parallel_loop3A_5, %parallel_loop3A_267 : i32
      %parallel_loop3A_269 = arith.constant 25 : i32
      %parallel_loop3A_270 = arith.index_cast %parallel_loop3A_269 : i32 to index
      %parallel_loop3A_271 = arith.index_cast %parallel_loop3A_268 : i32 to index
      %parallel_loop3A_272 = tpu.vector_load %arg7[%parallel_loop3A_270, %parallel_loop3A_271] {strides = array<i32>} : memref<64x576xf32, #tpu.memory_space<vmem>>, vector<16xf32>,
      tpu.vector_store %arg7[%parallel_loop3A_270, %parallel_loop3A_271], %parallel_loop3A_266 {strides = array<i32>} : memref<64x576xf32, #tpu.memory_space<vmem>>, vector<16xf32>,
      %parallel_loop3A_273 = arith.constant 26 : i32
      %parallel_loop3A_274 = vector.broadcast %parallel_loop3A_273 : i32 to vector<16xi32>
      %parallel_loop3A_275 = arith.addi %parallel_loop3A_12, %parallel_loop3A_274 : vector<16xi32>
      %parallel_loop3A_276 = tpu.vector_load_idx %arg6[%parallel_loop3A_275] : memref<65536xf32, #tpu.memory_space<vmem>>[vector<16xi32>], vector<16xf32>,
      %parallel_loop3A_277 = arith.constant 16 : i32
      %parallel_loop3A_278 = arith.muli %parallel_loop3A_5, %parallel_loop3A_277 : i32
      %parallel_loop3A_279 = arith.constant 26 : i32
      %parallel_loop3A_280 = arith.index_cast %parallel_loop3A_279 : i32 to index
      %parallel_loop3A_281 = arith.index_cast %parallel_loop3A_278 : i32 to index
      %parallel_loop3A_282 = tpu.vector_load %arg7[%parallel_loop3A_280, %parallel_loop3A_281] {strides = array<i32>} : memref<64x576xf32, #tpu.memory_space<vmem>>, vector<16xf32>,
      tpu.vector_store %arg7[%parallel_loop3A_280, %parallel_loop3A_281], %parallel_loop3A_276 {strides = array<i32>} : memref<64x576xf32, #tpu.memory_space<vmem>>, vector<16xf32>,
      %parallel_loop3A_283 = arith.constant 27 : i32
      %parallel_loop3A_284 = vector.broadcast %parallel_loop3A_283 : i32 to vector<16xi32>
      %parallel_loop3A_285 = arith.addi %parallel_loop3A_12, %parallel_loop3A_284 : vector<16xi32>
      %parallel_loop3A_286 = tpu.vector_load_idx %arg6[%parallel_loop3A_285] : memref<65536xf32, #tpu.memory_space<vmem>>[vector<16xi32>], vector<16xf32>,
      %parallel_loop3A_287 = arith.constant 16 : i32
      %parallel_loop3A_288 = arith.muli %parallel_loop3A_5, %parallel_loop3A_287 : i32
      %parallel_loop3A_289 = arith.constant 27 : i32
      %parallel_loop3A_290 = arith.index_cast %parallel_loop3A_289 : i32 to index
      %parallel_loop3A_291 = arith.index_cast %parallel_loop3A_288 : i32 to index
      %parallel_loop3A_292 = tpu.vector_load %arg7[%parallel_loop3A_290, %parallel_loop3A_291] {strides = array<i32>} : memref<64x576xf32, #tpu.memory_space<vmem>>, vector<16xf32>,
      tpu.vector_store %arg7[%parallel_loop3A_290, %parallel_loop3A_291], %parallel_loop3A_286 {strides = array<i32>} : memref<64x576xf32, #tpu.memory_space<vmem>>, vector<16xf32>,
      %parallel_loop3A_293 = arith.constant 28 : i32
      %parallel_loop3A_294 = vector.broadcast %parallel_loop3A_293 : i32 to vector<16xi32>
      %parallel_loop3A_295 = arith.addi %parallel_loop3A_12, %parallel_loop3A_294 : vector<16xi32>
      %parallel_loop3A_296 = tpu.vector_load_idx %arg6[%parallel_loop3A_295] : memref<65536xf32, #tpu.memory_space<vmem>>[vector<16xi32>], vector<16xf32>,
      %parallel_loop3A_297 = arith.constant 16 : i32
      %parallel_loop3A_298 = arith.muli %parallel_loop3A_5, %parallel_loop3A_297 : i32
      %parallel_loop3A_299 = arith.constant 28 : i32
      %parallel_loop3A_300 = arith.index_cast %parallel_loop3A_299 : i32 to index
      %parallel_loop3A_301 = arith.index_cast %parallel_loop3A_298 : i32 to index
      %parallel_loop3A_302 = tpu.vector_load %arg7[%parallel_loop3A_300, %parallel_loop3A_301] {strides = array<i32>} : memref<64x576xf32, #tpu.memory_space<vmem>>, vector<16xf32>,
      tpu.vector_store %arg7[%parallel_loop3A_300, %parallel_loop3A_301], %parallel_loop3A_296 {strides = array<i32>} : memref<64x576xf32, #tpu.memory_space<vmem>>, vector<16xf32>,
      %parallel_loop3A_303 = arith.constant 29 : i32
      %parallel_loop3A_304 = vector.broadcast %parallel_loop3A_303 : i32 to vector<16xi32>
      %parallel_loop3A_305 = arith.addi %parallel_loop3A_12, %parallel_loop3A_304 : vector<16xi32>
      %parallel_loop3A_306 = tpu.vector_load_idx %arg6[%parallel_loop3A_305] : memref<65536xf32, #tpu.memory_space<vmem>>[vector<16xi32>], vector<16xf32>,
      %parallel_loop3A_307 = arith.constant 16 : i32
      %parallel_loop3A_308 = arith.muli %parallel_loop3A_5, %parallel_loop3A_307 : i32
      %parallel_loop3A_309 = arith.constant 29 : i32
      %parallel_loop3A_310 = arith.index_cast %parallel_loop3A_309 : i32 to index
      %parallel_loop3A_311 = arith.index_cast %parallel_loop3A_308 : i32 to index
      %parallel_loop3A_312 = tpu.vector_load %arg7[%parallel_loop3A_310, %parallel_loop3A_311] {strides = array<i32>} : memref<64x576xf32, #tpu.memory_space<vmem>>, vector<16xf32>,
      tpu.vector_store %arg7[%parallel_loop3A_310, %parallel_loop3A_311], %parallel_loop3A_306 {strides = array<i32>} : memref<64x576xf32, #tpu.memory_space<vmem>>, vector<16xf32>,
      %parallel_loop3A_313 = arith.constant 30 : i32
      %parallel_loop3A_314 = vector.broadcast %parallel_loop3A_313 : i32 to vector<16xi32>
      %parallel_loop3A_315 = arith.addi %parallel_loop3A_12, %parallel_loop3A_314 : vector<16xi32>
      %parallel_loop3A_316 = tpu.vector_load_idx %arg6[%parallel_loop3A_315] : memref<65536xf32, #tpu.memory_space<vmem>>[vector<16xi32>], vector<16xf32>,
      %parallel_loop3A_317 = arith.constant 16 : i32
      %parallel_loop3A_318 = arith.muli %parallel_loop3A_5, %parallel_loop3A_317 : i32
      %parallel_loop3A_319 = arith.constant 30 : i32
      %parallel_loop3A_320 = arith.index_cast %parallel_loop3A_319 : i32 to index
      %parallel_loop3A_321 = arith.index_cast %parallel_loop3A_318 : i32 to index
      %parallel_loop3A_322 = tpu.vector_load %arg7[%parallel_loop3A_320, %parallel_loop3A_321] {strides = array<i32>} : memref<64x576xf32, #tpu.memory_space<vmem>>, vector<16xf32>,
      tpu.vector_store %arg7[%parallel_loop3A_320, %parallel_loop3A_321], %parallel_loop3A_316 {strides = array<i32>} : memref<64x576xf32, #tpu.memory_space<vmem>>, vector<16xf32>,
      %parallel_loop3A_323 = arith.constant 31 : i32
      %parallel_loop3A_324 = vector.broadcast %parallel_loop3A_323 : i32 to vector<16xi32>
      %parallel_loop3A_325 = arith.addi %parallel_loop3A_12, %parallel_loop3A_324 : vector<16xi32>
      %parallel_loop3A_326 = tpu.vector_load_idx %arg6[%parallel_loop3A_325] : memref<65536xf32, #tpu.memory_space<vmem>>[vector<16xi32>], vector<16xf32>,
      %parallel_loop3A_327 = arith.constant 16 : i32
      %parallel_loop3A_328 = arith.muli %parallel_loop3A_5, %parallel_loop3A_327 : i32
      %parallel_loop3A_329 = arith.constant 31 : i32
      %parallel_loop3A_330 = arith.index_cast %parallel_loop3A_329 : i32 to index
      %parallel_loop3A_331 = arith.index_cast %parallel_loop3A_328 : i32 to index
      %parallel_loop3A_332 = tpu.vector_load %arg7[%parallel_loop3A_330, %parallel_loop3A_331] {strides = array<i32>} : memref<64x576xf32, #tpu.memory_space<vmem>>, vector<16xf32>,
      tpu.vector_store %arg7[%parallel_loop3A_330, %parallel_loop3A_331], %parallel_loop3A_326 {strides = array<i32>} : memref<64x576xf32, #tpu.memory_space<vmem>>, vector<16xf32>,
      %parallel_loop3A_333 = arith.constant 32 : i32
      %parallel_loop3A_334 = vector.broadcast %parallel_loop3A_333 : i32 to vector<16xi32>
      %parallel_loop3A_335 = arith.addi %parallel_loop3A_12, %parallel_loop3A_334 : vector<16xi32>
      %parallel_loop3A_336 = tpu.vector_load_idx %arg6[%parallel_loop3A_335] : memref<65536xf32, #tpu.memory_space<vmem>>[vector<16xi32>], vector<16xf32>,
      %parallel_loop3A_337 = arith.constant 16 : i32
      %parallel_loop3A_338 = arith.muli %parallel_loop3A_5, %parallel_loop3A_337 : i32
      %parallel_loop3A_339 = arith.constant 32 : i32
      %parallel_loop3A_340 = arith.index_cast %parallel_loop3A_339 : i32 to index
      %parallel_loop3A_341 = arith.index_cast %parallel_loop3A_338 : i32 to index
      %parallel_loop3A_342 = tpu.vector_load %arg7[%parallel_loop3A_340, %parallel_loop3A_341] {strides = array<i32>} : memref<64x576xf32, #tpu.memory_space<vmem>>, vector<16xf32>,
      tpu.vector_store %arg7[%parallel_loop3A_340, %parallel_loop3A_341], %parallel_loop3A_336 {strides = array<i32>} : memref<64x576xf32, #tpu.memory_space<vmem>>, vector<16xf32>,
      %parallel_loop3A_343 = arith.constant 33 : i32
      %parallel_loop3A_344 = vector.broadcast %parallel_loop3A_343 : i32 to vector<16xi32>
      %parallel_loop3A_345 = arith.addi %parallel_loop3A_12, %parallel_loop3A_344 : vector<16xi32>
      %parallel_loop3A_346 = tpu.vector_load_idx %arg6[%parallel_loop3A_345] : memref<65536xf32, #tpu.memory_space<vmem>>[vector<16xi32>], vector<16xf32>,
      %parallel_loop3A_347 = arith.constant 16 : i32
      %parallel_loop3A_348 = arith.muli %parallel_loop3A_5, %parallel_loop3A_347 : i32
      %parallel_loop3A_349 = arith.constant 33 : i32
      %parallel_loop3A_350 = arith.index_cast %parallel_loop3A_349 : i32 to index
      %parallel_loop3A_351 = arith.index_cast %parallel_loop3A_348 : i32 to index
      %parallel_loop3A_352 = tpu.vector_load %arg7[%parallel_loop3A_350, %parallel_loop3A_351] {strides = array<i32>} : memref<64x576xf32, #tpu.memory_space<vmem>>, vector<16xf32>,
      tpu.vector_store %arg7[%parallel_loop3A_350, %parallel_loop3A_351], %parallel_loop3A_346 {strides = array<i32>} : memref<64x576xf32, #tpu.memory_space<vmem>>, vector<16xf32>,
      %parallel_loop3A_353 = arith.constant 34 : i32
      %parallel_loop3A_354 = vector.broadcast %parallel_loop3A_353 : i32 to vector<16xi32>
      %parallel_loop3A_355 = arith.addi %parallel_loop3A_12, %parallel_loop3A_354 : vector<16xi32>
      %parallel_loop3A_356 = tpu.vector_load_idx %arg6[%parallel_loop3A_355] : memref<65536xf32, #tpu.memory_space<vmem>>[vector<16xi32>], vector<16xf32>,
      %parallel_loop3A_357 = arith.constant 16 : i32
      %parallel_loop3A_358 = arith.muli %parallel_loop3A_5, %parallel_loop3A_357 : i32
      %parallel_loop3A_359 = arith.constant 34 : i32
      %parallel_loop3A_360 = arith.index_cast %parallel_loop3A_359 : i32 to index
      %parallel_loop3A_361 = arith.index_cast %parallel_loop3A_358 : i32 to index
      %parallel_loop3A_362 = tpu.vector_load %arg7[%parallel_loop3A_360, %parallel_loop3A_361] {strides = array<i32>} : memref<64x576xf32, #tpu.memory_space<vmem>>, vector<16xf32>,
      tpu.vector_store %arg7[%parallel_loop3A_360, %parallel_loop3A_361], %parallel_loop3A_356 {strides = array<i32>} : memref<64x576xf32, #tpu.memory_space<vmem>>, vector<16xf32>,
      %parallel_loop3A_363 = arith.constant 35 : i32
      %parallel_loop3A_364 = vector.broadcast %parallel_loop3A_363 : i32 to vector<16xi32>
      %parallel_loop3A_365 = arith.addi %parallel_loop3A_12, %parallel_loop3A_364 : vector<16xi32>
      %parallel_loop3A_366 = tpu.vector_load_idx %arg6[%parallel_loop3A_365] : memref<65536xf32, #tpu.memory_space<vmem>>[vector<16xi32>], vector<16xf32>,
      %parallel_loop3A_367 = arith.constant 16 : i32
      %parallel_loop3A_368 = arith.muli %parallel_loop3A_5, %parallel_loop3A_367 : i32
      %parallel_loop3A_369 = arith.constant 35 : i32
      %parallel_loop3A_370 = arith.index_cast %parallel_loop3A_369 : i32 to index
      %parallel_loop3A_371 = arith.index_cast %parallel_loop3A_368 : i32 to index
      %parallel_loop3A_372 = tpu.vector_load %arg7[%parallel_loop3A_370, %parallel_loop3A_371] {strides = array<i32>} : memref<64x576xf32, #tpu.memory_space<vmem>>, vector<16xf32>,
      tpu.vector_store %arg7[%parallel_loop3A_370, %parallel_loop3A_371], %parallel_loop3A_366 {strides = array<i32>} : memref<64x576xf32, #tpu.memory_space<vmem>>, vector<16xf32>,
      %parallel_loop3A_373 = arith.constant 36 : i32
      %parallel_loop3A_374 = vector.broadcast %parallel_loop3A_373 : i32 to vector<16xi32>
      %parallel_loop3A_375 = arith.addi %parallel_loop3A_12, %parallel_loop3A_374 : vector<16xi32>
      %parallel_loop3A_376 = tpu.vector_load_idx %arg6[%parallel_loop3A_375] : memref<65536xf32, #tpu.memory_space<vmem>>[vector<16xi32>], vector<16xf32>,
      %parallel_loop3A_377 = arith.constant 16 : i32
      %parallel_loop3A_378 = arith.muli %parallel_loop3A_5, %parallel_loop3A_377 : i32
      %parallel_loop3A_379 = arith.constant 36 : i32
      %parallel_loop3A_380 = arith.index_cast %parallel_loop3A_379 : i32 to index
      %parallel_loop3A_381 = arith.index_cast %parallel_loop3A_378 : i32 to index
      %parallel_loop3A_382 = tpu.vector_load %arg7[%parallel_loop3A_380, %parallel_loop3A_381] {strides = array<i32>} : memref<64x576xf32, #tpu.memory_space<vmem>>, vector<16xf32>,
      tpu.vector_store %arg7[%parallel_loop3A_380, %parallel_loop3A_381], %parallel_loop3A_376 {strides = array<i32>} : memref<64x576xf32, #tpu.memory_space<vmem>>, vector<16xf32>,
      %parallel_loop3A_383 = arith.constant 37 : i32
      %parallel_loop3A_384 = vector.broadcast %parallel_loop3A_383 : i32 to vector<16xi32>
      %parallel_loop3A_385 = arith.addi %parallel_loop3A_12, %parallel_loop3A_384 : vector<16xi32>
      %parallel_loop3A_386 = tpu.vector_load_idx %arg6[%parallel_loop3A_385] : memref<65536xf32, #tpu.memory_space<vmem>>[vector<16xi32>], vector<16xf32>,
      %parallel_loop3A_387 = arith.constant 16 : i32
      %parallel_loop3A_388 = arith.muli %parallel_loop3A_5, %parallel_loop3A_387 : i32
      %parallel_loop3A_389 = arith.constant 37 : i32
      %parallel_loop3A_390 = arith.index_cast %parallel_loop3A_389 : i32 to index
      %parallel_loop3A_391 = arith.index_cast %parallel_loop3A_388 : i32 to index
      %parallel_loop3A_392 = tpu.vector_load %arg7[%parallel_loop3A_390, %parallel_loop3A_391] {strides = array<i32>} : memref<64x576xf32, #tpu.memory_space<vmem>>, vector<16xf32>,
      tpu.vector_store %arg7[%parallel_loop3A_390, %parallel_loop3A_391], %parallel_loop3A_386 {strides = array<i32>} : memref<64x576xf32, #tpu.memory_space<vmem>>, vector<16xf32>,
      %parallel_loop3A_393 = arith.constant 38 : i32
      %parallel_loop3A_394 = vector.broadcast %parallel_loop3A_393 : i32 to vector<16xi32>
      %parallel_loop3A_395 = arith.addi %parallel_loop3A_12, %parallel_loop3A_394 : vector<16xi32>
      %parallel_loop3A_396 = tpu.vector_load_idx %arg6[%parallel_loop3A_395] : memref<65536xf32, #tpu.memory_space<vmem>>[vector<16xi32>], vector<16xf32>,
      %parallel_loop3A_397 = arith.constant 16 : i32
      %parallel_loop3A_398 = arith.muli %parallel_loop3A_5, %parallel_loop3A_397 : i32
      %parallel_loop3A_399 = arith.constant 38 : i32
      %parallel_loop3A_400 = arith.index_cast %parallel_loop3A_399 : i32 to index
      %parallel_loop3A_401 = arith.index_cast %parallel_loop3A_398 : i32 to index
      %parallel_loop3A_402 = tpu.vector_load %arg7[%parallel_loop3A_400, %parallel_loop3A_401] {strides = array<i32>} : memref<64x576xf32, #tpu.memory_space<vmem>>, vector<16xf32>,
      tpu.vector_store %arg7[%parallel_loop3A_400, %parallel_loop3A_401], %parallel_loop3A_396 {strides = array<i32>} : memref<64x576xf32, #tpu.memory_space<vmem>>, vector<16xf32>,
      %parallel_loop3A_403 = arith.constant 39 : i32
      %parallel_loop3A_404 = vector.broadcast %parallel_loop3A_403 : i32 to vector<16xi32>
      %parallel_loop3A_405 = arith.addi %parallel_loop3A_12, %parallel_loop3A_404 : vector<16xi32>
      %parallel_loop3A_406 = tpu.vector_load_idx %arg6[%parallel_loop3A_405] : memref<65536xf32, #tpu.memory_space<vmem>>[vector<16xi32>], vector<16xf32>,
      %parallel_loop3A_407 = arith.constant 16 : i32
      %parallel_loop3A_408 = arith.muli %parallel_loop3A_5, %parallel_loop3A_407 : i32
      %parallel_loop3A_409 = arith.constant 39 : i32
      %parallel_loop3A_410 = arith.index_cast %parallel_loop3A_409 : i32 to index
      %parallel_loop3A_411 = arith.index_cast %parallel_loop3A_408 : i32 to index
      %parallel_loop3A_412 = tpu.vector_load %arg7[%parallel_loop3A_410, %parallel_loop3A_411] {strides = array<i32>} : memref<64x576xf32, #tpu.memory_space<vmem>>, vector<16xf32>,
      tpu.vector_store %arg7[%parallel_loop3A_410, %parallel_loop3A_411], %parallel_loop3A_406 {strides = array<i32>} : memref<64x576xf32, #tpu.memory_space<vmem>>, vector<16xf32>,
      %parallel_loop3A_413 = arith.constant 40 : i32
      %parallel_loop3A_414 = vector.broadcast %parallel_loop3A_413 : i32 to vector<16xi32>
      %parallel_loop3A_415 = arith.addi %parallel_loop3A_12, %parallel_loop3A_414 : vector<16xi32>
      %parallel_loop3A_416 = tpu.vector_load_idx %arg6[%parallel_loop3A_415] : memref<65536xf32, #tpu.memory_space<vmem>>[vector<16xi32>], vector<16xf32>,
      %parallel_loop3A_417 = arith.constant 16 : i32
      %parallel_loop3A_418 = arith.muli %parallel_loop3A_5, %parallel_loop3A_417 : i32
      %parallel_loop3A_419 = arith.constant 40 : i32
      %parallel_loop3A_420 = arith.index_cast %parallel_loop3A_419 : i32 to index
      %parallel_loop3A_421 = arith.index_cast %parallel_loop3A_418 : i32 to index
      %parallel_loop3A_422 = tpu.vector_load %arg7[%parallel_loop3A_420, %parallel_loop3A_421] {strides = array<i32>} : memref<64x576xf32, #tpu.memory_space<vmem>>, vector<16xf32>,
      tpu.vector_store %arg7[%parallel_loop3A_420, %parallel_loop3A_421], %parallel_loop3A_416 {strides = array<i32>} : memref<64x576xf32, #tpu.memory_space<vmem>>, vector<16xf32>,
      %parallel_loop3A_423 = arith.constant 41 : i32
      %parallel_loop3A_424 = vector.broadcast %parallel_loop3A_423 : i32 to vector<16xi32>
      %parallel_loop3A_425 = arith.addi %parallel_loop3A_12, %parallel_loop3A_424 : vector<16xi32>
      %parallel_loop3A_426 = tpu.vector_load_idx %arg6[%parallel_loop3A_425] : memref<65536xf32, #tpu.memory_space<vmem>>[vector<16xi32>], vector<16xf32>,
      %parallel_loop3A_427 = arith.constant 16 : i32
      %parallel_loop3A_428 = arith.muli %parallel_loop3A_5, %parallel_loop3A_427 : i32
      %parallel_loop3A_429 = arith.constant 41 : i32
      %parallel_loop3A_430 = arith.index_cast %parallel_loop3A_429 : i32 to index
      %parallel_loop3A_431 = arith.index_cast %parallel_loop3A_428 : i32 to index
      %parallel_loop3A_432 = tpu.vector_load %arg7[%parallel_loop3A_430, %parallel_loop3A_431] {strides = array<i32>} : memref<64x576xf32, #tpu.memory_space<vmem>>, vector<16xf32>,
      tpu.vector_store %arg7[%parallel_loop3A_430, %parallel_loop3A_431], %parallel_loop3A_426 {strides = array<i32>} : memref<64x576xf32, #tpu.memory_space<vmem>>, vector<16xf32>,
      %parallel_loop3A_433 = arith.constant 42 : i32
      %parallel_loop3A_434 = vector.broadcast %parallel_loop3A_433 : i32 to vector<16xi32>
      %parallel_loop3A_435 = arith.addi %parallel_loop3A_12, %parallel_loop3A_434 : vector<16xi32>
      %parallel_loop3A_436 = tpu.vector_load_idx %arg6[%parallel_loop3A_435] : memref<65536xf32, #tpu.memory_space<vmem>>[vector<16xi32>], vector<16xf32>,
      %parallel_loop3A_437 = arith.constant 16 : i32
      %parallel_loop3A_438 = arith.muli %parallel_loop3A_5, %parallel_loop3A_437 : i32
      %parallel_loop3A_439 = arith.constant 42 : i32
      %parallel_loop3A_440 = arith.index_cast %parallel_loop3A_439 : i32 to index
      %parallel_loop3A_441 = arith.index_cast %parallel_loop3A_438 : i32 to index
      %parallel_loop3A_442 = tpu.vector_load %arg7[%parallel_loop3A_440, %parallel_loop3A_441] {strides = array<i32>} : memref<64x576xf32, #tpu.memory_space<vmem>>, vector<16xf32>,
      tpu.vector_store %arg7[%parallel_loop3A_440, %parallel_loop3A_441], %parallel_loop3A_436 {strides = array<i32>} : memref<64x576xf32, #tpu.memory_space<vmem>>, vector<16xf32>,
      %parallel_loop3A_443 = arith.constant 43 : i32
      %parallel_loop3A_444 = vector.broadcast %parallel_loop3A_443 : i32 to vector<16xi32>
      %parallel_loop3A_445 = arith.addi %parallel_loop3A_12, %parallel_loop3A_444 : vector<16xi32>
      %parallel_loop3A_446 = tpu.vector_load_idx %arg6[%parallel_loop3A_445] : memref<65536xf32, #tpu.memory_space<vmem>>[vector<16xi32>], vector<16xf32>,
      %parallel_loop3A_447 = arith.constant 16 : i32
      %parallel_loop3A_448 = arith.muli %parallel_loop3A_5, %parallel_loop3A_447 : i32
      %parallel_loop3A_449 = arith.constant 43 : i32
      %parallel_loop3A_450 = arith.index_cast %parallel_loop3A_449 : i32 to index
      %parallel_loop3A_451 = arith.index_cast %parallel_loop3A_448 : i32 to index
      %parallel_loop3A_452 = tpu.vector_load %arg7[%parallel_loop3A_450, %parallel_loop3A_451] {strides = array<i32>} : memref<64x576xf32, #tpu.memory_space<vmem>>, vector<16xf32>,
      tpu.vector_store %arg7[%parallel_loop3A_450, %parallel_loop3A_451], %parallel_loop3A_446 {strides = array<i32>} : memref<64x576xf32, #tpu.memory_space<vmem>>, vector<16xf32>,
      %parallel_loop3A_453 = arith.constant 44 : i32
      %parallel_loop3A_454 = vector.broadcast %parallel_loop3A_453 : i32 to vector<16xi32>
      %parallel_loop3A_455 = arith.addi %parallel_loop3A_12, %parallel_loop3A_454 : vector<16xi32>
      %parallel_loop3A_456 = tpu.vector_load_idx %arg6[%parallel_loop3A_455] : memref<65536xf32, #tpu.memory_space<vmem>>[vector<16xi32>], vector<16xf32>,
      %parallel_loop3A_457 = arith.constant 16 : i32
      %parallel_loop3A_458 = arith.muli %parallel_loop3A_5, %parallel_loop3A_457 : i32
      %parallel_loop3A_459 = arith.constant 44 : i32
      %parallel_loop3A_460 = arith.index_cast %parallel_loop3A_459 : i32 to index
      %parallel_loop3A_461 = arith.index_cast %parallel_loop3A_458 : i32 to index
      %parallel_loop3A_462 = tpu.vector_load %arg7[%parallel_loop3A_460, %parallel_loop3A_461] {strides = array<i32>} : memref<64x576xf32, #tpu.memory_space<vmem>>, vector<16xf32>,
      tpu.vector_store %arg7[%parallel_loop3A_460, %parallel_loop3A_461], %parallel_loop3A_456 {strides = array<i32>} : memref<64x576xf32, #tpu.memory_space<vmem>>, vector<16xf32>,
      %parallel_loop3A_463 = arith.constant 45 : i32
      %parallel_loop3A_464 = vector.broadcast %parallel_loop3A_463 : i32 to vector<16xi32>
      %parallel_loop3A_465 = arith.addi %parallel_loop3A_12, %parallel_loop3A_464 : vector<16xi32>
      %parallel_loop3A_466 = tpu.vector_load_idx %arg6[%parallel_loop3A_465] : memref<65536xf32, #tpu.memory_space<vmem>>[vector<16xi32>], vector<16xf32>,
      %parallel_loop3A_467 = arith.constant 16 : i32
      %parallel_loop3A_468 = arith.muli %parallel_loop3A_5, %parallel_loop3A_467 : i32
      %parallel_loop3A_469 = arith.constant 45 : i32
      %parallel_loop3A_470 = arith.index_cast %parallel_loop3A_469 : i32 to index
      %parallel_loop3A_471 = arith.index_cast %parallel_loop3A_468 : i32 to index
      %parallel_loop3A_472 = tpu.vector_load %arg7[%parallel_loop3A_470, %parallel_loop3A_471] {strides = array<i32>} : memref<64x576xf32, #tpu.memory_space<vmem>>, vector<16xf32>,
      tpu.vector_store %arg7[%parallel_loop3A_470, %parallel_loop3A_471], %parallel_loop3A_466 {strides = array<i32>} : memref<64x576xf32, #tpu.memory_space<vmem>>, vector<16xf32>,
      %parallel_loop3A_473 = arith.constant 46 : i32
      %parallel_loop3A_474 = vector.broadcast %parallel_loop3A_473 : i32 to vector<16xi32>
      %parallel_loop3A_475 = arith.addi %parallel_loop3A_12, %parallel_loop3A_474 : vector<16xi32>
      %parallel_loop3A_476 = tpu.vector_load_idx %arg6[%parallel_loop3A_475] : memref<65536xf32, #tpu.memory_space<vmem>>[vector<16xi32>], vector<16xf32>,
      %parallel_loop3A_477 = arith.constant 16 : i32
      %parallel_loop3A_478 = arith.muli %parallel_loop3A_5, %parallel_loop3A_477 : i32
      %parallel_loop3A_479 = arith.constant 46 : i32
      %parallel_loop3A_480 = arith.index_cast %parallel_loop3A_479 : i32 to index
      %parallel_loop3A_481 = arith.index_cast %parallel_loop3A_478 : i32 to index
      %parallel_loop3A_482 = tpu.vector_load %arg7[%parallel_loop3A_480, %parallel_loop3A_481] {strides = array<i32>} : memref<64x576xf32, #tpu.memory_space<vmem>>, vector<16xf32>,
      tpu.vector_store %arg7[%parallel_loop3A_480, %parallel_loop3A_481], %parallel_loop3A_476 {strides = array<i32>} : memref<64x576xf32, #tpu.memory_space<vmem>>, vector<16xf32>,
      %parallel_loop3A_483 = arith.constant 47 : i32
      %parallel_loop3A_484 = vector.broadcast %parallel_loop3A_483 : i32 to vector<16xi32>
      %parallel_loop3A_485 = arith.addi %parallel_loop3A_12, %parallel_loop3A_484 : vector<16xi32>
      %parallel_loop3A_486 = tpu.vector_load_idx %arg6[%parallel_loop3A_485] : memref<65536xf32, #tpu.memory_space<vmem>>[vector<16xi32>], vector<16xf32>,
      %parallel_loop3A_487 = arith.constant 16 : i32
      %parallel_loop3A_488 = arith.muli %parallel_loop3A_5, %parallel_loop3A_487 : i32
      %parallel_loop3A_489 = arith.constant 47 : i32
      %parallel_loop3A_490 = arith.index_cast %parallel_loop3A_489 : i32 to index
      %parallel_loop3A_491 = arith.index_cast %parallel_loop3A_488 : i32 to index
      %parallel_loop3A_492 = tpu.vector_load %arg7[%parallel_loop3A_490, %parallel_loop3A_491] {strides = array<i32>} : memref<64x576xf32, #tpu.memory_space<vmem>>, vector<16xf32>,
      tpu.vector_store %arg7[%parallel_loop3A_490, %parallel_loop3A_491], %parallel_loop3A_486 {strides = array<i32>} : memref<64x576xf32, #tpu.memory_space<vmem>>, vector<16xf32>,
      %parallel_loop3A_493 = arith.constant 48 : i32
      %parallel_loop3A_494 = vector.broadcast %parallel_loop3A_493 : i32 to vector<16xi32>
      %parallel_loop3A_495 = arith.addi %parallel_loop3A_12, %parallel_loop3A_494 : vector<16xi32>
      %parallel_loop3A_496 = tpu.vector_load_idx %arg6[%parallel_loop3A_495] : memref<65536xf32, #tpu.memory_space<vmem>>[vector<16xi32>], vector<16xf32>,
      %parallel_loop3A_497 = arith.constant 16 : i32
      %parallel_loop3A_498 = arith.muli %parallel_loop3A_5, %parallel_loop3A_497 : i32
      %parallel_loop3A_499 = arith.constant 48 : i32
      %parallel_loop3A_500 = arith.index_cast %parallel_loop3A_499 : i32 to index
      %parallel_loop3A_501 = arith.index_cast %parallel_loop3A_498 : i32 to index
      %parallel_loop3A_502 = tpu.vector_load %arg7[%parallel_loop3A_500, %parallel_loop3A_501] {strides = array<i32>} : memref<64x576xf32, #tpu.memory_space<vmem>>, vector<16xf32>,
      tpu.vector_store %arg7[%parallel_loop3A_500, %parallel_loop3A_501], %parallel_loop3A_496 {strides = array<i32>} : memref<64x576xf32, #tpu.memory_space<vmem>>, vector<16xf32>,
      %parallel_loop3A_503 = arith.constant 49 : i32
      %parallel_loop3A_504 = vector.broadcast %parallel_loop3A_503 : i32 to vector<16xi32>
      %parallel_loop3A_505 = arith.addi %parallel_loop3A_12, %parallel_loop3A_504 : vector<16xi32>
      %parallel_loop3A_506 = tpu.vector_load_idx %arg6[%parallel_loop3A_505] : memref<65536xf32, #tpu.memory_space<vmem>>[vector<16xi32>], vector<16xf32>,
      %parallel_loop3A_507 = arith.constant 16 : i32
      %parallel_loop3A_508 = arith.muli %parallel_loop3A_5, %parallel_loop3A_507 : i32
      %parallel_loop3A_509 = arith.constant 49 : i32
      %parallel_loop3A_510 = arith.index_cast %parallel_loop3A_509 : i32 to index
      %parallel_loop3A_511 = arith.index_cast %parallel_loop3A_508 : i32 to index
      %parallel_loop3A_512 = tpu.vector_load %arg7[%parallel_loop3A_510, %parallel_loop3A_511] {strides = array<i32>} : memref<64x576xf32, #tpu.memory_space<vmem>>, vector<16xf32>,
      tpu.vector_store %arg7[%parallel_loop3A_510, %parallel_loop3A_511], %parallel_loop3A_506 {strides = array<i32>} : memref<64x576xf32, #tpu.memory_space<vmem>>, vector<16xf32>,
      %parallel_loop3A_513 = arith.constant 50 : i32
      %parallel_loop3A_514 = vector.broadcast %parallel_loop3A_513 : i32 to vector<16xi32>
      %parallel_loop3A_515 = arith.addi %parallel_loop3A_12, %parallel_loop3A_514 : vector<16xi32>
      %parallel_loop3A_516 = tpu.vector_load_idx %arg6[%parallel_loop3A_515] : memref<65536xf32, #tpu.memory_space<vmem>>[vector<16xi32>], vector<16xf32>,
      %parallel_loop3A_517 = arith.constant 16 : i32
      %parallel_loop3A_518 = arith.muli %parallel_loop3A_5, %parallel_loop3A_517 : i32
      %parallel_loop3A_519 = arith.constant 50 : i32
      %parallel_loop3A_520 = arith.index_cast %parallel_loop3A_519 : i32 to index
      %parallel_loop3A_521 = arith.index_cast %parallel_loop3A_518 : i32 to index
      %parallel_loop3A_522 = tpu.vector_load %arg7[%parallel_loop3A_520, %parallel_loop3A_521] {strides = array<i32>} : memref<64x576xf32, #tpu.memory_space<vmem>>, vector<16xf32>,
      tpu.vector_store %arg7[%parallel_loop3A_520, %parallel_loop3A_521], %parallel_loop3A_516 {strides = array<i32>} : memref<64x576xf32, #tpu.memory_space<vmem>>, vector<16xf32>,
      %parallel_loop3A_523 = arith.constant 51 : i32
      %parallel_loop3A_524 = vector.broadcast %parallel_loop3A_523 : i32 to vector<16xi32>
      %parallel_loop3A_525 = arith.addi %parallel_loop3A_12, %parallel_loop3A_524 : vector<16xi32>
      %parallel_loop3A_526 = tpu.vector_load_idx %arg6[%parallel_loop3A_525] : memref<65536xf32, #tpu.memory_space<vmem>>[vector<16xi32>], vector<16xf32>,
      %parallel_loop3A_527 = arith.constant 16 : i32
      %parallel_loop3A_528 = arith.muli %parallel_loop3A_5, %parallel_loop3A_527 : i32
      %parallel_loop3A_529 = arith.constant 51 : i32
      %parallel_loop3A_530 = arith.index_cast %parallel_loop3A_529 : i32 to index
      %parallel_loop3A_531 = arith.index_cast %parallel_loop3A_528 : i32 to index
      %parallel_loop3A_532 = tpu.vector_load %arg7[%parallel_loop3A_530, %parallel_loop3A_531] {strides = array<i32>} : memref<64x576xf32, #tpu.memory_space<vmem>>, vector<16xf32>,
      tpu.vector_store %arg7[%parallel_loop3A_530, %parallel_loop3A_531], %parallel_loop3A_526 {strides = array<i32>} : memref<64x576xf32, #tpu.memory_space<vmem>>, vector<16xf32>,
      %parallel_loop3A_533 = arith.constant 52 : i32
      %parallel_loop3A_534 = vector.broadcast %parallel_loop3A_533 : i32 to vector<16xi32>
      %parallel_loop3A_535 = arith.addi %parallel_loop3A_12, %parallel_loop3A_534 : vector<16xi32>
      %parallel_loop3A_536 = tpu.vector_load_idx %arg6[%parallel_loop3A_535] : memref<65536xf32, #tpu.memory_space<vmem>>[vector<16xi32>], vector<16xf32>,
      %parallel_loop3A_537 = arith.constant 16 : i32
      %parallel_loop3A_538 = arith.muli %parallel_loop3A_5, %parallel_loop3A_537 : i32
      %parallel_loop3A_539 = arith.constant 52 : i32
      %parallel_loop3A_540 = arith.index_cast %parallel_loop3A_539 : i32 to index
      %parallel_loop3A_541 = arith.index_cast %parallel_loop3A_538 : i32 to index
      %parallel_loop3A_542 = tpu.vector_load %arg7[%parallel_loop3A_540, %parallel_loop3A_541] {strides = array<i32>} : memref<64x576xf32, #tpu.memory_space<vmem>>, vector<16xf32>,
      tpu.vector_store %arg7[%parallel_loop3A_540, %parallel_loop3A_541], %parallel_loop3A_536 {strides = array<i32>} : memref<64x576xf32, #tpu.memory_space<vmem>>, vector<16xf32>,
      %parallel_loop3A_543 = arith.constant 53 : i32
      %parallel_loop3A_544 = vector.broadcast %parallel_loop3A_543 : i32 to vector<16xi32>
      %parallel_loop3A_545 = arith.addi %parallel_loop3A_12, %parallel_loop3A_544 : vector<16xi32>
      %parallel_loop3A_546 = tpu.vector_load_idx %arg6[%parallel_loop3A_545] : memref<65536xf32, #tpu.memory_space<vmem>>[vector<16xi32>], vector<16xf32>,
      %parallel_loop3A_547 = arith.constant 16 : i32
      %parallel_loop3A_548 = arith.muli %parallel_loop3A_5, %parallel_loop3A_547 : i32
      %parallel_loop3A_549 = arith.constant 53 : i32
      %parallel_loop3A_550 = arith.index_cast %parallel_loop3A_549 : i32 to index
      %parallel_loop3A_551 = arith.index_cast %parallel_loop3A_548 : i32 to index
      %parallel_loop3A_552 = tpu.vector_load %arg7[%parallel_loop3A_550, %parallel_loop3A_551] {strides = array<i32>} : memref<64x576xf32, #tpu.memory_space<vmem>>, vector<16xf32>,
      tpu.vector_store %arg7[%parallel_loop3A_550, %parallel_loop3A_551], %parallel_loop3A_546 {strides = array<i32>} : memref<64x576xf32, #tpu.memory_space<vmem>>, vector<16xf32>,
      %parallel_loop3A_553 = arith.constant 54 : i32
      %parallel_loop3A_554 = vector.broadcast %parallel_loop3A_553 : i32 to vector<16xi32>
      %parallel_loop3A_555 = arith.addi %parallel_loop3A_12, %parallel_loop3A_554 : vector<16xi32>
      %parallel_loop3A_556 = tpu.vector_load_idx %arg6[%parallel_loop3A_555] : memref<65536xf32, #tpu.memory_space<vmem>>[vector<16xi32>], vector<16xf32>,
      %parallel_loop3A_557 = arith.constant 16 : i32
      %parallel_loop3A_558 = arith.muli %parallel_loop3A_5, %parallel_loop3A_557 : i32
      %parallel_loop3A_559 = arith.constant 54 : i32
      %parallel_loop3A_560 = arith.index_cast %parallel_loop3A_559 : i32 to index
      %parallel_loop3A_561 = arith.index_cast %parallel_loop3A_558 : i32 to index
      %parallel_loop3A_562 = tpu.vector_load %arg7[%parallel_loop3A_560, %parallel_loop3A_561] {strides = array<i32>} : memref<64x576xf32, #tpu.memory_space<vmem>>, vector<16xf32>,
      tpu.vector_store %arg7[%parallel_loop3A_560, %parallel_loop3A_561], %parallel_loop3A_556 {strides = array<i32>} : memref<64x576xf32, #tpu.memory_space<vmem>>, vector<16xf32>,
      %parallel_loop3A_563 = arith.constant 55 : i32
      %parallel_loop3A_564 = vector.broadcast %parallel_loop3A_563 : i32 to vector<16xi32>
      %parallel_loop3A_565 = arith.addi %parallel_loop3A_12, %parallel_loop3A_564 : vector<16xi32>
      %parallel_loop3A_566 = tpu.vector_load_idx %arg6[%parallel_loop3A_565] : memref<65536xf32, #tpu.memory_space<vmem>>[vector<16xi32>], vector<16xf32>,
      %parallel_loop3A_567 = arith.constant 16 : i32
      %parallel_loop3A_568 = arith.muli %parallel_loop3A_5, %parallel_loop3A_567 : i32
      %parallel_loop3A_569 = arith.constant 55 : i32
      %parallel_loop3A_570 = arith.index_cast %parallel_loop3A_569 : i32 to index
      %parallel_loop3A_571 = arith.index_cast %parallel_loop3A_568 : i32 to index
      %parallel_loop3A_572 = tpu.vector_load %arg7[%parallel_loop3A_570, %parallel_loop3A_571] {strides = array<i32>} : memref<64x576xf32, #tpu.memory_space<vmem>>, vector<16xf32>,
      tpu.vector_store %arg7[%parallel_loop3A_570, %parallel_loop3A_571], %parallel_loop3A_566 {strides = array<i32>} : memref<64x576xf32, #tpu.memory_space<vmem>>, vector<16xf32>,
      %parallel_loop3A_573 = arith.constant 56 : i32
      %parallel_loop3A_574 = vector.broadcast %parallel_loop3A_573 : i32 to vector<16xi32>
      %parallel_loop3A_575 = arith.addi %parallel_loop3A_12, %parallel_loop3A_574 : vector<16xi32>
      %parallel_loop3A_576 = tpu.vector_load_idx %arg6[%parallel_loop3A_575] : memref<65536xf32, #tpu.memory_space<vmem>>[vector<16xi32>], vector<16xf32>,
      %parallel_loop3A_577 = arith.constant 16 : i32
      %parallel_loop3A_578 = arith.muli %parallel_loop3A_5, %parallel_loop3A_577 : i32
      %parallel_loop3A_579 = arith.constant 56 : i32
      %parallel_loop3A_580 = arith.index_cast %parallel_loop3A_579 : i32 to index
      %parallel_loop3A_581 = arith.index_cast %parallel_loop3A_578 : i32 to index
      %parallel_loop3A_582 = tpu.vector_load %arg7[%parallel_loop3A_580, %parallel_loop3A_581] {strides = array<i32>} : memref<64x576xf32, #tpu.memory_space<vmem>>, vector<16xf32>,
      tpu.vector_store %arg7[%parallel_loop3A_580, %parallel_loop3A_581], %parallel_loop3A_576 {strides = array<i32>} : memref<64x576xf32, #tpu.memory_space<vmem>>, vector<16xf32>,
      %parallel_loop3A_583 = arith.constant 57 : i32
      %parallel_loop3A_584 = vector.broadcast %parallel_loop3A_583 : i32 to vector<16xi32>
      %parallel_loop3A_585 = arith.addi %parallel_loop3A_12, %parallel_loop3A_584 : vector<16xi32>
      %parallel_loop3A_586 = tpu.vector_load_idx %arg6[%parallel_loop3A_585] : memref<65536xf32, #tpu.memory_space<vmem>>[vector<16xi32>], vector<16xf32>,
      %parallel_loop3A_587 = arith.constant 16 : i32
      %parallel_loop3A_588 = arith.muli %parallel_loop3A_5, %parallel_loop3A_587 : i32
      %parallel_loop3A_589 = arith.constant 57 : i32
      %parallel_loop3A_590 = arith.index_cast %parallel_loop3A_589 : i32 to index
      %parallel_loop3A_591 = arith.index_cast %parallel_loop3A_588 : i32 to index
      %parallel_loop3A_592 = tpu.vector_load %arg7[%parallel_loop3A_590, %parallel_loop3A_591] {strides = array<i32>} : memref<64x576xf32, #tpu.memory_space<vmem>>, vector<16xf32>,
      tpu.vector_store %arg7[%parallel_loop3A_590, %parallel_loop3A_591], %parallel_loop3A_586 {strides = array<i32>} : memref<64x576xf32, #tpu.memory_space<vmem>>, vector<16xf32>,
      %parallel_loop3A_593 = arith.constant 58 : i32
      %parallel_loop3A_594 = vector.broadcast %parallel_loop3A_593 : i32 to vector<16xi32>
      %parallel_loop3A_595 = arith.addi %parallel_loop3A_12, %parallel_loop3A_594 : vector<16xi32>
      %parallel_loop3A_596 = tpu.vector_load_idx %arg6[%parallel_loop3A_595] : memref<65536xf32, #tpu.memory_space<vmem>>[vector<16xi32>], vector<16xf32>,
      %parallel_loop3A_597 = arith.constant 16 : i32
      %parallel_loop3A_598 = arith.muli %parallel_loop3A_5, %parallel_loop3A_597 : i32
      %parallel_loop3A_599 = arith.constant 58 : i32
      %parallel_loop3A_600 = arith.index_cast %parallel_loop3A_599 : i32 to index
      %parallel_loop3A_601 = arith.index_cast %parallel_loop3A_598 : i32 to index
      %parallel_loop3A_602 = tpu.vector_load %arg7[%parallel_loop3A_600, %parallel_loop3A_601] {strides = array<i32>} : memref<64x576xf32, #tpu.memory_space<vmem>>, vector<16xf32>,
      tpu.vector_store %arg7[%parallel_loop3A_600, %parallel_loop3A_601], %parallel_loop3A_596 {strides = array<i32>} : memref<64x576xf32, #tpu.memory_space<vmem>>, vector<16xf32>,
      %parallel_loop3A_603 = arith.constant 59 : i32
      %parallel_loop3A_604 = vector.broadcast %parallel_loop3A_603 : i32 to vector<16xi32>
      %parallel_loop3A_605 = arith.addi %parallel_loop3A_12, %parallel_loop3A_604 : vector<16xi32>
      %parallel_loop3A_606 = tpu.vector_load_idx %arg6[%parallel_loop3A_605] : memref<65536xf32, #tpu.memory_space<vmem>>[vector<16xi32>], vector<16xf32>,
      %parallel_loop3A_607 = arith.constant 16 : i32
      %parallel_loop3A_608 = arith.muli %parallel_loop3A_5, %parallel_loop3A_607 : i32
      %parallel_loop3A_609 = arith.constant 59 : i32
      %parallel_loop3A_610 = arith.index_cast %parallel_loop3A_609 : i32 to index
      %parallel_loop3A_611 = arith.index_cast %parallel_loop3A_608 : i32 to index
      %parallel_loop3A_612 = tpu.vector_load %arg7[%parallel_loop3A_610, %parallel_loop3A_611] {strides = array<i32>} : memref<64x576xf32, #tpu.memory_space<vmem>>, vector<16xf32>,
      tpu.vector_store %arg7[%parallel_loop3A_610, %parallel_loop3A_611], %parallel_loop3A_606 {strides = array<i32>} : memref<64x576xf32, #tpu.memory_space<vmem>>, vector<16xf32>,
      %parallel_loop3A_613 = arith.constant 60 : i32
      %parallel_loop3A_614 = vector.broadcast %parallel_loop3A_613 : i32 to vector<16xi32>
      %parallel_loop3A_615 = arith.addi %parallel_loop3A_12, %parallel_loop3A_614 : vector<16xi32>
      %parallel_loop3A_616 = tpu.vector_load_idx %arg6[%parallel_loop3A_615] : memref<65536xf32, #tpu.memory_space<vmem>>[vector<16xi32>], vector<16xf32>,
      %parallel_loop3A_617 = arith.constant 16 : i32
      %parallel_loop3A_618 = arith.muli %parallel_loop3A_5, %parallel_loop3A_617 : i32
      %parallel_loop3A_619 = arith.constant 60 : i32
      %parallel_loop3A_620 = arith.index_cast %parallel_loop3A_619 : i32 to index
      %parallel_loop3A_621 = arith.index_cast %parallel_loop3A_618 : i32 to index
      %parallel_loop3A_622 = tpu.vector_load %arg7[%parallel_loop3A_620, %parallel_loop3A_621] {strides = array<i32>} : memref<64x576xf32, #tpu.memory_space<vmem>>, vector<16xf32>,
      tpu.vector_store %arg7[%parallel_loop3A_620, %parallel_loop3A_621], %parallel_loop3A_616 {strides = array<i32>} : memref<64x576xf32, #tpu.memory_space<vmem>>, vector<16xf32>,
      %parallel_loop3A_623 = arith.constant 61 : i32
      %parallel_loop3A_624 = vector.broadcast %parallel_loop3A_623 : i32 to vector<16xi32>
      %parallel_loop3A_625 = arith.addi %parallel_loop3A_12, %parallel_loop3A_624 : vector<16xi32>
      %parallel_loop3A_626 = tpu.vector_load_idx %arg6[%parallel_loop3A_625] : memref<65536xf32, #tpu.memory_space<vmem>>[vector<16xi32>], vector<16xf32>,
      %parallel_loop3A_627 = arith.constant 16 : i32
      %parallel_loop3A_628 = arith.muli %parallel_loop3A_5, %parallel_loop3A_627 : i32
      %parallel_loop3A_629 = arith.constant 61 : i32
      %parallel_loop3A_630 = arith.index_cast %parallel_loop3A_629 : i32 to index
      %parallel_loop3A_631 = arith.index_cast %parallel_loop3A_628 : i32 to index
      %parallel_loop3A_632 = tpu.vector_load %arg7[%parallel_loop3A_630, %parallel_loop3A_631] {strides = array<i32>} : memref<64x576xf32, #tpu.memory_space<vmem>>, vector<16xf32>,
      tpu.vector_store %arg7[%parallel_loop3A_630, %parallel_loop3A_631], %parallel_loop3A_626 {strides = array<i32>} : memref<64x576xf32, #tpu.memory_space<vmem>>, vector<16xf32>,
      %parallel_loop3A_633 = arith.constant 62 : i32
      %parallel_loop3A_634 = vector.broadcast %parallel_loop3A_633 : i32 to vector<16xi32>
      %parallel_loop3A_635 = arith.addi %parallel_loop3A_12, %parallel_loop3A_634 : vector<16xi32>
      %parallel_loop3A_636 = tpu.vector_load_idx %arg6[%parallel_loop3A_635] : memref<65536xf32, #tpu.memory_space<vmem>>[vector<16xi32>], vector<16xf32>,
      %parallel_loop3A_637 = arith.constant 16 : i32
      %parallel_loop3A_638 = arith.muli %parallel_loop3A_5, %parallel_loop3A_637 : i32
      %parallel_loop3A_639 = arith.constant 62 : i32
      %parallel_loop3A_640 = arith.index_cast %parallel_loop3A_639 : i32 to index
      %parallel_loop3A_641 = arith.index_cast %parallel_loop3A_638 : i32 to index
      %parallel_loop3A_642 = tpu.vector_load %arg7[%parallel_loop3A_640, %parallel_loop3A_641] {strides = array<i32>} : memref<64x576xf32, #tpu.memory_space<vmem>>, vector<16xf32>,
      tpu.vector_store %arg7[%parallel_loop3A_640, %parallel_loop3A_641], %parallel_loop3A_636 {strides = array<i32>} : memref<64x576xf32, #tpu.memory_space<vmem>>, vector<16xf32>,
      %parallel_loop3A_643 = arith.constant 63 : i32
      %parallel_loop3A_644 = vector.broadcast %parallel_loop3A_643 : i32 to vector<16xi32>
      %parallel_loop3A_645 = arith.addi %parallel_loop3A_12, %parallel_loop3A_644 : vector<16xi32>
      %parallel_loop3A_646 = tpu.vector_load_idx %arg6[%parallel_loop3A_645] : memref<65536xf32, #tpu.memory_space<vmem>>[vector<16xi32>], vector<16xf32>,
      %parallel_loop3A_647 = arith.constant 16 : i32
      %parallel_loop3A_648 = arith.muli %parallel_loop3A_5, %parallel_loop3A_647 : i32
      %parallel_loop3A_649 = arith.constant 63 : i32
      %parallel_loop3A_650 = arith.index_cast %parallel_loop3A_649 : i32 to index
      %parallel_loop3A_651 = arith.index_cast %parallel_loop3A_648 : i32 to index
      %parallel_loop3A_652 = tpu.vector_load %arg7[%parallel_loop3A_650, %parallel_loop3A_651] {strides = array<i32>} : memref<64x576xf32, #tpu.memory_space<vmem>>, vector<16xf32>,
      tpu.vector_store %arg7[%parallel_loop3A_650, %parallel_loop3A_651], %parallel_loop3A_646 {strides = array<i32>} : memref<64x576xf32, #tpu.memory_space<vmem>>, vector<16xf32>,
    } {sc.loop_unroll_factor = 2 : i64, sc.parallel_access}
    "tpu.region"() ({
      %run_scoped3A = tpu.sem_alloc : memref<!tpu.dma_semaphore, #tpu.memory_space<semaphore_mem>>
      %dma_start3A = arith.constant 0 : i32
      %dma_start3A_5 = arith.constant 0 : i32
      %dma_start3A_6 = tpu.memref_slice %arg4[%add3A, %dma_start3A, %dma_start3A_5] : memref<32x64x576xf32, #tpu.memory_space<hbm>> -> memref<1x64x576xf32, #tpu.memory_space<hbm>>
      %dma_start3A_7 = tpu.memref_squeeze %dma_start3A_6 : memref<1x64x576xf32, #tpu.memory_space<hbm>> -> memref<64x576xf32, #tpu.memory_space<hbm>>
      %dma_start3A_8 = arith.constant 0 : i32
      %dma_start3A_9 = arith.constant 0 : i32
      %dma_start3A_10 = tpu.memref_slice %arg4[%add3A, %dma_start3A_8, %dma_start3A_9] : memref<32x64x576xf32, #tpu.memory_space<hbm>> -> memref<1x64x576xf32, #tpu.memory_space<hbm>>
      %dma_start3A_11 = tpu.memref_squeeze %dma_start3A_10 : memref<1x64x576xf32, #tpu.memory_space<hbm>> -> memref<64x576xf32, #tpu.memory_space<hbm>>
      tpu.enqueue_dma source(%arg7 : memref<64x576xf32, #tpu.memory_space<vmem>>) target(%dma_start3A_11 : memref<64x576xf32, #tpu.memory_space<hbm>>) target_semaphore(%run_scoped3A : memref<!tpu.dma_semaphore, #tpu.memory_space<semaphore_mem>>)
      %dma_wait3A = arith.constant 0 : i32
      %dma_wait3A_12 = arith.constant 0 : i32
      %dma_wait3A_13 = tpu.memref_slice %arg4[%add3A, %dma_wait3A, %dma_wait3A_12] : memref<32x64x576xf32, #tpu.memory_space<hbm>> -> memref<1x64x576xf32, #tpu.memory_space<hbm>>
      %dma_wait3A_14 = tpu.memref_squeeze %dma_wait3A_13 : memref<1x64x576xf32, #tpu.memory_space<hbm>> -> memref<64x576xf32, #tpu.memory_space<hbm>>
      %dma_wait3A_15 = arith.constant 0 : i32
      %dma_wait3A_16 = arith.constant 0 : i32
      %dma_wait3A_17 = tpu.memref_slice %arg4[%add3A, %dma_wait3A_15, %dma_wait3A_16] : memref<32x64x576xf32, #tpu.memory_space<hbm>> -> memref<1x64x576xf32, #tpu.memory_space<hbm>>
      %dma_wait3A_18 = tpu.memref_squeeze %dma_wait3A_17 : memref<1x64x576xf32, #tpu.memory_space<hbm>> -> memref<64x576xf32, #tpu.memory_space<hbm>>
      tpu.wait_dma2 semaphore(%run_scoped3A : memref<!tpu.dma_semaphore, #tpu.memory_space<semaphore_mem>>) src(%arg7 : memref<64x576xf32, #tpu.memory_space<vmem>>) dst(%dma_wait3A_18 : memref<64x576xf32, #tpu.memory_space<hbm>>)
      tpu.yield
    }) : () -> ()
    return
  }
}

module attributes {stable_mosaic.version = 14 : i64} {
  func.func @_vq_body(%arg0: i32, %arg1: memref<1x64x576xf32, #tpu.memory_space<vmem>>, %arg2: memref<1024x64xf32, #tpu.memory_space<vmem>>, %arg3: memref<576x1024xf32, #tpu.memory_space<vmem>>, %arg4: memref<1x1x576xi32, #tpu.memory_space<vmem>>, %arg5: memref<1x1xf32, #tpu.memory_space<vmem>>, %arg6: memref<1x1xf32, #tpu.memory_space<vmem>>, %arg7: memref<1xf32, #tpu.memory_space<smem>>, %arg8: memref<1x1024xf32, #tpu.memory_space<vmem>>) attributes {dimension_semantics = [#tpu.dimension_semantics<arbitrary>], iteration_bounds = array<i64: 32>, scalar_prefetch = 0 : i64, scratch_operands = 2 : i64, tpu.core_type = #tpu.core_type<tc>, window_params = [{transform_indices = @transform_0, window_bounds = array<i64: 1, 64, 576>}, {pipeline_mode = #tpu.pipeline_mode<synchronous>, transform_indices = @transform_1, window_bounds = array<i64: 1024, 64>}, {transform_indices = @transform_2, window_bounds = array<i64: 576, 1024>}, {transform_indices = @transform_3, window_bounds = array<i64: 1, 1, 576>}, {pipeline_mode = #tpu.pipeline_mode<synchronous>, transform_indices = @transform_4, window_bounds = array<i64: 1, 1>}, {pipeline_mode = #tpu.pipeline_mode<synchronous>, transform_indices = @transform_5, window_bounds = array<i64: 1, 1>}]} {
    %get3A = arith.constant 0 : index
    %get3A_0 = arith.constant 0 : index
    %get3A_1 = arith.constant 0 : index
    %get3A_2 = vector.load %arg1[%get3A, %get3A_0, %get3A_1] : memref<1x64x576xf32, #tpu.memory_space<vmem>>, vector<1x64x576xf32>
    %get3A_3 = vector.shape_cast %get3A_2 : vector<1x64x576xf32> to vector<64x576xf32>
    %get3A_4 = arith.constant 0 : index
    %get3A_5 = arith.constant 0 : index
    %get3A_6 = vector.load %arg2[%get3A_4, %get3A_5] : memref<1024x64xf32, #tpu.memory_space<vmem>>, vector<1024x64xf32>
    %integer_pow3A = arith.mulf %get3A_6, %get3A_6 : vector<1024x64xf32>
    %reduce_sum3A = arith.constant dense<0.000000e+00> : vector<1024xf32>
    %reduce_sum3A_7 = vector.multi_reduction <add>, %integer_pow3A, %reduce_sum3A [1] : vector<1024x64xf32> to vector<1024xf32>
    %broadcast_in_dim3A = vector.shape_cast %reduce_sum3A_7 : vector<1024xf32> to vector<1024x1xf32>
    %mul3A = arith.mulf %get3A_3, %get3A_3 : vector<64x576xf32>
    %reduce_sum3A_8 = arith.constant dense<0.000000e+00> : vector<576xf32>
    %reduce_sum3A_9 = vector.multi_reduction <add>, %mul3A, %reduce_sum3A_8 [0] : vector<64x576xf32> to vector<576xf32>
    %broadcast_in_dim3A_10 = vector.shape_cast %reduce_sum3A_9 : vector<576xf32> to vector<1x576xf32>
    %dot_general3A = arith.constant dense<0.000000e+00> : vector<1024x576xf32>
    %dot_general3A_11 = tpu.matmul %get3A_6, %get3A_3, %dot_general3A {dimension_numbers = #tpu.dot_dimension_numbers<[1], [0], [0], [1], [0, 0, 1, 1], [], []>, transpose_lhs_hint = false} : vector<1024x64xf32>, vector<64x576xf32>, vector<1024x576xf32> -> vector<1024x576xf32>
    %add3A = vector.broadcast %broadcast_in_dim3A_10 : vector<1x576xf32> to vector<1024x576xf32>
    %add3A_12 = vector.broadcast %broadcast_in_dim3A : vector<1024x1xf32> to vector<1024x576xf32>
    %add3A_13 = arith.addf %add3A, %add3A_12 : vector<1024x576xf32>
    %mul3A_14 = arith.constant 2.000000e+00 : f32
    %mul3A_15 = vector.broadcast %mul3A_14 : f32 to vector<1024x576xf32>
    %mul3A_16 = arith.mulf %mul3A_15, %dot_general3A_11 : vector<1024x576xf32>
    %sub3A = arith.subf %add3A_13, %mul3A_16 : vector<1024x576xf32>
    %reduce_min3A = arith.constant dense<0x7F800000> : vector<576xf32>
    %reduce_min3A_17 = vector.multi_reduction <minimumf>, %sub3A, %reduce_min3A [0] : vector<1024x576xf32> to vector<576xf32>
    %broadcast_in_dim3A_18 = vector.shape_cast %reduce_min3A_17 : vector<576xf32> to vector<1x576xf32>
    %iota3A = tpu.iota {dimensions = array<i32: 0>} : vector<1024x576xi32>
    %convert_element_type3A = arith.sitofp %iota3A : vector<1024x576xi32> to vector<1024x576xf32>
    %eq3A = vector.broadcast %broadcast_in_dim3A_18 : vector<1x576xf32> to vector<1024x576xf32>
    %eq3A_19 = arith.cmpf oeq, %sub3A, %eq3A : vector<1024x576xf32>
    %jit3A = arith.constant 1.024000e+03 : f32
    %broadcast_in_dim3A_20 = vector.broadcast %jit3A : f32 to vector<1024x576xf32>
    %select_n3A = arith.select %eq3A_19, %convert_element_type3A, %broadcast_in_dim3A_20 : vector<1024x576xi1>, vector<1024x576xf32>
    %reduce_min3A_21 = arith.constant dense<0x7F800000> : vector<576xf32>
    %reduce_min3A_22 = vector.multi_reduction <minimumf>, %select_n3A, %reduce_min3A_21 [0] : vector<1024x576xf32> to vector<576xf32>
    %broadcast_in_dim3A_23 = vector.shape_cast %reduce_min3A_22 : vector<576xf32> to vector<1x576xf32>
    %convert_element_type3A_24 = arith.fptosi %broadcast_in_dim3A_23 : vector<1x576xf32> to vector<1x576xi32>
    %broadcast_in_dim3A_25 = vector.shape_cast %convert_element_type3A_24 : vector<1x576xi32> to vector<1x1x576xi32>
    %swap3A = arith.constant 0 : index
    %swap3A_26 = arith.constant 0 : index
    %swap3A_27 = arith.constant 0 : index
    %swap3A_28 = vector.load %arg4[%swap3A, %swap3A_26, %swap3A_27] : memref<1x1x576xi32, #tpu.memory_space<vmem>>, vector<1x1x576xi32>
    tpu.vector_store %arg4[%swap3A, %swap3A_26, %swap3A_27], %broadcast_in_dim3A_25 {strides = array<i32>} : memref<1x1x576xi32, #tpu.memory_space<vmem>>, vector<1x1x576xi32>,
    %iota3A_29 = tpu.iota {dimensions = array<i32: 1>} : vector<576x1024xi32>
    %reshape3A = vector.shape_cast %convert_element_type3A_24 : vector<1x576xi32> to vector<576x1xi32>
    %eq3A_30 = vector.broadcast %reshape3A : vector<576x1xi32> to vector<576x1024xi32>
    %eq3A_31 = arith.cmpi eq, %iota3A_29, %eq3A_30 : vector<576x1024xi32>
    %jit3A_32 = arith.constant 1.000000e+00 : f32
    %jit3A_33 = arith.constant 0.000000e+00 : f32
    %broadcast_in_dim3A_34 = vector.broadcast %jit3A_32 : f32 to vector<576x1024xf32>
    %broadcast_in_dim3A_35 = vector.broadcast %jit3A_33 : f32 to vector<576x1024xf32>
    %select_n3A_36 = arith.select %eq3A_31, %broadcast_in_dim3A_34, %broadcast_in_dim3A_35 : vector<576x1024xi1>, vector<576x1024xf32>
    %swap3A_37 = arith.constant 0 : index
    %swap3A_38 = arith.constant 0 : index
    %swap3A_39 = vector.load %arg3[%swap3A_37, %swap3A_38] : memref<576x1024xf32, #tpu.memory_space<vmem>>, vector<576x1024xf32>
    tpu.vector_store %arg3[%swap3A_37, %swap3A_38], %select_n3A_36 {strides = array<i32>} : memref<576x1024xf32, #tpu.memory_space<vmem>>, vector<576x1024xf32>,
    %eq3A_40 = arith.constant 0 : i32
    %eq3A_41 = arith.cmpi eq, %arg0, %eq3A_40 : i32
    %convert_element_type3A_42 = arith.extui %eq3A_41 : i1 to i32
    %cond3A = arith.constant 0 : i32
    %cond3A_43 = arith.cmpi ne, %convert_element_type3A_42, %cond3A : i32
    scf.if %cond3A_43 {
      %swap3A_69 = arith.constant 0.000000e+00 : f32
      %swap3A_70 = arith.constant 0 : index
      %swap3A_71 = memref.load %arg7[%swap3A_70] : memref<1xf32, #tpu.memory_space<smem>>
      memref.store %swap3A_69, %arg7[%swap3A_70] : memref<1xf32, #tpu.memory_space<smem>>
      %broadcast_in_dim3A_72 = arith.constant 0.000000e+00 : f32
      %broadcast_in_dim3A_73 = vector.broadcast %broadcast_in_dim3A_72 : f32 to vector<1x1024xf32>
      %swap3A_74 = arith.constant 0 : index
      %swap3A_75 = arith.constant 0 : index
      %swap3A_76 = vector.load %arg8[%swap3A_74, %swap3A_75] : memref<1x1024xf32, #tpu.memory_space<vmem>>, vector<1x1024xf32>
      tpu.vector_store %arg8[%swap3A_74, %swap3A_75], %broadcast_in_dim3A_73 {strides = array<i32>} : memref<1x1024xf32, #tpu.memory_space<vmem>>, vector<1x1024xf32>,
    } else {
    }
    %get3A_44 = arith.constant 0 : index
    %get3A_45 = memref.load %arg7[%get3A_44] : memref<1xf32, #tpu.memory_space<smem>>
    %reduce_sum3A_46 = vector.shape_cast %broadcast_in_dim3A_18 : vector<1x576xf32> to vector<1x1x576xf32>
    %reduce_sum3A_47 = arith.constant dense<0.000000e+00> : vector<1xf32>
    %reduce_sum3A_48 = vector.multi_reduction <add>, %reduce_sum3A_46, %reduce_sum3A_47 [1, 2] : vector<1x1x576xf32> to vector<1xf32>
    %reduce_sum3A_49 = vector.shape_cast %reduce_sum3A_48 : vector<1xf32> to vector<1x1x1xf32>
    %reduce_sum3A_50 = vector.extract %reduce_sum3A_49[0, 0, 0] : f32 from vector<1x1x1xf32>
    %add3A_51 = arith.addf %get3A_45, %reduce_sum3A_50 : f32
    %swap3A_52 = arith.constant 0 : index
    %swap3A_53 = memref.load %arg7[%swap3A_52] : memref<1xf32, #tpu.memory_space<smem>>
    memref.store %add3A_51, %arg7[%swap3A_52] : memref<1xf32, #tpu.memory_space<smem>>
    %get3A_54 = arith.constant 0 : index
    %get3A_55 = arith.constant 0 : index
    %get3A_56 = vector.load %arg8[%get3A_54, %get3A_55] : memref<1x1024xf32, #tpu.memory_space<vmem>>, vector<1x1024xf32>
    %reduce_sum3A_57 = arith.constant dense<0.000000e+00> : vector<1024xf32>
    %reduce_sum3A_58 = vector.multi_reduction <add>, %select_n3A_36, %reduce_sum3A_57 [0] : vector<576x1024xf32> to vector<1024xf32>
    %broadcast_in_dim3A_59 = vector.shape_cast %reduce_sum3A_58 : vector<1024xf32> to vector<1x1024xf32>
    %add3A_60 = arith.addf %get3A_56, %broadcast_in_dim3A_59 : vector<1x1024xf32>
    %swap3A_61 = arith.constant 0 : index
    %swap3A_62 = arith.constant 0 : index
    %swap3A_63 = vector.load %arg8[%swap3A_61, %swap3A_62] : memref<1x1024xf32, #tpu.memory_space<vmem>>, vector<1x1024xf32>
    tpu.vector_store %arg8[%swap3A_61, %swap3A_62], %add3A_60 {strides = array<i32>} : memref<1x1024xf32, #tpu.memory_space<vmem>>, vector<1x1024xf32>,
    %eq3A_64 = arith.constant 31 : i32
    %eq3A_65 = arith.cmpi eq, %arg0, %eq3A_64 : i32
    %convert_element_type3A_66 = arith.extui %eq3A_65 : i1 to i32
    %cond3A_67 = arith.constant 0 : i32
    %cond3A_68 = arith.cmpi ne, %convert_element_type3A_66, %cond3A_67 : i32
    scf.if %cond3A_68 {
      %get3A_69 = arith.constant 0 : index
      %get3A_70 = memref.load %arg7[%get3A_69] : memref<1xf32, #tpu.memory_space<smem>>
      %div3A = arith.constant 0x49900000 : f32
      %div3A_71 = arith.divf %get3A_70, %div3A : f32
      %mul3A_72 = arith.constant 1.250000e+00 : f32
      %mul3A_73 = arith.mulf %div3A_71, %mul3A_72 : f32
      %broadcast_in_dim3A_74 = vector.broadcast %mul3A_73 : f32 to vector<1x1xf32>
      %swap3A_75 = arith.constant 0 : index
      %swap3A_76 = arith.constant 0 : index
      %swap3A_77 = vector.load %arg5[%swap3A_75, %swap3A_76] : memref<1x1xf32, #tpu.memory_space<vmem>>, vector<1x1xf32>
      tpu.vector_store %arg5[%swap3A_75, %swap3A_76], %broadcast_in_dim3A_74 {strides = array<i32>} : memref<1x1xf32, #tpu.memory_space<vmem>>, vector<1x1xf32>,
      %get3A_78 = arith.constant 0 : index
      %get3A_79 = arith.constant 0 : index
      %get3A_80 = vector.load %arg8[%get3A_78, %get3A_79] : memref<1x1024xf32, #tpu.memory_space<vmem>>, vector<1x1024xf32>
      %div3A_81 = arith.constant 1.843200e+04 : f32
      %div3A_82 = vector.broadcast %div3A_81 : f32 to vector<1x1024xf32>
      %div3A_83 = arith.divf %get3A_80, %div3A_82 : vector<1x1024xf32>
      %add3A_84 = arith.constant 1.000000e-10 : f32
      %add3A_85 = vector.broadcast %add3A_84 : f32 to vector<1x1024xf32>
      %add3A_86 = arith.addf %div3A_83, %add3A_85 : vector<1x1024xf32>
      %log3A = math.log %add3A_86 : vector<1x1024xf32>
      %mul3A_87 = arith.mulf %div3A_83, %log3A : vector<1x1024xf32>
      %reduce_sum3A_88 = arith.constant dense<0.000000e+00> : vector<1xf32>
      %reduce_sum3A_89 = vector.multi_reduction <add>, %mul3A_87, %reduce_sum3A_88 [1] : vector<1x1024xf32> to vector<1xf32>
      %broadcast_in_dim3A_90 = vector.shape_cast %reduce_sum3A_89 : vector<1xf32> to vector<1x1xf32>
      %neg3A = arith.constant 0.000000e+00 : f32
      %neg3A_91 = vector.broadcast %neg3A : f32 to vector<1x1xf32>
      %neg3A_92 = arith.subf %neg3A_91, %broadcast_in_dim3A_90 : vector<1x1xf32>
      %exp3A = math.exp %neg3A_92 : vector<1x1xf32>
      %swap3A_93 = arith.constant 0 : index
      %swap3A_94 = arith.constant 0 : index
      %swap3A_95 = vector.load %arg6[%swap3A_93, %swap3A_94] : memref<1x1xf32, #tpu.memory_space<vmem>>, vector<1x1xf32>
      tpu.vector_store %arg6[%swap3A_93, %swap3A_94], %exp3A {strides = array<i32>} : memref<1x1xf32, #tpu.memory_space<vmem>>, vector<1x1xf32>,
    } else {
    }
    return
  }
  func.func @transform_0(%arg0: i32) -> (i32, i32, i32) {
    %c0_i32 = arith.constant 0 : i32
    %c0_i32_0 = arith.constant 0 : i32
    %c0_i32_1 = arith.constant 0 : i32
    return %arg0, %c0_i32, %c0_i32_0 : i32, i32, i32
  }
  func.func @transform_1(%arg0: i32) -> (i32, i32) {
    %c0_i32 = arith.constant 0 : i32
    %c0_i32_0 = arith.constant 0 : i32
    %c0_i32_1 = arith.constant 0 : i32
    return %c0_i32, %c0_i32_0 : i32, i32
  }
  func.func @transform_2(%arg0: i32) -> (i32, i32) {
    %c0_i32 = arith.constant 0 : i32
    %c0_i32_0 = arith.constant 0 : i32
    return %arg0, %c0_i32 : i32, i32
  }
  func.func @transform_3(%arg0: i32) -> (i32, i32, i32) {
    %c0_i32 = arith.constant 0 : i32
    %c0_i32_0 = arith.constant 0 : i32
    %c0_i32_1 = arith.constant 0 : i32
    return %arg0, %c0_i32, %c0_i32_0 : i32, i32, i32
  }
  func.func @transform_4(%arg0: i32) -> (i32, i32) {
    %c0_i32 = arith.constant 0 : i32
    %c0_i32_0 = arith.constant 0 : i32
    %c0_i32_1 = arith.constant 0 : i32
    return %c0_i32, %c0_i32_0 : i32, i32
  }
  func.func @transform_5(%arg0: i32) -> (i32, i32) {
    %c0_i32 = arith.constant 0 : i32
    %c0_i32_0 = arith.constant 0 : i32
    %c0_i32_1 = arith.constant 0 : i32
    return %c0_i32, %c0_i32_0 : i32, i32
  }
}

</mosaic_0001>

<sc_bundles>
// kernel: kernel.4.cloned.1.call-start
scs
__scs_entry_jumppad:
0x0: {  	(pc) =	sbr.rel $0x88, $3  }
0x1: {  	(tag) =	ssettag $0x0;
	lr =	simm.s32 $0x1  }
0x2: {  	[smem:$0x3F9F] =	sst lr;
	_ =	strace $0xD0000000  }
0x3: {  	_ = 	snop  }
0x4: {  	_ = 	snop  }
0x5: {  	_ = 	snop  }
0x6: {  	_ = 	snop  }
0x7: {  	_ = 	snop  }
__scs_overlays_trampoline_lowered:
0x8: {  	[smem:$0x3FAE] =	sst s0  }
0x9: {  	[smem:$0x3FAF] =	sst s1  }
0xa: {  	[smem:$0x3FB0] =	sst s2  }
0xb: {  	[smem:$0x3FB1] =	sst s3  }
0xc: {  	[smem:$0x3FB2] =	sst s4  }
0xd: {  	[smem:$0x3FB3] =	sst s5  }
0xe: {  	[smem:$0x3FB4] =	sst s6  }
0xf: {  	[smem:$0x3FB5] =	sst s7  }
0x10: {  	[smem:$0x3FB6] =	sst s8  }
0x11: {  	[smem:$0x3FB7] =	sst s9;
	s0 =	simm.s32 @!p0 $0x0  }
0x12: {  	s1 =	sld [smem:$0x3F9D];
	s0 =	simm.s32 @p0 $0x1  }
0x13: {  	[smem:$0x3FB8] =	sst s0;
	s0 =	simm.s32 @!p1 $0x0  }
0x14: {  	s2 =	sld [smem:$0x3F9C];
	s0 =	simm.s32 @p1 $0x1  }
0x15: {  	[smem:$0x3FB9] =	sst s0;
	s0 =	simm.s32 @!p2 $0x0  }
0x16: {  	s3 =	sld [smem:$0x3FDB];
	s0 =	simm.s32 @p2 $0x1  }
0x17: {  	s4 =	simm.s32 $0x1BF5;
	[smem:$0x3FBB] =	sst s0  }
0x18: {  	s0 =	sld [smem:$0x3F9E];
	_ =	swait.ge [sflag:s4], $0x0  }
0x19: {  	s7 =	sld [smem:$0x3F9F]  }
0x1a: {  	s8 =	sadd.s32 $0xFFFFE003, lr  }
0x1b: {  	s9 =	sadd.s32 $0xFFFFFEF7, lr;
	s5 =	simm.s32 $0xFFFFFFFF;
	p2 =	slt.u32 s8, $0xFFFFF086  }
0x1c: {  	p1 =	slt.u32 s9, $0xF7A;
	s5 =	simm.s32 @!p2 $0x0  }
0x1d: {  	s5 =	simm.s32 @p1 $0x1;
	p0 =	seq.s32 s7, s2  }
0x1e: {  	s7 =	smul.u32 @!p0 $0xF7A, s2;
	p2 =	seq.s32 @!p0 s5, $0x0  }
0x1f: {  	s9 =	smul.u32 $0xF7A, s1;
	s8 =	simm.s32 @!p0 $0x1BF5;
	p2 =	por !p2, p0  }
0x20: {  	[sflag:s8] =	ssyncset.s32 @!p0 $0xFFFFF086;
	s6 =	sadd.s32 @!p0 s3, s7;
	s7 =	simm.s32 @!p0 $0x108  }
0x21: {  	s3 =	sadd.s32 s3, s9;
	s6 =	sadd.s32 @!p0 $0x88, s6;
	s7 =	simm.s32 @p2 $0x1082  }
0x22: {  	[simem:s7], [sflag:s8] =	dma.local @!p0 [hbm:s6], $0xF7A  }
0x23: {  	s9 =	sor.u32 $0xD0000000, s2;
	s6 =	simm.s32 $0x108;
	_ =	swait.ge @!p0 [sflag:s8], $0x0  }
0x24: {  	s3 =	sadd.s32 $0x88, s3;
	s6 =	simm.s32 @!p1 $0x1082;
	[sflag:s4] =	ssyncset.s32 $0xFFFFF086  }
0x25: {  	[simem:s6], [sflag:s4] =	dma.local [hbm:s3], $0xF7A  }
0x26: {  	[smem:$0x3F9F] =	sst s1;
	(tag) =	ssettag s2;
	_ =	strace s9  }
0x27: {  	s1 =	sld [smem:$0x3FAF]  }
0x28: {  	s2 =	sld [smem:$0x3FB0]  }
0x29: {  	s4 =	sld [smem:$0x3FB2]  }
0x2a: {  	p0 =	seq.s32 s5, $0x0;
	s5 =	sld [smem:$0x3FB3]  }
0x2b: {  	s6 =	sld [smem:$0x3FB4]  }
0x2c: {  	s7 =	sld [smem:$0x3FB5]  }
0x2d: {  	s3 =	simm.s32 $0x108;
	s8 =	sld [smem:$0x3FB6]  }
0x2e: {  	s3 =	simm.s32 @!p0 $0x1082;
	s9 =	sld [smem:$0x3FB7]  }
0x2f: {  	lr =	sadd.s32 s0, s3;
	s0 =	sld [smem:$0x3FAE]  }
0x30: {  	s3 =	sld [smem:$0x3FB1]  }
0x31: {  	[smem:$0x3FBA] =	sst s10  }
0x32: {  	s10 =	sld [smem:$0x3FB8];
	_ =	sdelay $0x3  }
0x33: {  	p0 =	seq.s32 s10, $0x1;
	s10 =	sld [smem:$0x3FBA];
	_ =	sdelay $0x3  }
0x34: {  	[smem:$0x3FBA] =	sst s10  }
0x35: {  	s10 =	sld [smem:$0x3FB9];
	_ =	sdelay $0x3  }
0x36: {  	p1 =	seq.s32 s10, $0x1;
	s10 =	sld [smem:$0x3FBA];
	_ =	sdelay $0x3  }
0x37: {  	[smem:$0x3FBA] =	sst s10  }
0x38: {  	s10 =	sld [smem:$0x3FBB]  }
0x39: {  	_ = 	snop;
	(pc) =	sbr.ind lr, $3  }
0x3a: {  	_ = 	snop  }
0x3b: {  	_ = 	snop  }
0x3c: {  	p2 =	seq.s32 s10, $0x1;
	s10 =	sld [smem:$0x3FBA]  }
0x3d: {  	_ =	shalt  }
0x3e: {  	_ =	shalt  }
0x3f: {  	_ =	shalt  }
0x40: {  	_ =	shalt  }
0x41: {  	_ =	shalt  }
0x42: {  	_ =	shalt  }
0x43: {  	_ =	shalt  }
0x44: {  	_ =	shalt  }
0x45: {  	_ =	shalt  }
0x46: {  	_ =	shalt  }
0x47: {  	_ =	shalt  }
0x48: {  	_ =	shalt  }
0x49: {  	_ =	shalt  }
0x4a: {  	_ =	shalt  }
0x4b: {  	_ =	shalt  }
0x4c: {  	_ =	shalt  }
0x4d: {  	_ =	shalt  }
0x4e: {  	_ =	shalt  }
0x4f: {  	_ =	shalt  }
0x50: {  	_ =	shalt  }
0x51: {  	_ =	shalt  }
0x52: {  	_ =	shalt  }
0x53: {  	_ =	shalt  }
0x54: {  	_ =	shalt  }
0x55: {  	_ =	shalt  }
0x56: {  	_ =	shalt  }
0x57: {  	_ =	shalt  }
0x58: {  	_ =	shalt  }
0x59: {  	_ =	shalt  }
0x5a: {  	_ =	shalt  }
0x5b: {  	_ =	shalt  }
0x5c: {  	_ =	shalt  }
0x5d: {  	_ =	shalt  }
0x5e: {  	_ =	shalt  }
0x5f: {  	_ =	shalt  }
0x60: {  	_ =	shalt  }
0x61: {  	_ =	shalt  }
0x62: {  	_ =	shalt  }
0x63: {  	_ =	shalt  }
0x64: {  	_ =	shalt  }
0x65: {  	_ =	shalt  }
0x66: {  	_ =	shalt  }
0x67: {  	_ =	shalt  }
0x68: {  	_ =	shalt  }
0x69: {  	_ =	shalt  }
0x6a: {  	_ =	shalt  }
0x6b: {  	_ =	shalt  }
0x6c: {  	_ =	shalt  }
0x6d: {  	_ =	shalt  }
0x6e: {  	_ =	shalt  }
0x6f: {  	_ =	shalt  }
0x70: {  	_ =	shalt  }
0x71: {  	_ =	shalt  }
0x72: {  	_ =	shalt  }
0x73: {  	_ =	shalt  }
0x74: {  	_ =	shalt  }
0x75: {  	_ =	shalt  }
0x76: {  	_ =	shalt  }
0x77: {  	_ =	shalt  }
0x78: {  	_ =	shalt  }
0x79: {  	_ =	shalt  }
0x7a: {  	_ =	shalt  }
0x7b: {  	_ =	shalt  }
0x7c: {  	_ =	shalt  }
0x7d: {  	_ =	shalt  }
0x7e: {  	_ =	shalt  }
0x7f: {  	_ =	shalt  }
0x80: {  	_ =	shalt  }
0x81: {  	_ =	shalt  }
0x82: {  	_ =	shalt  }
0x83: {  	_ =	shalt  }
0x84: {  	_ =	shalt  }
0x85: {  	_ =	shalt  }
0x86: {  	_ =	shalt  }
0x87: {  	_ =	shalt  }
.Lfunc_end0:
.L_simem_size_0:
called_computation_lowered:
.L_overlay_start_0:
0x88: {  	s2 =	sld [smem:$0x3FD9]  }
0x89: {  	s3 =	sld [smem:$0x3FFE];
	_ =	sdelay $0x1  }
0x8a: {  	s1 =	srdreg.scid  }
0x8b: {  	s0 =	sand.u32 $0x1, s1  }
0x8c: {  	s14 =	sshll.u32 s0, $0xA;
	s2 =	sadd.s32 s3, s2  }
0x8d: {  	s2 =	sadd.s32 s2, s14  }
0x8e: {  	[smem:$0x3FC6] =	sst s2  }
0x8f: {  	_ = 	snop  }
0x90: {  	s2 =	sld [smem:$0x3FD0];
	_ =	sdelay $0x2  }
0x91: {  	s15 =	simm.s32 $0xA;
	s4 =	simm.s32 $0x10  }
0x92: {  	[smem:s4], [sflag:s15] =	dma.local [hbm:s2], $0x1  }
0x93: {  	_ =	swait.eq [sflag:s15], $0x1  }
0x94: {  	[sflag:s15] =	ssyncset.done $0x0  }
0x95: {  	[sflag:s15] =	ssyncadd.s32 $0xFFFFFFFF  }
0x96: {  	s16 =	sld [smem:$0x11];
	(tm) =	ssettm $0x1  }
0x97: {  	s17 =	sld [smem:$0x3FFB];
	_ =	sdelay $0x3  }
0x98: {  	_ =	strace s17  }
0x99: {  	s3 =	sld [smem:$0x3FFC];
	_ =	sdelay $0x3  }
0x9a: {  	_ =	strace s3  }
0x9b: {  	s3 =	sld [smem:$0x3FFD];
	_ =	sdelay $0x3  }
0x9c: {  	_ =	strace s3  }
0x9d: {  	_ =	strace $0x8FFFFFFF  }
0x9e: {  	s18 =	sld [smem:$0x3FDB];
	_ =	sdelay $0x1  }
0x9f: {  	s19 =	simm.s32 $_scs_section_size  }
0xa0: {  	s5 =	simm.s32 $_size__tile_overlayer_lowered;
	s6 =	simm.s32 $_tile_overlayer_lowered  }
0xa1: {  	s22 =	simm.s32 $0x1BFF;
	s21 =	sshll.u32 s6, $0x1;
	s3 =	sadd.s32 s19, s18  }
0xa2: {  	s7 =	simm.s32 $0x0;
	s20 =	sshll.u32 s5, $0x1;
	s5 =	sadd.s32 s21, s3  }
0xa3: {  	[timem:s7], [sflag:s22] =	dma.local [hbm:s5], s20  }
0xa4: {  	_ =	swait.ge [sflag:s22], s20  }
0xa5: {  	s4 =	ssub.s32 $0x0, s20;
	[sflag:s22] =	ssyncset.done $0x0  }
0xa6: {  	[sflag:s22] =	ssyncadd.s32 s4;
	_ =	sdelay $0x1  }
0xa7: {  	s23 =	simm.s32 $0x1B8B  }
0xa8: {  	_ =	swait.ge [sflag:s23], $0x1  }
0xa9: {  	[sflag:s23] =	ssyncset.done $0x0  }
0xaa: {  	s25 =	simm.s32 $0x1B8E;
	s24 =	sld [smem:$0x3FFE];
	[sflag:s23] =	ssyncadd.s32 $0xFFFFFFFF  }
0xab: {  	s26 =	simm.s32 $execute0_lowered;
	[smem:$0x3FD2] =	sst s25  }
0xac: {  	s5 =	sshll.u32 s26, $0x1;
	_ =	strace $0x80000046;
	[dreg:$0x1] =	wrdreg $0xFFFFFFFF  }
0xad: {  	s28 =	simm.s32 $_size_execute0_lowered;
	s3 =	sadd.s32 s3, s5;
	[dreg:$0x0] =	wrdreg $0x0  }
0xae: {  	s5 =	sshll.u32 s28, $0x1;
	[dreg:$0x2] =	wrdreg s3  }
0xaf: {  	[dreg:$0x3] =	wrdreg s5  }
0xb0: {  	[dreg:$0x4] =	wrdreg $0xC0  }
0xb1: {  	_ =	task [dreg:s7], $0x5FFFF  }
0xb2: {  	[dreg:$0x1] =	wrdreg $0xFFFFFFFF  }
0xb3: {  	[dreg:$0x0] =	wrdreg $0x60  }
0xb4: {  	[dreg:$0x2] =	wrdreg s24  }
0xb5: {  	[dreg:$0x3] =	wrdreg s16  }
0xb6: {  	[dreg:$0x4] =	wrdreg $0x9  }
0xb7: {  	_ =	task.clear_ibuf [dreg:s7], $0x5FFFF;
	_ =	strace $0x90000046  }
0xb8: {  	s29 =	simm.s32 $0x9;
	_ =	strace $0x80000048  }
0xb9: {  	_ =	swait.ge [sflag:s29], $0x1  }
0xba: {  	[sflag:s29] =	ssyncadd.s32 $0xFFFFFFFF  }
0xbb: {  	_ =	strace $0x90000048  }
0xbc: {  	_ =	sfence  }
0xbd: {  	s30 =	sld [smem:$0x0];
	_ =	sdelay $0x2  }
0xbe: {  	s31 =	sshll.u32 s1, $0xD;
	s1 =	sshrl.u32 s1, $0x2  }
0xbf: {  	s3 =	sand.u32 $0x4000, s31;
	s1 =	sadd.s32 s1, s30  }
0xc0: {  	s0 =	sor.u32 s3, s0;
	s1 =	sshll.u32 s1, $0x11  }
0xc1: {  	s0 =	sor.u32 s1, s0  }
0xc2: {  	s0 =	sadd.s32 $0x8F2B, s0  }
0xc3: {  	[sflag:s0] =	ssyncadd.remote.s32 $0x1  }
0xc4: {  	_ =	sfence.sel $0xFFFF  }
0xc5: {  	[dreg:$0x0] =	wrdreg $0xFFFFFFFF;
	(pc) =	sbr.abs _section_cstart, $3  }
0xc6: {  	[dreg:$0x1] =	wrdreg $0xFFFFFFFF  }
0xc7: {  	_ =	task.clear_ibuf [dreg:s7], $0x2FFFF;
	_ =	strace $0x9FFFFFFF  }
0xc8: {  	(tm) =	ssettm $0x7FFFFFFF  }
0xc9: {  	_ =	shalt  }
tec
execute0_lowered:
.L_overlay_start_1:
0x0: {  	(tag) =	ssettag $0x1  }
0x1: {  	s1 =	srdreg.scid;
	s2 =	stileid.u32  }
0x2: {  	s1 =	sand.u32 $0x1, s1;
	s4 =	sshll.u32 s2, $0x1  }
0x3: {  	s0 =	rddreg [dreg:$0x0];
	s4 =	sor.u32 s1, s4  }
0x4: {  	s3 =	rddreg [dreg:$0x1];
	s2 =	simm.s32 $0x0;
	s5 =	smul.u32 $0x48, s4  }
0x5: {  	[smem:$0x7FF] =	sst s2;
	s1 =	ssub.s32 $0x2, s1;
	s4 =	smul.u32 $0x1400, s4  }
0x6: {  	_ =	strace $0x80000047;
	s5 =	sadd.s32 s5, s0;
	s0 =	sadd.s32 $0x400, s0  }
0x7: {  	s6 =	sshrl.u32 s1, $0x1;
	s31 =	sadd.s32 s3, s4;
	[dreg:$0x4] =	wrdreg s0  }
0x8: {  	s29 =	ssub.s32 s1, s6;
	s30 =	sadd.s32 $0x2400, s5;
	[dreg:$0x6] =	wrdreg s31  }
0x9: {  	s8 =	simm.s32 $0x280;
	s0 =	smax.u32 s29, $0x1;
	[dreg:$0x5] =	wrdreg s30  }
0xa: {  	s1 =	simm.s32 $0x1;
	s3 =	simm.s32 $0x0;
	[dreg:$0x7] =	wrdreg s0  }
.LBB2_1:
0xb: {  	[dreg:$0x8] =	wrdreg s3  }
0xc: {  	s0 =	rddreg [dreg:$0x5]  }
0xd: {  	[tilespmem:s2], [sflag:$0x1] =	stream.linear.gather [hbm4b:s0+s2], $0x240, $0x38;
	[tilespmem:$0x1A280] =	vst v63  }
0xe: {  	_ =	swait.ge [sflag:s1], $0x240  }
0xf: {  	[sflag:s1] =	ssyncset.done $0x0  }
0x10: {  	s12 =	rddreg [dreg:$0x4];
	[sflag:s1] =	ssyncadd.s32 $0xFFFFFDC0  }
0x11: {  	[tilespmem:s8], [sflag:$0x1] =	stream.linear.gather [hbm4b:s12+s2], $0x10000, $0x38;
	[tilespmem:$0x1A280] =	vst v63  }
0x12: {  	s21 =	sand.u32 $0x60, s2;
	_ =	swait.ge [sflag:s1], $0x10000  }
0x13: {  	s13 =	sand.u32 $0x380, s2;
	s22 =	sor.u32 $0x10, s21;
	[sflag:s1] =	ssyncset.done $0x0  }
0x14: {  	s0 =	sor.u32 s22, s13;
	[sflag:s1] =	ssyncadd.s32 $0xFFFF0000  }
0x15: {  	v0 =	vld [tilespmem:s0+$0x0]  }
0x16: {  	v1 =	vld [tilespmem:s2+$0x0];
	_ =	sdelay $0x3  }
0x17: {  	v7 =	vshll.u32 v0, $0x6  }
0x18: {  	v2 =	vshll.u32 v1, $0x6;
	_ =	sdelay $0x3  }
0x19: {  	v0 =	vld.idx.msk [tilespmem:v7+s8+$0x0], $0xffff  }
0x1a: {  	v3 =	vor.u32 $0x1, v7;
	v1 =	vld.idx.msk [tilespmem:v2+s8+$0x0], $0xffff  }
0x1b: {  	s23 =	sand.u32 $0x1C00, s2;
	v4 =	vor.u32 $0x1, v2  }
0x1c: {  	s14 =	sor.u32 $0x10280, s23  }
0x1d: {  	s15 =	sor.u32 s22, s14  }
0x1e: {  	s0 =	sor.u32 s21, s14;
	[tilespmem:s15+$0x0] =	vst v0  }
0x1f: {  	[tilespmem:s0+$0x0] =	vst v1;
	v0 =	vld.idx.msk [tilespmem:v3+s8+$0x0], $0xffff  }
0x20: {  	v1 =	vld.idx.msk [tilespmem:v4+s8+$0x0], $0xffff;
	v3 =	vor.u32 $0x2, v7  }
0x21: {  	v4 =	vor.u32 $0x2, v2;
	_ =	sdelay $0x2  }
0x22: {  	[tilespmem:s15+$0x80] =	vst v0  }
0x23: {  	[tilespmem:s0+$0x80] =	vst v1;
	v0 =	vld.idx.msk [tilespmem:v3+s8+$0x0], $0xffff  }
0x24: {  	v1 =	vld.idx.msk [tilespmem:v4+s8+$0x0], $0xffff;
	v3 =	vor.u32 $0x3, v7  }
0x25: {  	v4 =	vor.u32 $0x3, v2;
	_ =	sdelay $0x2  }
0x26: {  	[tilespmem:s15+$0x100] =	vst v0  }
0x27: {  	[tilespmem:s0+$0x100] =	vst v1;
	v0 =	vld.idx.msk [tilespmem:v3+s8+$0x0], $0xffff  }
0x28: {  	v1 =	vld.idx.msk [tilespmem:v4+s8+$0x0], $0xffff;
	v3 =	vor.u32 $0x4, v7  }
0x29: {  	v4 =	vor.u32 $0x4, v2;
	_ =	sdelay $0x2  }
0x2a: {  	[tilespmem:s15+$0x180] =	vst v0  }
0x2b: {  	[tilespmem:s0+$0x180] =	vst v1;
	v0 =	vld.idx.msk [tilespmem:v3+s8+$0x0], $0xffff  }
0x2c: {  	v1 =	vld.idx.msk [tilespmem:v4+s8+$0x0], $0xffff;
	v3 =	vor.u32 $0x5, v7  }
0x2d: {  	v4 =	vor.u32 $0x5, v2;
	_ =	sdelay $0x2  }
0x2e: {  	[tilespmem:s15+$0x200] =	vst v0  }
0x2f: {  	[tilespmem:s0+$0x200] =	vst v1;
	v0 =	vld.idx.msk [tilespmem:v3+s8+$0x0], $0xffff  }
0x30: {  	v1 =	vld.idx.msk [tilespmem:v4+s8+$0x0], $0xffff;
	v3 =	vor.u32 $0x6, v7  }
0x31: {  	v4 =	vor.u32 $0x6, v2;
	_ =	sdelay $0x2  }
0x32: {  	[tilespmem:s15+$0x280] =	vst v0  }
0x33: {  	s16 =	sand.u32 $0x3, s2;
	[tilespmem:s0+$0x280] =	vst v1;
	v0 =	vld.idx.msk [tilespmem:v3+s8+$0x0], $0xffff  }
0x34: {  	s0 =	sshll.u32 s16, $0x5;
	v1 =	vld.idx.msk [tilespmem:v4+s8+$0x0], $0xffff;
	v3 =	vor.u32 $0x7, v7  }
0x35: {  	s0 =	sadd.s32 $0x0, s0;
	v4 =	vor.u32 $0x7, v2  }
0x36: {  	s17 =	sadd.s32 $0x10, s0  }
0x37: {  	s18 =	sor.u32 $0x300, s17  }
0x38: {  	s0 =	sor.u32 $0x300, s0;
	[tilespmem:s18+$0x10280] =	vst v0  }
0x39: {  	[tilespmem:s0+$0x10280] =	vst v1;
	v0 =	vld.idx.msk [tilespmem:v3+s8+$0x0], $0xffff  }
0x3a: {  	v1 =	vld.idx.msk [tilespmem:v4+s8+$0x0], $0xffff;
	v3 =	vor.u32 $0x8, v7  }
0x3b: {  	v4 =	vor.u32 $0x8, v2;
	_ =	sdelay $0x1  }
0x3c: {  	s19 =	sor.u32 s2, s2;
	s1 =	sor.u32 $0x380, s17  }
0x3d: {  	s0 =	sor.u32 $0x380, s19;
	[tilespmem:s1+$0x10280] =	vst v0  }
0x3e: {  	[tilespmem:s0+$0x10280] =	vst v1;
	v0 =	vld.idx.msk [tilespmem:v3+s8+$0x0], $0xffff  }
0x3f: {  	v1 =	vld.idx.msk [tilespmem:v4+s8+$0x0], $0xffff;
	v3 =	vor.u32 $0x9, v7  }
0x40: {  	v4 =	vor.u32 $0x9, v2  }
0x41: {  	s20 =	sadd.s32 $0x11680, s23  }
0x42: {  	s24 =	sor.u32 s22, s20  }
0x43: {  	s0 =	sor.u32 s21, s20;
	[tilespmem:s24+$0x0] =	vst v0  }
0x44: {  	[tilespmem:s0+$0x0] =	vst v1;
	v0 =	vld.idx.msk [tilespmem:v3+s8+$0x0], $0xffff  }
0x45: {  	v1 =	vld.idx.msk [tilespmem:v4+s8+$0x0], $0xffff;
	v3 =	vor.u32 $0xA, v7  }
0x46: {  	v4 =	vor.u32 $0xA, v2  }
0x47: {  	s25 =	sadd.s32 $0x11700, s23  }
0x48: {  	s26 =	sor.u32 s22, s25  }
0x49: {  	s0 =	sor.u32 s21, s25;
	[tilespmem:s26+$0x0] =	vst v0  }
0x4a: {  	[tilespmem:s0+$0x0] =	vst v1;
	v0 =	vld.idx.msk [tilespmem:v3+s8+$0x0], $0xffff  }
0x4b: {  	v1 =	vld.idx.msk [tilespmem:v4+s8+$0x0], $0xffff;
	v3 =	vor.u32 $0xB, v7  }
0x4c: {  	v4 =	vor.u32 $0xB, v2  }
0x4d: {  	s1 =	sadd.s32 $0x11780, s23  }
0x4e: {  	s2 =	sor.u32 s22, s1  }
0x4f: {  	s0 =	sor.u32 s21, s1;
	[tilespmem:s2+$0x0] =	vst v0  }
0x50: {  	[tilespmem:s0+$0x0] =	vst v1;
	v0 =	vld.idx.msk [tilespmem:v3+s8+$0x0], $0xffff  }
0x51: {  	v1 =	vld.idx.msk [tilespmem:v4+s8+$0x0], $0xffff;
	v3 =	vor.u32 $0xC, v7  }
0x52: {  	v4 =	vor.u32 $0xC, v2  }
0x53: {  	s3 =	sadd.s32 $0x11800, s23  }
0x54: {  	s4 =	sor.u32 s22, s3  }
0x55: {  	s0 =	sor.u32 s21, s3;
	[tilespmem:s4+$0x0] =	vst v0  }
0x56: {  	[tilespmem:s0+$0x0] =	vst v1;
	v0 =	vld.idx.msk [tilespmem:v3+s8+$0x0], $0xffff  }
0x57: {  	v1 =	vld.idx.msk [tilespmem:v4+s8+$0x0], $0xffff;
	v3 =	vor.u32 $0xD, v7  }
0x58: {  	v4 =	vor.u32 $0xD, v2  }
0x59: {  	s5 =	sadd.s32 $0x11880, s23  }
0x5a: {  	s6 =	sor.u32 s22, s5  }
0x5b: {  	s0 =	sor.u32 s21, s5;
	[tilespmem:s6+$0x0] =	vst v0  }
0x5c: {  	[tilespmem:s0+$0x0] =	vst v1;
	v0 =	vld.idx.msk [tilespmem:v3+s8+$0x0], $0xffff  }
0x5d: {  	v1 =	vld.idx.msk [tilespmem:v4+s8+$0x0], $0xffff;
	v3 =	vor.u32 $0xE, v7  }
0x5e: {  	v4 =	vor.u32 $0xE, v2  }
0x5f: {  	s7 =	sadd.s32 $0x11900, s23  }
0x60: {  	s9 =	sor.u32 s22, s7  }
0x61: {  	s0 =	sor.u32 s21, s7;
	[tilespmem:s9+$0x0] =	vst v0  }
0x62: {  	[tilespmem:s0+$0x0] =	vst v1;
	v0 =	vld.idx.msk [tilespmem:v3+s8+$0x0], $0xffff  }
0x63: {  	v1 =	vld.idx.msk [tilespmem:v4+s8+$0x0], $0xffff;
	v3 =	vor.u32 $0xF, v7  }
0x64: {  	v4 =	vor.u32 $0xF, v2  }
0x65: {  	s10 =	sadd.s32 $0x11980, s23  }
0x66: {  	s11 =	sor.u32 s22, s10  }
0x67: {  	s0 =	sor.u32 s21, s10;
	[tilespmem:s11+$0x0] =	vst v0  }
0x68: {  	[tilespmem:s0+$0x0] =	vst v1;
	v0 =	vld.idx.msk [tilespmem:v3+s8+$0x0], $0xffff  }
0x69: {  	v1 =	vld.idx.msk [tilespmem:v4+s8+$0x0], $0xffff  }
0x6a: {  	v3 =	vor.u32 $0x10, v7  }
0x6b: {  	s12 =	sadd.s32 $0x11A00, s23  }
0x6c: {  	s13 =	sor.u32 s22, s12  }
0x6d: {  	s1 =	sor.u32 s21, s12;
	s0 =	simm.s32 $0x20;
	v4 =	vor.u32 $0x10, v2;
	[tilespmem:s13+$0x0] =	vst v0  }
0x6e: {  	v0 =	vld [tilespmem:s0+$0x0];
	[tilespmem:s1+$0x0] =	vst v1  }
0x6f: {  	v1 =	vld.idx.msk [tilespmem:v3+s8+$0x0], $0xffff  }
0x70: {  	s11 =	sand.u32 $0x60, s0;
	v3 =	vor.u32 $0x11, v7  }
0x71: {  	s14 =	sand.u32 $0x380, s0;
	s12 =	sor.u32 $0x10, s11  }
0x72: {  	s15 =	sadd.s32 $0x12A80, s23;
	s1 =	sor.u32 s12, s14;
	v4 =	vld.idx.msk [tilespmem:v4+s8+$0x0], $0xffff  }
0x73: {  	s4 =	sor.u32 s22, s15;
	v5 =	vld [tilespmem:s1+$0x0]  }
0x74: {  	v6 =	vor.u32 $0x11, v2;
	[tilespmem:s4+$0x0] =	vst v1  }
0x75: {  	v3 =	vld.idx.msk [tilespmem:v3+s8+$0x0], $0xffff  }
0x76: {  	v8 =	vor.u32 $0x12, v7  }
0x77: {  	s16 =	sor.u32 s21, s15  }
0x78: {  	s17 =	sadd.s32 $0x12B00, s23;
	[tilespmem:s16+$0x0] =	vst v4;
	v1 =	vshll.u32 v5, $0x6  }
0x79: {  	s18 =	sor.u32 s22, s17;
	v4 =	vld.idx.msk [tilespmem:v6+s8+$0x0], $0xffff  }
0x7a: {  	v5 =	vor.u32 $0x12, v2;
	[tilespmem:s18+$0x0] =	vst v3  }
0x7b: {  	v0 =	vshll.u32 v0, $0x6;
	v3 =	vld.idx.msk [tilespmem:v8+s8+$0x0], $0xffff  }
0x7c: {  	v6 =	vor.u32 $0x13, v7  }
0x7d: {  	s1 =	sor.u32 s21, s17;
	v8 =	vld.idx.msk [tilespmem:v1+s8+$0x0], $0xffff  }
0x7e: {  	s19 =	sadd.s32 $0x12B80, s23;
	[tilespmem:s1+$0x0] =	vst v4;
	v4 =	vor.u32 $0x1, v1;
	s1 =	simm.s32 $0x100  }
0x7f: {  	s20 =	sor.u32 s22, s19;
	v5 =	vld.idx.msk [tilespmem:v5+s8+$0x0], $0xffff;
	s13 =	sand.u32 $0x1C00, s1  }
0x80: {  	v10 =	vor.u32 $0x13, v2;
	v9 =	vld.idx.msk [tilespmem:v0+s8+$0x0], $0xffff;
	s5 =	sor.u32 $0x10280, s13;
	[tilespmem:s20+$0x0] =	vst v3  }
0x81: {  	s24 =	sor.u32 s12, s5;
	v3 =	vor.u32 $0x1, v0;
	v6 =	vld.idx.msk [tilespmem:v6+s8+$0x0], $0xffff  }
0x82: {  	v11 =	vor.u32 $0x14, v7;
	[tilespmem:s24+$0x0] =	vst v8  }
0x83: {  	s3 =	sor.u32 s21, s19;
	v4 =	vld.idx.msk [tilespmem:v4+s8+$0x0], $0xffff  }
0x84: {  	s26 =	sadd.s32 $0x12C00, s23;
	s25 =	sor.u32 s11, s5;
	[tilespmem:s3+$0x0] =	vst v5;
	v5 =	vor.u32 $0x2, v1  }
0x85: {  	s6 =	sor.u32 s22, s26;
	[tilespmem:s25+$0x0] =	vst v9;
	v8 =	vld.idx.msk [tilespmem:v10+s8+$0x0], $0xffff  }
0x86: {  	v9 =	vor.u32 $0x14, v2;
	v3 =	vld.idx.msk [tilespmem:v3+s8+$0x0], $0xffff;
	[tilespmem:s6+$0x0] =	vst v6  }
0x87: {  	v6 =	vor.u32 $0x2, v0;
	v10 =	vld.idx.msk [tilespmem:v11+s8+$0x0], $0xffff  }
0x88: {  	[tilespmem:s24+$0x80] =	vst v4;
	v11 =	vor.u32 $0x15, v7  }
0x89: {  	s5 =	sor.u32 s21, s26;
	v4 =	vld.idx.msk [tilespmem:v5+s8+$0x0], $0xffff  }
0x8a: {  	s2 =	sadd.s32 $0x12C80, s23;
	[tilespmem:s5+$0x0] =	vst v8;
	v5 =	vor.u32 $0x3, v1  }
0x8b: {  	s7 =	sor.u32 s22, s2;
	v8 =	vld.idx.msk [tilespmem:v9+s8+$0x0], $0xffff;
	[tilespmem:s25+$0x80] =	vst v3  }
0x8c: {  	v3 =	vor.u32 $0x15, v2;
	v6 =	vld.idx.msk [tilespmem:v6+s8+$0x0], $0xffff;
	[tilespmem:s7+$0x0] =	vst v10  }
0x8d: {  	v9 =	vor.u32 $0x3, v0;
	v10 =	vld.idx.msk [tilespmem:v11+s8+$0x0], $0xffff  }
0x8e: {  	[tilespmem:s24+$0x100] =	vst v4;
	v11 =	vor.u32 $0x16, v7  }
0x8f: {  	s5 =	sor.u32 s21, s2;
	v4 =	vld.idx.msk [tilespmem:v5+s8+$0x0], $0xffff  }
0x90: {  	s9 =	sadd.s32 $0x12D00, s23;
	[tilespmem:s5+$0x0] =	vst v8;
	v5 =	vor.u32 $0x4, v1  }
0x91: {  	s10 =	sor.u32 s22, s9;
	v3 =	vld.idx.msk [tilespmem:v3+s8+$0x0], $0xffff;
	[tilespmem:s25+$0x100] =	vst v6  }
0x92: {  	v6 =	vor.u32 $0x16, v2;
	v8 =	vld.idx.msk [tilespmem:v9+s8+$0x0], $0xffff;
	[tilespmem:s10+$0x0] =	vst v10  }
0x93: {  	v9 =	vor.u32 $0x4, v0;
	v10 =	vld.idx.msk [tilespmem:v11+s8+$0x0], $0xffff  }
0x94: {  	[tilespmem:s24+$0x180] =	vst v4;
	v11 =	vor.u32 $0x17, v7  }
0x95: {  	s5 =	sor.u32 s21, s9;
	v4 =	vld.idx.msk [tilespmem:v5+s8+$0x0], $0xffff  }
0x96: {  	s14 =	sadd.s32 $0x12D80, s23;
	[tilespmem:s5+$0x0] =	vst v3;
	v3 =	vor.u32 $0x5, v1  }
0x97: {  	s15 =	sor.u32 s22, s14;
	v5 =	vld.idx.msk [tilespmem:v6+s8+$0x0], $0xffff;
	[tilespmem:s25+$0x180] =	vst v8  }
0x98: {  	v6 =	vor.u32 $0x17, v2;
	v8 =	vld.idx.msk [tilespmem:v9+s8+$0x0], $0xffff;
	[tilespmem:s15+$0x0] =	vst v10  }
0x99: {  	v9 =	vor.u32 $0x5, v0;
	v10 =	vld.idx.msk [tilespmem:v11+s8+$0x0], $0xffff  }
0x9a: {  	[tilespmem:s24+$0x200] =	vst v4;
	v11 =	vor.u32 $0x18, v7  }
0x9b: {  	s5 =	sor.u32 s21, s14;
	v3 =	vld.idx.msk [tilespmem:v3+s8+$0x0], $0xffff  }
0x9c: {  	s16 =	sadd.s32 $0x12E00, s23;
	v4 =	vor.u32 $0x6, v1;
	[tilespmem:s5+$0x0] =	vst v5  }
0x9d: {  	s17 =	sor.u32 s22, s16;
	v5 =	vld.idx.msk [tilespmem:v6+s8+$0x0], $0xffff;
	[tilespmem:s25+$0x200] =	vst v8  }
0x9e: {  	v6 =	vor.u32 $0x18, v2;
	v8 =	vld.idx.msk [tilespmem:v9+s8+$0x0], $0xffff;
	[tilespmem:s17+$0x0] =	vst v10  }
0x9f: {  	v9 =	vor.u32 $0x6, v0;
	v10 =	vld.idx.msk [tilespmem:v11+s8+$0x0], $0xffff  }
0xa0: {  	s18 =	simm.s32 $0x1;
	[tilespmem:s24+$0x280] =	vst v3;
	v11 =	vor.u32 $0x19, v7  }
0xa1: {  	s4 =	sand.u32 $0x3, s18;
	s5 =	sor.u32 s21, s16;
	v3 =	vld.idx.msk [tilespmem:v4+s8+$0x0], $0xffff  }
0xa2: {  	s19 =	sadd.s32 $0x13E80, s23;
	s4 =	sshll.u32 s4, $0x5;
	v4 =	vor.u32 $0x7, v1;
	[tilespmem:s5+$0x0] =	vst v5  }
0xa3: {  	s4 =	sadd.s32 $0x100, s4;
	s20 =	sor.u32 s22, s19;
	v5 =	vld.idx.msk [tilespmem:v6+s8+$0x0], $0xffff;
	[tilespmem:s25+$0x280] =	vst v8  }
0xa4: {  	s24 =	sadd.s32 $0x10, s4;
	v6 =	vor.u32 $0x19, v2;
	v8 =	vld.idx.msk [tilespmem:v9+s8+$0x0], $0xffff;
	[tilespmem:s20+$0x0] =	vst v10  }
0xa5: {  	s25 =	sor.u32 $0x300, s24;
	v9 =	vor.u32 $0x7, v0;
	v10 =	vld.idx.msk [tilespmem:v11+s8+$0x0], $0xffff  }
0xa6: {  	[tilespmem:s25+$0x10280] =	vst v3;
	v11 =	vor.u32 $0x1A, v7  }
0xa7: {  	s5 =	sor.u32 s21, s19;
	v3 =	vld.idx.msk [tilespmem:v4+s8+$0x0], $0xffff  }
0xa8: {  	s26 =	sadd.s32 $0x13F00, s23;
	s4 =	sor.u32 $0x300, s4;
	v4 =	vor.u32 $0x8, v1;
	[tilespmem:s5+$0x0] =	vst v5  }
0xa9: {  	s2 =	sor.u32 s22, s26;
	v5 =	vld.idx.msk [tilespmem:v6+s8+$0x0], $0xffff;
	[tilespmem:s4+$0x10280] =	vst v8  }
0xaa: {  	v6 =	vor.u32 $0x1A, v2;
	v8 =	vld.idx.msk [tilespmem:v9+s8+$0x0], $0xffff;
	[tilespmem:s2+$0x0] =	vst v10  }
0xab: {  	s3 =	sor.u32 $0x380, s24;
	v9 =	vor.u32 $0x8, v0;
	v10 =	vld.idx.msk [tilespmem:v11+s8+$0x0], $0xffff  }
0xac: {  	[tilespmem:s3+$0x10280] =	vst v3;
	v11 =	vor.u32 $0x1B, v7  }
0xad: {  	s0 =	sor.u32 s1, s0;
	s3 =	sor.u32 s21, s26;
	v3 =	vld.idx.msk [tilespmem:v4+s8+$0x0], $0xffff  }
0xae: {  	s0 =	sor.u32 $0x380, s0;
	s4 =	sadd.s32 $0x13F80, s23;
	v4 =	vor.u32 $0x9, v1;
	[tilespmem:s3+$0x0] =	vst v5  }
0xaf: {  	s5 =	sor.u32 s22, s4;
	v5 =	vld.idx.msk [tilespmem:v6+s8+$0x0], $0xffff;
	[tilespmem:s0+$0x10280] =	vst v8  }
0xb0: {  	s6 =	sadd.s32 $0x11680, s13;
	v6 =	vor.u32 $0x1B, v2;
	v8 =	vld.idx.msk [tilespmem:v9+s8+$0x0], $0xffff;
	[tilespmem:s5+$0x0] =	vst v10  }
0xb1: {  	s7 =	sor.u32 s12, s6;
	v9 =	vor.u32 $0x9, v0;
	v10 =	vld.idx.msk [tilespmem:v11+s8+$0x0], $0xffff  }
0xb2: {  	[tilespmem:s7+$0x0] =	vst v3;
	v11 =	vor.u32 $0x1C, v7  }
0xb3: {  	s1 =	sor.u32 s21, s4;
	v3 =	vld.idx.msk [tilespmem:v4+s8+$0x0], $0xffff  }
0xb4: {  	s9 =	sor.u32 $0x14000, s23;
	s0 =	sor.u32 s11, s6;
	v4 =	vor.u32 $0xA, v1;
	[tilespmem:s1+$0x0] =	vst v5  }
0xb5: {  	s10 =	sor.u32 s22, s9;
	v5 =	vld.idx.msk [tilespmem:v6+s8+$0x0], $0xffff;
	[tilespmem:s0+$0x0] =	vst v8  }
0xb6: {  	s14 =	sadd.s32 $0x11700, s13;
	v6 =	vor.u32 $0x1C, v2;
	v8 =	vld.idx.msk [tilespmem:v9+s8+$0x0], $0xffff;
	[tilespmem:s10+$0x0] =	vst v10  }
0xb7: {  	s15 =	sor.u32 s12, s14;
	v9 =	vor.u32 $0xA, v0;
	v10 =	vld.idx.msk [tilespmem:v11+s8+$0x0], $0xffff  }
0xb8: {  	[tilespmem:s15+$0x0] =	vst v3;
	v11 =	vor.u32 $0x1D, v7  }
0xb9: {  	s1 =	sor.u32 s21, s9;
	v3 =	vld.idx.msk [tilespmem:v4+s8+$0x0], $0xffff  }
0xba: {  	s16 =	sor.u32 $0x14080, s23;
	s0 =	sor.u32 s11, s14;
	v4 =	vor.u32 $0xB, v1;
	[tilespmem:s1+$0x0] =	vst v5  }
0xbb: {  	s17 =	sor.u32 s22, s16;
	v5 =	vld.idx.msk [tilespmem:v6+s8+$0x0], $0xffff;
	[tilespmem:s0+$0x0] =	vst v8  }
0xbc: {  	s18 =	sadd.s32 $0x11780, s13;
	v6 =	vor.u32 $0x1D, v2;
	v8 =	vld.idx.msk [tilespmem:v9+s8+$0x0], $0xffff;
	[tilespmem:s17+$0x0] =	vst v10  }
0xbd: {  	s19 =	sor.u32 s12, s18;
	v9 =	vor.u32 $0xB, v0;
	v10 =	vld.idx.msk [tilespmem:v11+s8+$0x0], $0xffff  }
0xbe: {  	[tilespmem:s19+$0x0] =	vst v3;
	v11 =	vor.u32 $0x1E, v7  }
0xbf: {  	s1 =	sor.u32 s21, s16;
	v3 =	vld.idx.msk [tilespmem:v4+s8+$0x0], $0xffff  }
0xc0: {  	s20 =	sor.u32 $0x14100, s23;
	s0 =	sor.u32 s11, s18;
	v4 =	vor.u32 $0xC, v1;
	[tilespmem:s1+$0x0] =	vst v5  }
0xc1: {  	s24 =	sor.u32 s22, s20;
	v5 =	vld.idx.msk [tilespmem:v6+s8+$0x0], $0xffff;
	[tilespmem:s0+$0x0] =	vst v8  }
0xc2: {  	s25 =	sadd.s32 $0x11800, s13;
	v6 =	vor.u32 $0x1E, v2;
	v8 =	vld.idx.msk [tilespmem:v9+s8+$0x0], $0xffff;
	[tilespmem:s24+$0x0] =	vst v10  }
0xc3: {  	s26 =	sor.u32 s12, s25;
	v9 =	vor.u32 $0xC, v0;
	v10 =	vld.idx.msk [tilespmem:v11+s8+$0x0], $0xffff  }
0xc4: {  	[tilespmem:s26+$0x0] =	vst v3;
	v11 =	vor.u32 $0x1F, v7  }
0xc5: {  	s1 =	sor.u32 s21, s20;
	v3 =	vld.idx.msk [tilespmem:v4+s8+$0x0], $0xffff  }
0xc6: {  	s2 =	sor.u32 $0x14180, s23;
	s0 =	sor.u32 s11, s25;
	v4 =	vor.u32 $0xD, v1;
	[tilespmem:s1+$0x0] =	vst v5  }
0xc7: {  	s3 =	sor.u32 s22, s2;
	v5 =	vld.idx.msk [tilespmem:v6+s8+$0x0], $0xffff;
	[tilespmem:s0+$0x0] =	vst v8  }
0xc8: {  	s4 =	sadd.s32 $0x11880, s13;
	v6 =	vor.u32 $0x1F, v2;
	v8 =	vld.idx.msk [tilespmem:v9+s8+$0x0], $0xffff;
	[tilespmem:s3+$0x0] =	vst v10  }
0xc9: {  	s5 =	sor.u32 s12, s4;
	v9 =	vor.u32 $0xD, v0;
	v10 =	vld.idx.msk [tilespmem:v11+s8+$0x0], $0xffff  }
0xca: {  	[tilespmem:s5+$0x0] =	vst v3;
	v11 =	vor.u32 $0x20, v7  }
0xcb: {  	s1 =	sor.u32 s21, s2;
	v3 =	vld.idx.msk [tilespmem:v4+s8+$0x0], $0xffff  }
0xcc: {  	s6 =	sor.u32 $0x14200, s23;
	s0 =	sor.u32 s11, s4;
	v4 =	vor.u32 $0xE, v1;
	[tilespmem:s1+$0x0] =	vst v5  }
0xcd: {  	s7 =	sor.u32 s22, s6;
	v5 =	vld.idx.msk [tilespmem:v6+s8+$0x0], $0xffff;
	[tilespmem:s0+$0x0] =	vst v8  }
0xce: {  	s9 =	sadd.s32 $0x11900, s13;
	v6 =	vor.u32 $0x20, v2;
	v8 =	vld.idx.msk [tilespmem:v9+s8+$0x0], $0xffff;
	[tilespmem:s7+$0x0] =	vst v10  }
0xcf: {  	s10 =	sor.u32 s12, s9;
	v9 =	vor.u32 $0xE, v0;
	v10 =	vld.idx.msk [tilespmem:v11+s8+$0x0], $0xffff  }
0xd0: {  	[tilespmem:s10+$0x0] =	vst v3;
	v11 =	vor.u32 $0x21, v7  }
0xd1: {  	s1 =	sor.u32 s21, s6;
	v3 =	vld.idx.msk [tilespmem:v4+s8+$0x0], $0xffff  }
0xd2: {  	s14 =	sadd.s32 $0x15280, s23;
	s0 =	sor.u32 s11, s9;
	v4 =	vor.u32 $0xF, v1;
	[tilespmem:s1+$0x0] =	vst v5  }
0xd3: {  	s15 =	sor.u32 s22, s14;
	v5 =	vld.idx.msk [tilespmem:v6+s8+$0x0], $0xffff;
	[tilespmem:s0+$0x0] =	vst v8  }
0xd4: {  	s16 =	sadd.s32 $0x11980, s13;
	v6 =	vor.u32 $0x21, v2;
	v8 =	vld.idx.msk [tilespmem:v9+s8+$0x0], $0xffff;
	[tilespmem:s15+$0x0] =	vst v10  }
0xd5: {  	s17 =	sor.u32 s12, s16;
	v9 =	vor.u32 $0xF, v0;
	v10 =	vld.idx.msk [tilespmem:v11+s8+$0x0], $0xffff  }
0xd6: {  	[tilespmem:s17+$0x0] =	vst v3;
	v11 =	vor.u32 $0x22, v7  }
0xd7: {  	s1 =	sor.u32 s21, s14;
	v3 =	vld.idx.msk [tilespmem:v4+s8+$0x0], $0xffff  }
0xd8: {  	s18 =	sadd.s32 $0x15300, s23;
	s0 =	sor.u32 s11, s16;
	v4 =	vor.u32 $0x10, v1;
	[tilespmem:s1+$0x0] =	vst v5  }
0xd9: {  	s19 =	sor.u32 s22, s18;
	v5 =	vld.idx.msk [tilespmem:v6+s8+$0x0], $0xffff;
	[tilespmem:s0+$0x0] =	vst v8  }
0xda: {  	s20 =	sadd.s32 $0x11A00, s13;
	v6 =	vor.u32 $0x22, v2;
	v8 =	vld.idx.msk [tilespmem:v9+s8+$0x0], $0xffff;
	[tilespmem:s19+$0x0] =	vst v10  }
0xdb: {  	s24 =	sor.u32 s12, s20;
	v9 =	vor.u32 $0x10, v0;
	v10 =	vld.idx.msk [tilespmem:v11+s8+$0x0], $0xffff  }
0xdc: {  	[tilespmem:s24+$0x0] =	vst v3;
	v11 =	vor.u32 $0x23, v7  }
0xdd: {  	s1 =	sor.u32 s21, s18;
	v3 =	vld.idx.msk [tilespmem:v4+s8+$0x0], $0xffff  }
0xde: {  	s25 =	sadd.s32 $0x15380, s23;
	s0 =	sor.u32 s11, s20;
	v4 =	vor.u32 $0x11, v1;
	[tilespmem:s1+$0x0] =	vst v5  }
0xdf: {  	s26 =	sor.u32 s22, s25;
	v5 =	vld.idx.msk [tilespmem:v6+s8+$0x0], $0xffff;
	[tilespmem:s0+$0x0] =	vst v8  }
0xe0: {  	s2 =	sadd.s32 $0x12A80, s13;
	v6 =	vor.u32 $0x23, v2;
	s0 =	simm.s32 $0x40;
	v8 =	vld.idx.msk [tilespmem:v9+s8+$0x0], $0xffff;
	[tilespmem:s26+$0x0] =	vst v10  }
0xe1: {  	s5 =	sor.u32 s12, s2;
	s14 =	sand.u32 $0x60, s0;
	v10 =	vor.u32 $0x11, v0;
	v9 =	vld.idx.msk [tilespmem:v11+s8+$0x0], $0xffff  }
0xe2: {  	v12 =	vor.u32 $0x24, v7;
	s6 =	sand.u32 $0x380, s0;
	s15 =	sor.u32 $0x10, s14;
	[tilespmem:s5+$0x0] =	vst v3;
	v11 =	vld [tilespmem:s0+$0x0]  }
0xe3: {  	s1 =	sor.u32 s21, s25;
	s7 =	sor.u32 s15, s6;
	v3 =	vld.idx.msk [tilespmem:v4+s8+$0x0], $0xffff  }
0xe4: {  	s9 =	sor.u32 s11, s2;
	s10 =	sadd.s32 $0x15400, s23;
	[tilespmem:s1+$0x0] =	vst v5;
	v4 =	vld [tilespmem:s7+$0x0]  }
0xe5: {  	s16 =	sor.u32 s22, s10;
	v5 =	vld.idx.msk [tilespmem:v6+s8+$0x0], $0xffff;
	v6 =	vor.u32 $0x12, v1;
	[tilespmem:s9+$0x0] =	vst v8  }
0xe6: {  	v8 =	vor.u32 $0x24, v2;
	v10 =	vld.idx.msk [tilespmem:v10+s8+$0x0], $0xffff;
	[tilespmem:s16+$0x0] =	vst v9  }
0xe7: {  	s17 =	sadd.s32 $0x12B00, s13;
	v9 =	vld.idx.msk [tilespmem:v12+s8+$0x0], $0xffff;
	v12 =	vor.u32 $0x12, v0  }
0xe8: {  	v13 =	vor.u32 $0x25, v7;
	s18 =	sor.u32 s12, s17  }
0xe9: {  	s3 =	sor.u32 s21, s10;
	[tilespmem:s18+$0x0] =	vst v3;
	v4 =	vshll.u32 v4, $0x6  }
0xea: {  	s19 =	sadd.s32 $0x15480, s23;
	s1 =	sor.u32 s11, s17;
	v3 =	vshll.u32 v11, $0x6;
	[tilespmem:s3+$0x0] =	vst v5;
	v5 =	vld.idx.msk [tilespmem:v6+s8+$0x0], $0xffff  }
0xeb: {  	s20 =	sor.u32 s22, s19;
	v6 =	vld.idx.msk [tilespmem:v8+s8+$0x0], $0xffff;
	v8 =	vor.u32 $0x13, v1;
	[tilespmem:s1+$0x0] =	vst v10  }
0xec: {  	v10 =	vor.u32 $0x25, v2;
	v11 =	vld.idx.msk [tilespmem:v12+s8+$0x0], $0xffff;
	[tilespmem:s20+$0x0] =	vst v9  }
0xed: {  	s24 =	sadd.s32 $0x12B80, s13;
	v12 =	vor.u32 $0x13, v0;
	v9 =	vld.idx.msk [tilespmem:v13+s8+$0x0], $0xffff  }
0xee: {  	v14 =	vor.u32 $0x26, v7;
	s25 =	sor.u32 s12, s24;
	v13 =	vld.idx.msk [tilespmem:v4+s8+$0x0], $0xffff  }
0xef: {  	s3 =	sor.u32 s21, s19;
	v16 =	vor.u32 $0x1, v4;
	s1 =	simm.s32 $0x200;
	v15 =	vld.idx.msk [tilespmem:v3+s8+$0x0], $0xffff;
	[tilespmem:s25+$0x0] =	vst v5  }
0xf0: {  	s2 =	sadd.s32 $0x15500, s23;
	s26 =	sor.u32 s11, s24;
	s16 =	sand.u32 $0x1C00, s1;
	v5 =	vor.u32 $0x1, v3;
	[tilespmem:s3+$0x0] =	vst v6;
	v6 =	vld.idx.msk [tilespmem:v8+s8+$0x0], $0xffff  }
0xf1: {  	s9 =	sor.u32 s22, s2;
	s7 =	sor.u32 $0x10280, s16;
	v8 =	vld.idx.msk [tilespmem:v10+s8+$0x0], $0xffff;
	v10 =	vor.u32 $0x14, v1;
	[tilespmem:s26+$0x0] =	vst v11  }
0xf2: {  	s4 =	sor.u32 s15, s7;
	v11 =	vld.idx.msk [tilespmem:v12+s8+$0x0], $0xffff;
	[tilespmem:s9+$0x0] =	vst v9;
	v9 =	vor.u32 $0x26, v2  }
0xf3: {  	s10 =	sadd.s32 $0x12C00, s13;
	s3 =	sor.u32 s14, s7;
	[tilespmem:s4+$0x0] =	vst v13;
	v13 =	vor.u32 $0x14, v0;
	v12 =	vld.idx.msk [tilespmem:v14+s8+$0x0], $0xffff  }
0xf4: {  	[tilespmem:s3+$0x0] =	vst v15;
	v15 =	vor.u32 $0x27, v7;
	s9 =	sor.u32 s12, s10;
	v14 =	vld.idx.msk [tilespmem:v16+s8+$0x0], $0xffff  }
0xf5: {  	s5 =	sor.u32 s21, s2;
	v5 =	vld.idx.msk [tilespmem:v5+s8+$0x0], $0xffff;
	v16 =	vor.u32 $0x2, v4;
	[tilespmem:s9+$0x0] =	vst v6  }
0xf6: {  	s6 =	sor.u32 s11, s10;
	s17 =	sadd.s32 $0x15580, s23;
	v6 =	vor.u32 $0x2, v3;
	v10 =	vld.idx.msk [tilespmem:v10+s8+$0x0], $0xffff;
	[tilespmem:s5+$0x0] =	vst v8  }
0xf7: {  	s18 =	sor.u32 s22, s17;
	[tilespmem:s6+$0x0] =	vst v11;
	v8 =	vld.idx.msk [tilespmem:v9+s8+$0x0], $0xffff;
	v9 =	vor.u32 $0x15, v1  }
0xf8: {  	v11 =	vld.idx.msk [tilespmem:v13+s8+$0x0], $0xffff;
	[tilespmem:s18+$0x0] =	vst v12;
	v12 =	vor.u32 $0x27, v2  }
0xf9: {  	s19 =	sadd.s32 $0x12C80, s13;
	[tilespmem:s4+$0x80] =	vst v14;
	v14 =	vor.u32 $0x15, v0;
	v13 =	vld.idx.msk [tilespmem:v15+s8+$0x0], $0xffff  }
0xfa: {  	s20 =	sor.u32 s12, s19;
	[tilespmem:s3+$0x80] =	vst v5;
	v5 =	vld.idx.msk [tilespmem:v16+s8+$0x0], $0xffff;
	v15 =	vor.u32 $0x28, v7  }
0xfb: {  	s5 =	sor.u32 s21, s17;
	v6 =	vld.idx.msk [tilespmem:v6+s8+$0x0], $0xffff;
	v16 =	vor.u32 $0x3, v4;
	[tilespmem:s20+$0x0] =	vst v10  }
0xfc: {  	s24 =	sadd.s32 $0x15600, s23;
	s6 =	sor.u32 s11, s19;
	v10 =	vor.u32 $0x3, v3;
	v9 =	vld.idx.msk [tilespmem:v9+s8+$0x0], $0xffff;
	[tilespmem:s5+$0x0] =	vst v8  }
0xfd: {  	s25 =	sor.u32 s22, s24;
	[tilespmem:s6+$0x0] =	vst v11;
	v8 =	vld.idx.msk [tilespmem:v12+s8+$0x0], $0xffff;
	v11 =	vor.u32 $0x16, v1  }
0xfe: {  	v12 =	vld.idx.msk [tilespmem:v14+s8+$0x0], $0xffff;
	[tilespmem:s25+$0x0] =	vst v13;
	v13 =	vor.u32 $0x28, v2  }
0xff: {  	s26 =	sadd.s32 $0x12D00, s13;
	[tilespmem:s4+$0x100] =	vst v5;
	v14 =	vor.u32 $0x16, v0;
	v5 =	vld.idx.msk [tilespmem:v15+s8+$0x0], $0xffff  }
0x100: {  	s2 =	sor.u32 s12, s26;
	[tilespmem:s3+$0x100] =	vst v6;
	v6 =	vld.idx.msk [tilespmem:v16+s8+$0x0], $0xffff;
	v15 =	vor.u32 $0x29, v7  }
0x101: {  	s5 =	sor.u32 s21, s24;
	v10 =	vld.idx.msk [tilespmem:v10+s8+$0x0], $0xffff;
	v16 =	vor.u32 $0x4, v4;
	[tilespmem:s2+$0x0] =	vst v9  }
0x102: {  	s7 =	sadd.s32 $0x16680, s23;
	s6 =	sor.u32 s11, s26;
	v9 =	vor.u32 $0x4, v3;
	v11 =	vld.idx.msk [tilespmem:v11+s8+$0x0], $0xffff;
	[tilespmem:s5+$0x0] =	vst v8  }
0x103: {  	s9 =	sor.u32 s22, s7;
	[tilespmem:s6+$0x0] =	vst v12;
	v8 =	vld.idx.msk [tilespmem:v13+s8+$0x0], $0xffff;
	v12 =	vor.u32 $0x17, v1  }
0x104: {  	v13 =	vld.idx.msk [tilespmem:v14+s8+$0x0], $0xffff;
	[tilespmem:s9+$0x0] =	vst v5;
	v5 =	vor.u32 $0x29, v2  }
0x105: {  	s10 =	sadd.s32 $0x12D80, s13;
	[tilespmem:s4+$0x180] =	vst v6;
	v14 =	vor.u32 $0x17, v0;
	v6 =	vld.idx.msk [tilespmem:v15+s8+$0x0], $0xffff  }
0x106: {  	s17 =	sor.u32 s12, s10;
	[tilespmem:s3+$0x180] =	vst v10;
	v10 =	vld.idx.msk [tilespmem:v16+s8+$0x0], $0xffff;
	v15 =	vor.u32 $0x2A, v7  }
0x107: {  	s5 =	sor.u32 s21, s7;
	v16 =	vor.u32 $0x5, v4;
	v9 =	vld.idx.msk [tilespmem:v9+s8+$0x0], $0xffff;
	[tilespmem:s17+$0x0] =	vst v11  }
0x108: {  	s18 =	sadd.s32 $0x16700, s23;
	s6 =	sor.u32 s11, s10;
	v11 =	vor.u32 $0x5, v3;
	v12 =	vld.idx.msk [tilespmem:v12+s8+$0x0], $0xffff;
	[tilespmem:s5+$0x0] =	vst v8  }
0x109: {  	s19 =	sor.u32 s22, s18;
	v8 =	vor.u32 $0x18, v1;
	[tilespmem:s6+$0x0] =	vst v13;
	v5 =	vld.idx.msk [tilespmem:v5+s8+$0x0], $0xffff  }
0x10a: {  	v13 =	vld.idx.msk [tilespmem:v14+s8+$0x0], $0xffff;
	[tilespmem:s19+$0x0] =	vst v6;
	v6 =	vor.u32 $0x2A, v2  }
0x10b: {  	s20 =	sadd.s32 $0x12E00, s13;
	[tilespmem:s4+$0x200] =	vst v10;
	v14 =	vor.u32 $0x18, v0;
	v10 =	vld.idx.msk [tilespmem:v15+s8+$0x0], $0xffff  }
0x10c: {  	s24 =	sor.u32 s12, s20;
	[tilespmem:s3+$0x200] =	vst v9;
	v9 =	vld.idx.msk [tilespmem:v16+s8+$0x0], $0xffff;
	v15 =	vor.u32 $0x2B, v7  }
0x10d: {  	s5 =	sor.u32 s21, s18;
	v16 =	vor.u32 $0x6, v4;
	v11 =	vld.idx.msk [tilespmem:v11+s8+$0x0], $0xffff;
	[tilespmem:s24+$0x0] =	vst v12  }
0x10e: {  	s25 =	sadd.s32 $0x16780, s23;
	s6 =	sor.u32 s11, s20;
	v12 =	vor.u32 $0x6, v3;
	v8 =	vld.idx.msk [tilespmem:v8+s8+$0x0], $0xffff;
	[tilespmem:s5+$0x0] =	vst v5  }
0x10f: {  	s26 =	sor.u32 s22, s25;
	[tilespmem:s6+$0x0] =	vst v13;
	v5 =	vld.idx.msk [tilespmem:v6+s8+$0x0], $0xffff;
	v6 =	vor.u32 $0x19, v1  }
0x110: {  	v13 =	vld.idx.msk [tilespmem:v14+s8+$0x0], $0xffff;
	[tilespmem:s26+$0x0] =	vst v10;
	v10 =	vor.u32 $0x2B, v2  }
0x111: {  	s2 =	sadd.s32 $0x13E80, s13;
	s7 =	simm.s32 $0x2;
	[tilespmem:s4+$0x280] =	vst v9;
	v14 =	vor.u32 $0x19, v0;
	v9 =	vld.idx.msk [tilespmem:v15+s8+$0x0], $0xffff  }
0x112: {  	s10 =	sor.u32 s12, s2;
	s9 =	sand.u32 $0x3, s7;
	[tilespmem:s3+$0x280] =	vst v11;
	v11 =	vld.idx.msk [tilespmem:v16+s8+$0x0], $0xffff;
	v15 =	vor.u32 $0x2C, v7  }
0x113: {  	s5 =	sor.u32 s21, s25;
	s3 =	sshll.u32 s9, $0x5;
	v16 =	vor.u32 $0x7, v4;
	v12 =	vld.idx.msk [tilespmem:v12+s8+$0x0], $0xffff;
	[tilespmem:s10+$0x0] =	vst v8  }
0x114: {  	s17 =	sadd.s32 $0x16800, s23;
	s4 =	sor.u32 s11, s2;
	s3 =	sadd.s32 $0x200, s3;
	v8 =	vor.u32 $0x7, v3;
	v6 =	vld.idx.msk [tilespmem:v6+s8+$0x0], $0xffff;
	[tilespmem:s5+$0x0] =	vst v5  }
0x115: {  	s19 =	sor.u32 s22, s17;
	s18 =	sadd.s32 $0x10, s3;
	[tilespmem:s4+$0x0] =	vst v13;
	v5 =	vld.idx.msk [tilespmem:v10+s8+$0x0], $0xffff;
	v10 =	vor.u32 $0x1A, v1  }
0x116: {  	s20 =	sor.u32 $0x300, s18;
	v13 =	vld.idx.msk [tilespmem:v14+s8+$0x0], $0xffff;
	[tilespmem:s19+$0x0] =	vst v9;
	v9 =	vor.u32 $0x2C, v2  }
0x117: {  	s24 =	sadd.s32 $0x13F00, s13;
	s3 =	sor.u32 $0x300, s3;
	[tilespmem:s20+$0x10280] =	vst v11;
	v14 =	vor.u32 $0x1A, v0;
	v11 =	vld.idx.msk [tilespmem:v15+s8+$0x0], $0xffff  }
0x118: {  	s25 =	sor.u32 s12, s24;
	[tilespmem:s3+$0x10280] =	vst v12;
	v12 =	vld.idx.msk [tilespmem:v16+s8+$0x0], $0xffff  }
0x119: {  	s5 =	sor.u32 s21, s17;
	v15 =	vor.u32 $0x2D, v7;
	v8 =	vld.idx.msk [tilespmem:v8+s8+$0x0], $0xffff;
	[tilespmem:s25+$0x0] =	vst v6  }
0x11a: {  	s26 =	sor.u32 s11, s24;
	v16 =	vor.u32 $0x8, v4;
	v10 =	vld.idx.msk [tilespmem:v10+s8+$0x0], $0xffff;
	[tilespmem:s5+$0x0] =	vst v5  }
0x11b: {  	s2 =	sadd.s32 $0x16880, s23;
	v6 =	vor.u32 $0x8, v3;
	[tilespmem:s26+$0x0] =	vst v13;
	v9 =	vld.idx.msk [tilespmem:v9+s8+$0x0], $0xffff  }
0x11c: {  	s20 =	simm.s32 $0x60;
	s5 =	sor.u32 s22, s2;
	v13 =	vld.idx.msk [tilespmem:v14+s8+$0x0], $0xffff;
	v14 =	vor.u32 $0x1B, v1  }
0x11d: {  	s0 =	sor.u32 s1, s0;
	s6 =	sor.u32 $0x380, s18;
	v5 =	vld [tilespmem:s20+$0x0];
	[tilespmem:s5+$0x0] =	vst v11;
	v11 =	vor.u32 $0x2D, v2  }
0x11e: {  	s0 =	sor.u32 $0x380, s0;
	s7 =	sadd.s32 $0x13F80, s13;
	[tilespmem:s6+$0x10280] =	vst v12;
	v12 =	vld.idx.msk [tilespmem:v15+s8+$0x0], $0xffff;
	v15 =	vor.u32 $0x1B, v0  }
0x11f: {  	s9 =	sor.u32 s12, s7;
	[tilespmem:s0+$0x10280] =	vst v8;
	v8 =	vld.idx.msk [tilespmem:v16+s8+$0x0], $0xffff;
	v16 =	vor.u32 $0x2E, v7  }
0x120: {  	v17 =	vor.u32 $0x9, v4;
	s10 =	sor.u32 s21, s2;
	v6 =	vld.idx.msk [tilespmem:v6+s8+$0x0], $0xffff;
	[tilespmem:s9+$0x0] =	vst v10  }
0x121: {  	s17 =	sadd.s32 $0x16900, s23;
	s0 =	sor.u32 s11, s7;
	v10 =	vor.u32 $0x9, v3;
	[tilespmem:s10+$0x0] =	vst v9;
	v14 =	vld.idx.msk [tilespmem:v14+s8+$0x0], $0xffff  }
0x122: {  	s18 =	sadd.s32 $0x11680, s16;
	s19 =	sor.u32 s22, s17;
	[tilespmem:s0+$0x0] =	vst v13;
	v9 =	vld.idx.msk [tilespmem:v11+s8+$0x0], $0xffff;
	v11 =	vor.u32 $0x1C, v1  }
0x123: {  	s24 =	sor.u32 s15, s18;
	v13 =	vld.idx.msk [tilespmem:v15+s8+$0x0], $0xffff;
	[tilespmem:s19+$0x0] =	vst v12;
	v12 =	vor.u32 $0x2E, v2  }
0x124: {  	s25 =	sor.u32 s14, s18;
	s26 =	sor.u32 $0x14000, s13;
	[tilespmem:s24+$0x0] =	vst v8;
	v15 =	vor.u32 $0x1C, v0;
	v8 =	vld.idx.msk [tilespmem:v16+s8+$0x0], $0xffff  }
0x125: {  	s2 =	sor.u32 s12, s26;
	[tilespmem:s25+$0x0] =	vst v6;
	v6 =	vld.idx.msk [tilespmem:v17+s8+$0x0], $0xffff;
	v16 =	vor.u32 $0x2F, v7  }
0x126: {  	s1 =	sor.u32 s21, s17;
	v17 =	vor.u32 $0xA, v4;
	v10 =	vld.idx.msk [tilespmem:v10+s8+$0x0], $0xffff;
	[tilespmem:s2+$0x0] =	vst v14  }
0x127: {  	s4 =	sor.u32 s11, s26;
	s5 =	sadd.s32 $0x16980, s23;
	v14 =	vor.u32 $0xA, v3;
	[tilespmem:s1+$0x0] =	vst v9;
	v11 =	vld.idx.msk [tilespmem:v11+s8+$0x0], $0xffff  }
0x128: {  	s6 =	sadd.s32 $0x11700, s16;
	s7 =	sor.u32 s22, s5;
	[tilespmem:s4+$0x0] =	vst v13;
	v9 =	vld.idx.msk [tilespmem:v12+s8+$0x0], $0xffff;
	v12 =	vor.u32 $0x1D, v1  }
0x129: {  	s9 =	sor.u32 s15, s6;
	v13 =	vld.idx.msk [tilespmem:v15+s8+$0x0], $0xffff;
	[tilespmem:s7+$0x0] =	vst v8;
	v8 =	vor.u32 $0x2F, v2  }
0x12a: {  	s17 =	sor.u32 $0x14080, s13;
	s10 =	sor.u32 s14, s6;
	[tilespmem:s9+$0x0] =	vst v6;
	v15 =	vor.u32 $0x1D, v0;
	v6 =	vld.idx.msk [tilespmem:v16+s8+$0x0], $0xffff  }
0x12b: {  	s18 =	sor.u32 s12, s17;
	[tilespmem:s10+$0x0] =	vst v10;
	v10 =	vld.idx.msk [tilespmem:v17+s8+$0x0], $0xffff;
	v16 =	vor.u32 $0x30, v7  }
0x12c: {  	s1 =	sor.u32 s21, s5;
	v17 =	vor.u32 $0xB, v4;
	v14 =	vld.idx.msk [tilespmem:v14+s8+$0x0], $0xffff;
	[tilespmem:s18+$0x0] =	vst v11  }
0x12d: {  	s19 =	sor.u32 s11, s17;
	s24 =	sadd.s32 $0x16A00, s23;
	v11 =	vor.u32 $0xB, v3;
	[tilespmem:s1+$0x0] =	vst v9;
	v12 =	vld.idx.msk [tilespmem:v12+s8+$0x0], $0xffff  }
0x12e: {  	s25 =	sadd.s32 $0x11780, s16;
	s26 =	sor.u32 s22, s24;
	v9 =	vor.u32 $0x1E, v1;
	[tilespmem:s19+$0x0] =	vst v13;
	v8 =	vld.idx.msk [tilespmem:v8+s8+$0x0], $0xffff  }
0x12f: {  	s2 =	sor.u32 s15, s25;
	v13 =	vld.idx.msk [tilespmem:v15+s8+$0x0], $0xffff;
	[tilespmem:s26+$0x0] =	vst v6;
	v6 =	vor.u32 $0x30, v2  }
0x130: {  	s3 =	sor.u32 s14, s25;
	s4 =	sor.u32 $0x14100, s13;
	[tilespmem:s2+$0x0] =	vst v10;
	v15 =	vor.u32 $0x1E, v0;
	v10 =	vld.idx.msk [tilespmem:v16+s8+$0x0], $0xffff  }
0x131: {  	s5 =	sor.u32 s12, s4;
	v16 =	vor.u32 $0x31, v7;
	[tilespmem:s3+$0x0] =	vst v14;
	v14 =	vld.idx.msk [tilespmem:v17+s8+$0x0], $0xffff  }
0x132: {  	s1 =	sor.u32 s21, s24;
	v17 =	vor.u32 $0xC, v4;
	v11 =	vld.idx.msk [tilespmem:v11+s8+$0x0], $0xffff;
	[tilespmem:s5+$0x0] =	vst v12  }
0x133: {  	s6 =	sor.u32 s11, s4;
	s7 =	sadd.s32 $0x17A80, s23;
	v12 =	vor.u32 $0xC, v3;
	[tilespmem:s1+$0x0] =	vst v8;
	v9 =	vld.idx.msk [tilespmem:v9+s8+$0x0], $0xffff  }
0x134: {  	s9 =	sadd.s32 $0x11800, s16;
	s10 =	sor.u32 s22, s7;
	v8 =	vor.u32 $0x1F, v1;
	[tilespmem:s6+$0x0] =	vst v13;
	v6 =	vld.idx.msk [tilespmem:v6+s8+$0x0], $0xffff  }
0x135: {  	s17 =	sor.u32 s15, s9;
	v13 =	vld.idx.msk [tilespmem:v15+s8+$0x0], $0xffff;
	[tilespmem:s10+$0x0] =	vst v10;
	v10 =	vor.u32 $0x31, v2  }
0x136: {  	s18 =	sor.u32 s14, s9;
	s19 =	sor.u32 $0x14180, s13;
	v15 =	vor.u32 $0x1F, v0;
	[tilespmem:s17+$0x0] =	vst v14;
	v14 =	vld.idx.msk [tilespmem:v16+s8+$0x0], $0xffff  }
0x137: {  	s24 =	sor.u32 s12, s19;
	v16 =	vor.u32 $0x32, v7;
	[tilespmem:s18+$0x0] =	vst v11;
	v11 =	vld.idx.msk [tilespmem:v17+s8+$0x0], $0xffff  }
0x138: {  	s1 =	sor.u32 s21, s7;
	v17 =	vor.u32 $0xD, v4;
	v12 =	vld.idx.msk [tilespmem:v12+s8+$0x0], $0xffff;
	[tilespmem:s24+$0x0] =	vst v9  }
0x139: {  	s25 =	sor.u32 s11, s19;
	s26 =	sadd.s32 $0x17B00, s23;
	v9 =	vor.u32 $0xD, v3;
	[tilespmem:s1+$0x0] =	vst v6;
	v8 =	vld.idx.msk [tilespmem:v8+s8+$0x0], $0xffff  }
0x13a: {  	s2 =	sadd.s32 $0x11880, s16;
	s4 =	sor.u32 s22, s26;
	[tilespmem:s25+$0x0] =	vst v13;
	v6 =	vld.idx.msk [tilespmem:v10+s8+$0x0], $0xffff;
	v10 =	vor.u32 $0x20, v1  }
0x13b: {  	s5 =	sor.u32 s15, s2;
	v13 =	vld.idx.msk [tilespmem:v15+s8+$0x0], $0xffff;
	[tilespmem:s4+$0x0] =	vst v14;
	v14 =	vor.u32 $0x32, v2  }
0x13c: {  	s7 =	sor.u32 $0x14200, s13;
	s6 =	sor.u32 s14, s2;
	v15 =	vor.u32 $0x20, v0;
	[tilespmem:s5+$0x0] =	vst v11;
	v11 =	vld.idx.msk [tilespmem:v16+s8+$0x0], $0xffff  }
0x13d: {  	s9 =	sor.u32 s12, s7;
	v16 =	vor.u32 $0x33, v7;
	[tilespmem:s6+$0x0] =	vst v12;
	v12 =	vld.idx.msk [tilespmem:v17+s8+$0x0], $0xffff  }
0x13e: {  	s1 =	sor.u32 s21, s26;
	v17 =	vor.u32 $0xE, v4;
	v9 =	vld.idx.msk [tilespmem:v9+s8+$0x0], $0xffff;
	[tilespmem:s9+$0x0] =	vst v8  }
0x13f: {  	s10 =	sor.u32 s11, s7;
	s17 =	sadd.s32 $0x17B80, s23;
	v8 =	vor.u32 $0xE, v3;
	[tilespmem:s1+$0x0] =	vst v6;
	v10 =	vld.idx.msk [tilespmem:v10+s8+$0x0], $0xffff  }
0x140: {  	s18 =	sadd.s32 $0x11900, s16;
	s19 =	sor.u32 s22, s17;
	[tilespmem:s10+$0x0] =	vst v13;
	v6 =	vld.idx.msk [tilespmem:v14+s8+$0x0], $0xffff;
	v13 =	vor.u32 $0x21, v1  }
0x141: {  	s24 =	sor.u32 s15, s18;
	v14 =	vld.idx.msk [tilespmem:v15+s8+$0x0], $0xffff;
	[tilespmem:s19+$0x0] =	vst v11;
	v11 =	vor.u32 $0x33, v2  }
0x142: {  	s26 =	sadd.s32 $0x15280, s13;
	s25 =	sor.u32 s14, s18;
	v15 =	vor.u32 $0x21, v0;
	[tilespmem:s24+$0x0] =	vst v12;
	v12 =	vld.idx.msk [tilespmem:v16+s8+$0x0], $0xffff  }
0x143: {  	s2 =	sor.u32 s12, s26;
	v16 =	vor.u32 $0x34, v7;
	[tilespmem:s25+$0x0] =	vst v9;
	v9 =	vld.idx.msk [tilespmem:v17+s8+$0x0], $0xffff  }
0x144: {  	s1 =	sor.u32 s21, s17;
	v17 =	vor.u32 $0xF, v4;
	v8 =	vld.idx.msk [tilespmem:v8+s8+$0x0], $0xffff;
	[tilespmem:s2+$0x0] =	vst v10  }
0x145: {  	s4 =	sor.u32 s11, s26;
	s5 =	sadd.s32 $0x17C00, s23;
	v10 =	vor.u32 $0xF, v3;
	[tilespmem:s1+$0x0] =	vst v6;
	v13 =	vld.idx.msk [tilespmem:v13+s8+$0x0], $0xffff  }
0x146: {  	s6 =	sadd.s32 $0x11980, s16;
	s7 =	sor.u32 s22, s5;
	[tilespmem:s4+$0x0] =	vst v14;
	v6 =	vld.idx.msk [tilespmem:v11+s8+$0x0], $0xffff;
	v11 =	vor.u32 $0x22, v1  }
0x147: {  	s9 =	sor.u32 s15, s6;
	v14 =	vld.idx.msk [tilespmem:v15+s8+$0x0], $0xffff;
	[tilespmem:s7+$0x0] =	vst v12;
	v12 =	vor.u32 $0x34, v2  }
0x148: {  	s17 =	sadd.s32 $0x15300, s13;
	s10 =	sor.u32 s14, s6;
	v15 =	vor.u32 $0x22, v0;
	[tilespmem:s9+$0x0] =	vst v9;
	v9 =	vld.idx.msk [tilespmem:v16+s8+$0x0], $0xffff  }
0x149: {  	s18 =	sor.u32 s12, s17;
	v16 =	vor.u32 $0x35, v7;
	[tilespmem:s10+$0x0] =	vst v8;
	v8 =	vld.idx.msk [tilespmem:v17+s8+$0x0], $0xffff  }
0x14a: {  	s1 =	sor.u32 s21, s5;
	v17 =	vor.u32 $0x10, v4;
	v10 =	vld.idx.msk [tilespmem:v10+s8+$0x0], $0xffff;
	[tilespmem:s18+$0x0] =	vst v13  }
0x14b: {  	s19 =	sor.u32 s11, s17;
	s24 =	sadd.s32 $0x17C80, s23;
	v13 =	vor.u32 $0x10, v3;
	[tilespmem:s1+$0x0] =	vst v6;
	v11 =	vld.idx.msk [tilespmem:v11+s8+$0x0], $0xffff  }
0x14c: {  	s25 =	sadd.s32 $0x11A00, s16;
	s26 =	sor.u32 s22, s24;
	[tilespmem:s19+$0x0] =	vst v14;
	v6 =	vld.idx.msk [tilespmem:v12+s8+$0x0], $0xffff;
	v12 =	vor.u32 $0x23, v1  }
0x14d: {  	s2 =	sor.u32 s15, s25;
	v14 =	vld.idx.msk [tilespmem:v15+s8+$0x0], $0xffff;
	[tilespmem:s26+$0x0] =	vst v9;
	v9 =	vor.u32 $0x35, v2  }
0x14e: {  	s6 =	sadd.s32 $0x15380, s13;
	s5 =	sor.u32 s14, s25;
	v15 =	vor.u32 $0x23, v0;
	[tilespmem:s2+$0x0] =	vst v8;
	v8 =	vld.idx.msk [tilespmem:v16+s8+$0x0], $0xffff  }
0x14f: {  	s7 =	sor.u32 s12, s6;
	v16 =	vor.u32 $0x36, v7;
	[tilespmem:s5+$0x0] =	vst v10;
	v10 =	vld.idx.msk [tilespmem:v17+s8+$0x0], $0xffff  }
0x150: {  	s1 =	sor.u32 s21, s24;
	v17 =	vor.u32 $0x11, v4;
	v13 =	vld.idx.msk [tilespmem:v13+s8+$0x0], $0xffff;
	[tilespmem:s7+$0x0] =	vst v11  }
0x151: {  	s9 =	sor.u32 s11, s6;
	s10 =	sadd.s32 $0x17D00, s23;
	[tilespmem:s1+$0x0] =	vst v6;
	v11 =	vld.idx.msk [tilespmem:v12+s8+$0x0], $0xffff  }
0x152: {  	s24 =	sor.u32 s22, s10;
	s19 =	sadd.s32 $0x12A80, s16;
	v6 =	vor.u32 $0x11, v3;
	[tilespmem:s9+$0x0] =	vst v14;
	v9 =	vld.idx.msk [tilespmem:v9+s8+$0x0], $0xffff  }
0x153: {  	s18 =	sand.u32 $0x60, s20;
	s25 =	sor.u32 s15, s19;
	v14 =	vor.u32 $0x24, v1;
	v12 =	vld.idx.msk [tilespmem:v15+s8+$0x0], $0xffff;
	[tilespmem:s24+$0x0] =	vst v8  }
0x154: {  	s17 =	sor.u32 $0x10, s18;
	s26 =	sand.u32 $0x380, s20;
	v8 =	vor.u32 $0x36, v2;
	[tilespmem:s25+$0x0] =	vst v10;
	v10 =	vld.idx.msk [tilespmem:v16+s8+$0x0], $0xffff  }
0x155: {  	s3 =	sor.u32 s14, s19;
	s0 =	sor.u32 s17, s26;
	s2 =	sadd.s32 $0x15400, s13;
	v16 =	vor.u32 $0x24, v0;
	v15 =	vld.idx.msk [tilespmem:v17+s8+$0x0], $0xffff  }
0x156: {  	v17 =	vld [tilespmem:s0+$0x0];
	[tilespmem:s3+$0x0] =	vst v13;
	s3 =	sor.u32 s12, s2;
	v13 =	vor.u32 $0x37, v7  }
0x157: {  	v19 =	vor.u32 $0x12, v4;
	s1 =	sor.u32 s21, s10;
	v18 =	vld.idx.msk [tilespmem:v6+s8+$0x0], $0xffff;
	[tilespmem:s3+$0x0] =	vst v11  }
0x158: {  	s4 =	sor.u32 s11, s2;
	s5 =	sadd.s32 $0x17D80, s23;
	v6 =	vshll.u32 v5, $0x6;
	[tilespmem:s1+$0x0] =	vst v9;
	v11 =	vld.idx.msk [tilespmem:v14+s8+$0x0], $0xffff  }
0x159: {  	s6 =	sadd.s32 $0x12B00, s16;
	s7 =	sor.u32 s22, s5;
	v9 =	vor.u32 $0x12, v3;
	[tilespmem:s4+$0x0] =	vst v12;
	v8 =	vld.idx.msk [tilespmem:v8+s8+$0x0], $0xffff  }
0x15a: {  	s9 =	sor.u32 s15, s6;
	v14 =	vor.u32 $0x25, v1;
	v12 =	vld.idx.msk [tilespmem:v16+s8+$0x0], $0xffff;
	[tilespmem:s7+$0x0] =	vst v10  }
0x15b: {  	v5 =	vshll.u32 v17, $0x6;
	[tilespmem:s9+$0x0] =	vst v15;
	v10 =	vld.idx.msk [tilespmem:v13+s8+$0x0], $0xffff  }
0x15c: {  	s19 =	sadd.s32 $0x15480, s13;
	s10 =	sor.u32 s14, s6;
	v15 =	vor.u32 $0x25, v0;
	v13 =	vld.idx.msk [tilespmem:v19+s8+$0x0], $0xffff  }
0x15d: {  	s24 =	sor.u32 s12, s19;
	v17 =	vor.u32 $0x38, v7;
	v16 =	vld.idx.msk [tilespmem:v6+s8+$0x0], $0xffff;
	[tilespmem:s10+$0x0] =	vst v18  }
0x15e: {  	v18 =	vor.u32 $0x13, v4;
	v9 =	vld.idx.msk [tilespmem:v9+s8+$0x0], $0xffff;
	[tilespmem:s24+$0x0] =	vst v11  }
0x15f: {  	s0 =	sadd.s32 $0x17E00, s23;
	s3 =	sor.u32 s11, s19;
	v11 =	vld.idx.msk [tilespmem:v14+s8+$0x0], $0xffff;
	v14 =	vor.u32 $0x37, v2  }
0x160: {  	v20 =	vor.u32 $0x13, v3;
	s25 =	sadd.s32 $0x12B80, s16;
	s26 =	sor.u32 s22, s0;
	[tilespmem:s3+$0x0] =	vst v12;
	v19 =	vld.idx.msk [tilespmem:v5+s8+$0x0], $0xffff  }
0x161: {  	s2 =	sor.u32 s15, s25;
	v12 =	vld.idx.msk [tilespmem:v15+s8+$0x0], $0xffff;
	v15 =	vor.u32 $0x26, v1;
	[tilespmem:s26+$0x0] =	vst v10  }
0x162: {  	s29 =	simm.s32 $0x300;
	s1 =	sor.u32 s21, s5;
	v10 =	vor.u32 $0x1, v5;
	[tilespmem:s2+$0x0] =	vst v13;
	v13 =	vld.idx.msk [tilespmem:v17+s8+$0x0], $0xffff  }
0x163: {  	s6 =	sor.u32 s14, s25;
	s19 =	sand.u32 $0x1C00, s29;
	s7 =	sadd.s32 $0x15500, s13;
	[tilespmem:s1+$0x0] =	vst v8;
	v17 =	vor.u32 $0x1, v6;
	v18 =	vld.idx.msk [tilespmem:v18+s8+$0x0], $0xffff  }
0x164: {  	s10 =	sor.u32 $0x10280, s19;
	s24 =	sor.u32 s12, s7;
	[tilespmem:s6+$0x0] =	vst v9;
	v9 =	vor.u32 $0x39, v7;
	v8 =	vld.idx.msk [tilespmem:v14+s8+$0x0], $0xffff  }
0x165: {  	s5 =	sor.u32 s17, s10;
	v14 =	vld.idx.msk [tilespmem:v20+s8+$0x0], $0xffff;
	v20 =	vor.u32 $0x14, v4;
	[tilespmem:s24+$0x0] =	vst v11  }
0x166: {  	s4 =	sor.u32 s18, s10;
	s1 =	sadd.s32 $0x18E80, s23;
	v11 =	vor.u32 $0x26, v0;
	[tilespmem:s5+$0x0] =	vst v19;
	v15 =	vld.idx.msk [tilespmem:v15+s8+$0x0], $0xffff  }
0x167: {  	s25 =	sadd.s32 $0x12C00, s16;
	s26 =	sor.u32 s22, s1;
	[tilespmem:s4+$0x0] =	vst v16;
	v16 =	vor.u32 $0x14, v3;
	v10 =	vld.idx.msk [tilespmem:v10+s8+$0x0], $0xffff  }
0x168: {  	s24 =	sor.u32 s15, s25;
	v19 =	vor.u32 $0x27, v1;
	v17 =	vld.idx.msk [tilespmem:v17+s8+$0x0], $0xffff;
	[tilespmem:s26+$0x0] =	vst v13  }
0x169: {  	s3 =	sor.u32 s11, s7;
	v13 =	vor.u32 $0x2, v5;
	[tilespmem:s24+$0x0] =	vst v18;
	v9 =	vld.idx.msk [tilespmem:v9+s8+$0x0], $0xffff  }
0x16a: {  	s2 =	sadd.s32 $0x15580, s13;
	s6 =	sor.u32 s14, s25;
	[tilespmem:s3+$0x0] =	vst v12;
	v18 =	vor.u32 $0x2, v6;
	v20 =	vld.idx.msk [tilespmem:v20+s8+$0x0], $0xffff  }
0x16b: {  	v12 =	vor.u32 $0x3A, v7;
	[tilespmem:s6+$0x0] =	vst v14;
	v11 =	vld.idx.msk [tilespmem:v11+s8+$0x0], $0xffff;
	s6 =	sor.u32 s12, s2  }
0x16c: {  	v14 =	vld.idx.msk [tilespmem:v16+s8+$0x0], $0xffff;
	v16 =	vor.u32 $0x15, v4;
	[tilespmem:s6+$0x0] =	vst v15  }
0x16d: {  	s3 =	sadd.s32 $0x18F00, s23;
	[tilespmem:s5+$0x80] =	vst v10;
	v10 =	vor.u32 $0x27, v0;
	v15 =	vld.idx.msk [tilespmem:v19+s8+$0x0], $0xffff  }
0x16e: {  	s7 =	sadd.s32 $0x12C80, s16;
	s10 =	sor.u32 s22, s3;
	[tilespmem:s4+$0x80] =	vst v17;
	v17 =	vor.u32 $0x15, v3;
	v13 =	vld.idx.msk [tilespmem:v13+s8+$0x0], $0xffff  }
0x16f: {  	s25 =	sor.u32 s15, s7;
	v19 =	vor.u32 $0x28, v1;
	v18 =	vld.idx.msk [tilespmem:v18+s8+$0x0], $0xffff;
	[tilespmem:s10+$0x0] =	vst v9  }
0x170: {  	s9 =	sor.u32 s11, s2;
	v9 =	vor.u32 $0x3, v5;
	v12 =	vld.idx.msk [tilespmem:v12+s8+$0x0], $0xffff;
	[tilespmem:s25+$0x0] =	vst v20  }
0x171: {  	s24 =	sadd.s32 $0x15600, s13;
	s6 =	sor.u32 s14, s7;
	v20 =	vor.u32 $0x3, v6;
	[tilespmem:s9+$0x0] =	vst v11;
	v16 =	vld.idx.msk [tilespmem:v16+s8+$0x0], $0xffff  }
0x172: {  	s2 =	sor.u32 s12, s24;
	v11 =	vor.u32 $0x3B, v7;
	[tilespmem:s6+$0x0] =	vst v14;
	v10 =	vld.idx.msk [tilespmem:v10+s8+$0x0], $0xffff  }
0x173: {  	v14 =	vld.idx.msk [tilespmem:v17+s8+$0x0], $0xffff;
	v17 =	vor.u32 $0x16, v4;
	[tilespmem:s2+$0x0] =	vst v15  }
0x174: {  	s6 =	sadd.s32 $0x18F80, s23;
	[tilespmem:s5+$0x100] =	vst v13;
	v13 =	vor.u32 $0x28, v0;
	v15 =	vld.idx.msk [tilespmem:v19+s8+$0x0], $0xffff  }
0x175: {  	s7 =	sadd.s32 $0x12D00, s16;
	s10 =	sor.u32 s22, s6;
	[tilespmem:s4+$0x100] =	vst v18;
	v18 =	vor.u32 $0x16, v3;
	v9 =	vld.idx.msk [tilespmem:v9+s8+$0x0], $0xffff  }
0x176: {  	s26 =	sor.u32 s15, s7;
	[tilespmem:s10+$0x0] =	vst v12;
	v19 =	vld.idx.msk [tilespmem:v20+s8+$0x0], $0xffff;
	v20 =	vor.u32 $0x29, v1  }
0x177: {  	s9 =	sor.u32 s11, s24;
	v12 =	vor.u32 $0x4, v5;
	v11 =	vld.idx.msk [tilespmem:v11+s8+$0x0], $0xffff;
	[tilespmem:s26+$0x0] =	vst v16  }
0x178: {  	s24 =	sor.u32 s14, s7;
	s25 =	sadd.s32 $0x16680, s13;
	v16 =	vor.u32 $0x4, v6;
	v17 =	vld.idx.msk [tilespmem:v17+s8+$0x0], $0xffff;
	[tilespmem:s9+$0x0] =	vst v10  }
0x179: {  	s26 =	sor.u32 s12, s25;
	[tilespmem:s24+$0x0] =	vst v14;
	v10 =	vld.idx.msk [tilespmem:v13+s8+$0x0], $0xffff;
	v13 =	vor.u32 $0x3C, v7  }
0x17a: {  	v14 =	vld.idx.msk [tilespmem:v18+s8+$0x0], $0xffff;
	v18 =	vor.u32 $0x17, v4;
	[tilespmem:s26+$0x0] =	vst v15  }
0x17b: {  	s24 =	sadd.s32 $0x19000, s23;
	[tilespmem:s5+$0x180] =	vst v9;
	v9 =	vor.u32 $0x29, v0;
	v15 =	vld.idx.msk [tilespmem:v20+s8+$0x0], $0xffff  }
0x17c: {  	s2 =	sadd.s32 $0x12D80, s16;
	s7 =	sor.u32 s22, s24;
	[tilespmem:s4+$0x180] =	vst v19;
	v12 =	vld.idx.msk [tilespmem:v12+s8+$0x0], $0xffff;
	v19 =	vor.u32 $0x17, v3  }
0x17d: {  	s28 =	sor.u32 s15, s2;
	v20 =	vor.u32 $0x2A, v1;
	[tilespmem:s7+$0x0] =	vst v11;
	v16 =	vld.idx.msk [tilespmem:v16+s8+$0x0], $0xffff  }
0x17e: {  	s9 =	sor.u32 s11, s25;
	v11 =	vor.u32 $0x5, v5;
	[tilespmem:s28+$0x0] =	vst v17;
	v13 =	vld.idx.msk [tilespmem:v13+s8+$0x0], $0xffff  }
0x17f: {  	s10 =	sadd.s32 $0x16700, s13;
	s25 =	sor.u32 s14, s2;
	v17 =	vor.u32 $0x5, v6;
	v18 =	vld.idx.msk [tilespmem:v18+s8+$0x0], $0xffff;
	[tilespmem:s9+$0x0] =	vst v10  }
0x180: {  	s26 =	sor.u32 s12, s10;
	[tilespmem:s25+$0x0] =	vst v14;
	v10 =	vor.u32 $0x3D, v7;
	v9 =	vld.idx.msk [tilespmem:v9+s8+$0x0], $0xffff  }
0x181: {  	v14 =	vld.idx.msk [tilespmem:v19+s8+$0x0], $0xffff;
	v19 =	vor.u32 $0x18, v4;
	[tilespmem:s26+$0x0] =	vst v15  }
0x182: {  	s25 =	sadd.s32 $0x19080, s23;
	[tilespmem:s5+$0x200] =	vst v12;
	v12 =	vor.u32 $0x2A, v0;
	v15 =	vld.idx.msk [tilespmem:v20+s8+$0x0], $0xffff  }
0x183: {  	s2 =	sadd.s32 $0x12E00, s16;
	s28 =	sor.u32 s22, s25;
	[tilespmem:s4+$0x200] =	vst v16;
	v11 =	vld.idx.msk [tilespmem:v11+s8+$0x0], $0xffff;
	v16 =	vor.u32 $0x18, v3  }
0x184: {  	s30 =	sor.u32 s15, s2;
	v20 =	vor.u32 $0x2B, v1;
	v17 =	vld.idx.msk [tilespmem:v17+s8+$0x0], $0xffff;
	[tilespmem:s28+$0x0] =	vst v13  }
0x185: {  	s9 =	sor.u32 s11, s10;
	v13 =	vor.u32 $0x6, v5;
	[tilespmem:s30+$0x0] =	vst v18;
	v10 =	vld.idx.msk [tilespmem:v10+s8+$0x0], $0xffff  }
0x186: {  	s26 =	sor.u32 s14, s2;
	v18 =	vor.u32 $0x6, v6;
	s28 =	sadd.s32 $0x16780, s13;
	[tilespmem:s9+$0x0] =	vst v9;
	v19 =	vld.idx.msk [tilespmem:v19+s8+$0x0], $0xffff  }
0x187: {  	s7 =	sor.u32 s12, s28;
	[tilespmem:s26+$0x0] =	vst v14;
	v9 =	vld.idx.msk [tilespmem:v12+s8+$0x0], $0xffff;
	v12 =	vor.u32 $0x3E, v7  }
0x188: {  	v14 =	vld.idx.msk [tilespmem:v16+s8+$0x0], $0xffff;
	v16 =	vor.u32 $0x19, v4;
	[tilespmem:s7+$0x0] =	vst v15  }
0x189: {  	[tilespmem:s5+$0x280] =	vst v11;
	v11 =	vor.u32 $0x2B, v0;
	s5 =	sadd.s32 $0x19100, s23;
	v15 =	vld.idx.msk [tilespmem:v20+s8+$0x0], $0xffff  }
0x18a: {  	s10 =	sadd.s32 $0x13E80, s16;
	s9 =	simm.s32 $0x3;
	[tilespmem:s4+$0x280] =	vst v17;
	v17 =	vor.u32 $0x19, v3;
	s2 =	sor.u32 s22, s5;
	v13 =	vld.idx.msk [tilespmem:v13+s8+$0x0], $0xffff  }
0x18b: {  	s30 =	sand.u32 $0x3, s9;
	s7 =	sor.u32 s15, s10;
	v18 =	vld.idx.msk [tilespmem:v18+s8+$0x0], $0xffff;
	[tilespmem:s2+$0x0] =	vst v10;
	v10 =	vor.u32 $0x2C, v1  }
0x18c: {  	s28 =	sor.u32 s11, s28;
	s30 =	sshll.u32 s30, $0x5;
	v20 =	vor.u32 $0x7, v5;
	[tilespmem:s7+$0x0] =	vst v19;
	v12 =	vld.idx.msk [tilespmem:v12+s8+$0x0], $0xffff  }
0x18d: {  	s4 =	sor.u32 s14, s10;
	s26 =	sadd.s32 $0x300, s30;
	v19 =	vor.u32 $0x7, v6;
	[tilespmem:s28+$0x0] =	vst v9;
	s28 =	sadd.s32 $0x16800, s13;
	v16 =	vld.idx.msk [tilespmem:v16+s8+$0x0], $0xffff  }
0x18e: {  	v7 =	vor.u32 $0x3F, v7;
	s2 =	sadd.s32 $0x10, s26;
	[tilespmem:s4+$0x0] =	vst v14;
	v9 =	vld.idx.msk [tilespmem:v11+s8+$0x0], $0xffff;
	s10 =	sor.u32 s12, s28  }
0x18f: {  	s7 =	sor.u32 $0x300, s2;
	v14 =	vor.u32 $0x1A, v4;
	[tilespmem:s10+$0x0] =	vst v15;
	v11 =	vld.idx.msk [tilespmem:v17+s8+$0x0], $0xffff  }
0x190: {  	s26 =	sor.u32 $0x300, s26;
	s4 =	sadd.s32 $0x19180, s23;
	v15 =	vor.u32 $0x2C, v0;
	[tilespmem:s7+$0x10280] =	vst v13;
	v10 =	vld.idx.msk [tilespmem:v10+s8+$0x0], $0xffff  }
0x191: {  	s0 =	sor.u32 s21, s0;
	s30 =	sor.u32 s22, s4;
	[tilespmem:s26+$0x10280] =	vst v18;
	v18 =	vor.u32 $0x1A, v3;
	s7 =	sadd.s32 $0x13F00, s16;
	v17 =	vld.idx.msk [tilespmem:v20+s8+$0x0], $0xffff  }
0x192: {  	s1 =	sor.u32 s21, s1;
	s31 =	sor.u32 s21, s3;
	s26 =	sor.u32 s15, s7;
	[tilespmem:s30+$0x0] =	vst v12;
	v12 =	vld.idx.msk [tilespmem:v19+s8+$0x0], $0xffff;
	v19 =	vor.u32 $0x2D, v1  }
0x193: {  	s3 =	simm.s32 $0x6;
	s2 =	sor.u32 $0x380, s2;
	[tilespmem:s26+$0x0] =	vst v16;
	s26 =	sor.u32 s11, s28;
	v16 =	vor.u32 $0x8, v5;
	v20 =	vld.idx.msk [tilespmem:v7+s8+$0x0], $0xffff  }
0x194: {  	v21 =	vor.u32 $0x8, v6;
	s30 =	sor.u32 s21, s6;
	s6 =	sor.u32 s14, s7;
	s7 =	sadd.s32 $0x16880, s13;
	[tilespmem:s26+$0x0] =	vst v9;
	v13 =	vld.idx.msk [tilespmem:v14+s8+$0x0], $0xffff  }
0x195: {  	s10 =	sor.u32 s29, s20;
	[tilespmem:s6+$0x0] =	vst v11;
	s26 =	sor.u32 s21, s25;
	s25 =	sor.u32 s12, s7;
	v7 =	vld.idx.msk [tilespmem:v15+s8+$0x0], $0xffff  }
0x196: {  	s10 =	sor.u32 $0x380, s10;
	s28 =	sor.u32 s21, s24;
	s24 =	sor.u32 s21, s4;
	v14 =	vld.idx.msk [tilespmem:v18+s8+$0x0], $0xffff;
	[tilespmem:s25+$0x0] =	vst v10  }
0x197: {  	s6 =	sor.u32 s11, s7;
	s7 =	sadd.s32 $0x19200, s23;
	s23 =	sadd.s32 $0x13F80, s16;
	[tilespmem:s2+$0x10280] =	vst v17;
	v9 =	vld.idx.msk [tilespmem:v19+s8+$0x0], $0xffff  }
0x198: {  	v11 =	vor.u32 $0x2D, v0;
	s4 =	sor.u32 s15, s23;
	s25 =	sor.u32 s21, s5;
	s2 =	sor.u32 s22, s7;
	[tilespmem:s10+$0x10280] =	vst v12;
	v17 =	vld.idx.msk [tilespmem:v16+s8+$0x0], $0xffff  }
0x199: {  	v15 =	vor.u32 $0x1B, v4;
	s21 =	sor.u32 s21, s7;
	s22 =	simm.s32 $0x80;
	s5 =	sor.u32 s14, s23;
	v10 =	vor.u32 $0x2E, v1;
	v16 =	vor.u32 $0x1B, v3;
	v18 =	vld.idx.msk [tilespmem:v21+s8+$0x0], $0xffff;
	[tilespmem:s2+$0x0] =	vst v20  }
.LBB2_2:
0x19a: {  	_ =	sdelay $0x1  }
0x19b: {  	s23 =	smov.u32 s11;
	s11 =	smov.u32 s14;
	[tilespmem:s4+$0x0] =	vst v13  }
0x19c: {  	v12 =	vld [tilespmem:s22+$0x0];
	v19 =	vor.u32 $0x9, v5;
	s14 =	smov.u32 s18;
	s2 =	sadd.s32 $0x16900, s13;
	s4 =	smov.u32 s12;
	[tilespmem:s6+$0x0] =	vst v7  }
0x19d: {  	s18 =	sadd.s32 $0x11680, s19;
	s7 =	sor.u32 s23, s2;
	v13 =	vor.u32 $0x9, v6;
	v15 =	vld.idx.msk [tilespmem:v15+s8+$0x0], $0xffff;
	s2 =	sor.u32 s4, s2;
	[tilespmem:s5+$0x0] =	vst v14  }
0x19e: {  	s6 =	sor.u32 s17, s18;
	[tilespmem:s2+$0x0] =	vst v9;
	v7 =	vld.idx.msk [tilespmem:v11+s8+$0x0], $0xffff  }
0x19f: {  	v11 =	vor.u32 $0x38, v2;
	v14 =	vld.idx.msk [tilespmem:v16+s8+$0x0], $0xffff;
	[tilespmem:s6+$0x0] =	vst v17  }
0x1a0: {  	s10 =	sor.u32 s14, s18;
	v16 =	vor.u32 $0x1C, v4;
	v10 =	vld.idx.msk [tilespmem:v10+s8+$0x0], $0xffff  }
0x1a1: {  	s12 =	smov.u32 s15;
	s18 =	sor.u32 $0x14000, s16;
	v9 =	vor.u32 $0x2E, v0;
	[tilespmem:s10+$0x0] =	vst v18;
	v17 =	vld.idx.msk [tilespmem:v19+s8+$0x0], $0xffff  }
0x1a2: {  	s2 =	sor.u32 s12, s18;
	v18 =	vor.u32 $0x1C, v3;
	v13 =	vld.idx.msk [tilespmem:v13+s8+$0x0], $0xffff;
	[tilespmem:s0+$0x0] =	vst v8  }
0x1a3: {  	v19 =	vor.u32 $0x2F, v1;
	[tilespmem:s2+$0x0] =	vst v15  }
0x1a4: {  	s5 =	smov.u32 s19;
	s19 =	sor.u32 s11, s18;
	s10 =	sadd.s32 $0x16980, s13;
	v8 =	vor.u32 $0xA, v5;
	v11 =	vld.idx.msk [tilespmem:v11+s8+$0x0], $0xffff;
	[tilespmem:s7+$0x0] =	vst v7  }
0x1a5: {  	s15 =	smov.u32 s17;
	s17 =	sadd.s32 $0x11700, s5;
	s0 =	sor.u32 s4, s10;
	v15 =	vor.u32 $0xA, v6;
	v16 =	vld.idx.msk [tilespmem:v16+s8+$0x0], $0xffff;
	[tilespmem:s19+$0x0] =	vst v14  }
0x1a6: {  	s2 =	sor.u32 s15, s17;
	[tilespmem:s0+$0x0] =	vst v10;
	v7 =	vld.idx.msk [tilespmem:v9+s8+$0x0], $0xffff  }
0x1a7: {  	v9 =	vor.u32 $0x39, v2;
	v14 =	vld.idx.msk [tilespmem:v18+s8+$0x0], $0xffff;
	[tilespmem:s2+$0x0] =	vst v17  }
0x1a8: {  	s19 =	sor.u32 s14, s17;
	v18 =	vor.u32 $0x1D, v4;
	v17 =	vld.idx.msk [tilespmem:v19+s8+$0x0], $0xffff  }
0x1a9: {  	v10 =	vor.u32 $0x2F, v0;
	[tilespmem:s19+$0x0] =	vst v13;
	s2 =	sor.u32 $0x14080, s16;
	v8 =	vld.idx.msk [tilespmem:v8+s8+$0x0], $0xffff  }
0x1aa: {  	v13 =	vor.u32 $0x1D, v3;
	v15 =	vld.idx.msk [tilespmem:v15+s8+$0x0], $0xffff;
	s0 =	sor.u32 s12, s2;
	[tilespmem:s1+$0x0] =	vst v11  }
0x1ab: {  	s18 =	sor.u32 s23, s10;
	v19 =	vor.u32 $0x30, v1;
	[tilespmem:s0+$0x0] =	vst v16  }
0x1ac: {  	s10 =	sadd.s32 $0x16A00, s13;
	s7 =	sor.u32 s11, s2;
	v11 =	vor.u32 $0xB, v5;
	v9 =	vld.idx.msk [tilespmem:v9+s8+$0x0], $0xffff;
	[tilespmem:s18+$0x0] =	vst v7  }
0x1ad: {  	s17 =	sadd.s32 $0x11780, s5;
	v16 =	vor.u32 $0xB, v6;
	s0 =	sor.u32 s4, s10;
	v18 =	vld.idx.msk [tilespmem:v18+s8+$0x0], $0xffff;
	[tilespmem:s7+$0x0] =	vst v14  }
0x1ae: {  	s1 =	sor.u32 s15, s17;
	v14 =	vor.u32 $0x1E, v4;
	[tilespmem:s0+$0x0] =	vst v17;
	v7 =	vld.idx.msk [tilespmem:v10+s8+$0x0], $0xffff  }
0x1af: {  	v10 =	vor.u32 $0x3A, v2;
	v13 =	vld.idx.msk [tilespmem:v13+s8+$0x0], $0xffff;
	[tilespmem:s1+$0x0] =	vst v8  }
0x1b0: {  	s6 =	sor.u32 $0x14100, s16;
	s19 =	sor.u32 s14, s17;
	v17 =	vld.idx.msk [tilespmem:v19+s8+$0x0], $0xffff  }
0x1b1: {  	s0 =	sor.u32 s12, s6;
	v8 =	vor.u32 $0x30, v0;
	[tilespmem:s19+$0x0] =	vst v15;
	v11 =	vld.idx.msk [tilespmem:v11+s8+$0x0], $0xffff  }
0x1b2: {  	v15 =	vor.u32 $0x1E, v3;
	v16 =	vld.idx.msk [tilespmem:v16+s8+$0x0], $0xffff;
	[tilespmem:s0+$0x0] =	vst v18  }
0x1b3: {  	s18 =	sor.u32 s23, s10;
	v19 =	vor.u32 $0x31, v1;
	[tilespmem:s31+$0x0] =	vst v9;
	v14 =	vld.idx.msk [tilespmem:v14+s8+$0x0], $0xffff  }
0x1b4: {  	s10 =	sadd.s32 $0x17A80, s13;
	s7 =	sor.u32 s11, s6;
	v9 =	vor.u32 $0xC, v5;
	v10 =	vld.idx.msk [tilespmem:v10+s8+$0x0], $0xffff;
	[tilespmem:s18+$0x0] =	vst v7  }
0x1b5: {  	s17 =	sadd.s32 $0x11800, s5;
	v18 =	vor.u32 $0xC, v6;
	s0 =	sor.u32 s4, s10;
	[tilespmem:s7+$0x0] =	vst v13  }
0x1b6: {  	s2 =	sor.u32 s15, s17;
	[tilespmem:s0+$0x0] =	vst v17;
	v7 =	vld.idx.msk [tilespmem:v8+s8+$0x0], $0xffff;
	v8 =	vor.u32 $0x3B, v2  }
0x1b7: {  	s6 =	sor.u32 $0x14180, s16;
	s19 =	sor.u32 s14, s17;
	v13 =	vld.idx.msk [tilespmem:v15+s8+$0x0], $0xffff;
	v15 =	vor.u32 $0x1F, v4;
	[tilespmem:s2+$0x0] =	vst v11  }
0x1b8: {  	s0 =	sor.u32 s12, s6;
	v11 =	vor.u32 $0x31, v0;
	[tilespmem:s19+$0x0] =	vst v16;
	v17 =	vld.idx.msk [tilespmem:v19+s8+$0x0], $0xffff  }
0x1b9: {  	v16 =	vor.u32 $0x1F, v3;
	v9 =	vld.idx.msk [tilespmem:v9+s8+$0x0], $0xffff;
	[tilespmem:s0+$0x0] =	vst v14  }
0x1ba: {  	s18 =	sor.u32 s23, s10;
	v18 =	vld.idx.msk [tilespmem:v18+s8+$0x0], $0xffff;
	v19 =	vor.u32 $0x32, v1;
	[tilespmem:s30+$0x0] =	vst v10  }
0x1bb: {  	s10 =	sadd.s32 $0x17B00, s13;
	s7 =	sor.u32 s11, s6;
	v10 =	vor.u32 $0xD, v5;
	v8 =	vld.idx.msk [tilespmem:v8+s8+$0x0], $0xffff;
	[tilespmem:s18+$0x0] =	vst v7  }
0x1bc: {  	s17 =	sadd.s32 $0x11880, s5;
	v14 =	vor.u32 $0xD, v6;
	s0 =	sor.u32 s4, s10;
	v15 =	vld.idx.msk [tilespmem:v15+s8+$0x0], $0xffff;
	[tilespmem:s7+$0x0] =	vst v13  }
0x1bd: {  	s1 =	sor.u32 s15, s17;
	[tilespmem:s0+$0x0] =	vst v17;
	v7 =	vld.idx.msk [tilespmem:v11+s8+$0x0], $0xffff  }
0x1be: {  	v11 =	vor.u32 $0x3C, v2;
	v13 =	vld.idx.msk [tilespmem:v16+s8+$0x0], $0xffff;
	[tilespmem:s1+$0x0] =	vst v9  }
0x1bf: {  	s19 =	sor.u32 s14, s17;
	v16 =	vor.u32 $0x20, v4;
	v17 =	vld.idx.msk [tilespmem:v19+s8+$0x0], $0xffff  }
0x1c0: {  	s7 =	sor.u32 $0x14200, s16;
	v9 =	vor.u32 $0x32, v0;
	[tilespmem:s19+$0x0] =	vst v18;
	v10 =	vld.idx.msk [tilespmem:v10+s8+$0x0], $0xffff  }
0x1c1: {  	v18 =	vor.u32 $0x20, v3;
	s0 =	sor.u32 s12, s7;
	v14 =	vld.idx.msk [tilespmem:v14+s8+$0x0], $0xffff;
	[tilespmem:s28+$0x0] =	vst v8  }
0x1c2: {  	s18 =	sor.u32 s23, s10;
	v19 =	vor.u32 $0x33, v1;
	[tilespmem:s0+$0x0] =	vst v15  }
0x1c3: {  	s17 =	sadd.s32 $0x17B80, s13;
	s10 =	sor.u32 s11, s7;
	v8 =	vor.u32 $0xE, v5;
	v11 =	vld.idx.msk [tilespmem:v11+s8+$0x0], $0xffff;
	[tilespmem:s18+$0x0] =	vst v7  }
0x1c4: {  	v15 =	vor.u32 $0xE, v6;
	s0 =	sor.u32 s4, s17;
	v16 =	vld.idx.msk [tilespmem:v16+s8+$0x0], $0xffff;
	s18 =	sadd.s32 $0x11900, s5;
	[tilespmem:s10+$0x0] =	vst v13  }
0x1c5: {  	s2 =	sor.u32 s15, s18;
	[tilespmem:s0+$0x0] =	vst v17;
	v7 =	vld.idx.msk [tilespmem:v9+s8+$0x0], $0xffff  }
0x1c6: {  	v9 =	vor.u32 $0x3D, v2;
	v13 =	vld.idx.msk [tilespmem:v18+s8+$0x0], $0xffff;
	[tilespmem:s2+$0x0] =	vst v10  }
0x1c7: {  	s7 =	sor.u32 s14, s18;
	v18 =	vor.u32 $0x21, v4;
	v17 =	vld.idx.msk [tilespmem:v19+s8+$0x0], $0xffff  }
0x1c8: {  	s10 =	sadd.s32 $0x15280, s16;
	v10 =	vor.u32 $0x33, v0;
	[tilespmem:s7+$0x0] =	vst v14;
	v8 =	vld.idx.msk [tilespmem:v8+s8+$0x0], $0xffff  }
0x1c9: {  	v14 =	vor.u32 $0x21, v3;
	s0 =	sor.u32 s12, s10;
	v15 =	vld.idx.msk [tilespmem:v15+s8+$0x0], $0xffff;
	[tilespmem:s26+$0x0] =	vst v11  }
0x1ca: {  	s19 =	sor.u32 s23, s17;
	v19 =	vor.u32 $0x34, v1;
	[tilespmem:s0+$0x0] =	vst v16  }
0x1cb: {  	s18 =	sadd.s32 $0x17C00, s13;
	s17 =	sor.u32 s11, s10;
	v11 =	vor.u32 $0xF, v5;
	v9 =	vld.idx.msk [tilespmem:v9+s8+$0x0], $0xffff;
	[tilespmem:s19+$0x0] =	vst v7  }
0x1cc: {  	v16 =	vor.u32 $0xF, v6;
	s0 =	sor.u32 s4, s18;
	v18 =	vld.idx.msk [tilespmem:v18+s8+$0x0], $0xffff;
	s19 =	sadd.s32 $0x11980, s5;
	[tilespmem:s17+$0x0] =	vst v13  }
0x1cd: {  	s1 =	sor.u32 s15, s19;
	[tilespmem:s0+$0x0] =	vst v17;
	v7 =	vld.idx.msk [tilespmem:v10+s8+$0x0], $0xffff  }
0x1ce: {  	v10 =	vor.u32 $0x3E, v2;
	v13 =	vld.idx.msk [tilespmem:v14+s8+$0x0], $0xffff;
	[tilespmem:s1+$0x0] =	vst v8  }
0x1cf: {  	s7 =	sor.u32 s14, s19;
	v14 =	vor.u32 $0x22, v4;
	v17 =	vld.idx.msk [tilespmem:v19+s8+$0x0], $0xffff  }
0x1d0: {  	s10 =	sadd.s32 $0x15300, s16;
	v8 =	vor.u32 $0x34, v0;
	[tilespmem:s7+$0x0] =	vst v15;
	v11 =	vld.idx.msk [tilespmem:v11+s8+$0x0], $0xffff  }
0x1d1: {  	s0 =	sor.u32 s12, s10;
	v15 =	vor.u32 $0x22, v3;
	v16 =	vld.idx.msk [tilespmem:v16+s8+$0x0], $0xffff;
	[tilespmem:s25+$0x0] =	vst v9  }
0x1d2: {  	s26 =	sor.u32 s23, s18;
	v19 =	vor.u32 $0x35, v1;
	[tilespmem:s0+$0x0] =	vst v18  }
0x1d3: {  	s18 =	sadd.s32 $0x17C80, s13;
	s17 =	sor.u32 s11, s10;
	v9 =	vor.u32 $0x10, v5;
	v10 =	vld.idx.msk [tilespmem:v10+s8+$0x0], $0xffff;
	[tilespmem:s26+$0x0] =	vst v7  }
0x1d4: {  	s19 =	sadd.s32 $0x11A00, s5;
	v18 =	vor.u32 $0x10, v6;
	s0 =	sor.u32 s4, s18;
	v14 =	vld.idx.msk [tilespmem:v14+s8+$0x0], $0xffff;
	[tilespmem:s17+$0x0] =	vst v13  }
0x1d5: {  	s2 =	sor.u32 s15, s19;
	[tilespmem:s0+$0x0] =	vst v17;
	v7 =	vld.idx.msk [tilespmem:v8+s8+$0x0], $0xffff  }
0x1d6: {  	v8 =	vor.u32 $0x3F, v2;
	v2 =	vmovc v0;
	v0 =	vmov v3;
	v3 =	vmov v6;
	v6 =	vld.idx.msk [tilespmem:v15+s8+$0x0], $0xffff;
	[tilespmem:s2+$0x0] =	vst v11  }
0x1d7: {  	s26 =	sor.u32 s14, s19;
	v13 =	vor.u32 $0x23, v4;
	v15 =	vld.idx.msk [tilespmem:v19+s8+$0x0], $0xffff  }
0x1d8: {  	s6 =	sadd.s32 $0x15380, s16;
	[tilespmem:s26+$0x0] =	vst v16;
	v11 =	vor.u32 $0x35, v2;
	v9 =	vld.idx.msk [tilespmem:v9+s8+$0x0], $0xffff  }
0x1d9: {  	s0 =	sor.u32 s12, s6;
	v16 =	vor.u32 $0x23, v0;
	v17 =	vld.idx.msk [tilespmem:v18+s8+$0x0], $0xffff;
	[tilespmem:s24+$0x0] =	vst v10  }
0x1da: {  	s25 =	sor.u32 s23, s18;
	v18 =	vor.u32 $0x36, v1;
	[tilespmem:s0+$0x0] =	vst v14  }
0x1db: {  	s7 =	sor.u32 s11, s6;
	v10 =	vor.u32 $0x11, v5;
	s0 =	sadd.s32 $0x17D00, s13;
	v8 =	vld.idx.msk [tilespmem:v8+s8+$0x0], $0xffff;
	[tilespmem:s25+$0x0] =	vst v7  }
0x1dc: {  	s10 =	sadd.s32 $0x12A80, s5;
	v13 =	vld.idx.msk [tilespmem:v13+s8+$0x0], $0xffff;
	s18 =	sor.u32 s4, s0;
	[tilespmem:s7+$0x0] =	vst v6  }
0x1dd: {  	s20 =	sadd.s32 $0x20, s20;
	s24 =	sor.u32 s15, s10;
	v7 =	vor.u32 $0x11, v3;
	[tilespmem:s18+$0x0] =	vst v15;
	v11 =	vld.idx.msk [tilespmem:v11+s8+$0x0], $0xffff  }
0x1de: {  	s1 =	sor.u32 s14, s10;
	s19 =	sand.u32 $0x60, s20;
	v14 =	vld.idx.msk [tilespmem:v16+s8+$0x0], $0xffff;
	v16 =	vor.u32 $0x24, v4;
	[tilespmem:s24+$0x0] =	vst v9  }
0x1df: {  	s17 =	sor.u32 $0x10, s19;
	s26 =	sadd.s32 $0x15400, s16;
	s25 =	sand.u32 $0x380, s20;
	v9 =	vor.u32 $0x36, v2;
	v15 =	vld.idx.msk [tilespmem:v18+s8+$0x0], $0xffff  }
0x1e0: {  	s10 =	sor.u32 s12, s26;
	s2 =	sor.u32 s17, s25;
	[tilespmem:s1+$0x0] =	vst v17;
	v10 =	vld.idx.msk [tilespmem:v10+s8+$0x0], $0xffff;
	v18 =	vor.u32 $0x24, v0  }
0x1e1: {  	s0 =	sor.u32 s23, s0;
	v17 =	vor.u32 $0x37, v1;
	v19 =	vld [tilespmem:s2+$0x0];
	[tilespmem:s10+$0x0] =	vst v13  }
0x1e2: {  	v21 =	vor.u32 $0x12, v5;
	s7 =	sor.u32 s11, s26;
	s18 =	sadd.s32 $0x17D80, s13;
	v20 =	vld.idx.msk [tilespmem:v7+s8+$0x0], $0xffff;
	[tilespmem:s0+$0x0] =	vst v11  }
0x1e3: {  	v6 =	vshll.u32 v12, $0x6;
	s24 =	sadd.s32 $0x12B00, s5;
	v12 =	vld.idx.msk [tilespmem:v16+s8+$0x0], $0xffff;
	s0 =	sor.u32 s4, s18;
	[tilespmem:s7+$0x0] =	vst v14  }
0x1e4: {  	s2 =	sor.u32 s15, s24;
	[tilespmem:s0+$0x0] =	vst v15;
	v9 =	vld.idx.msk [tilespmem:v9+s8+$0x0], $0xffff  }
0x1e5: {  	v11 =	vor.u32 $0x12, v3;
	v13 =	vld.idx.msk [tilespmem:v18+s8+$0x0], $0xffff;
	[tilespmem:s2+$0x0] =	vst v10  }
0x1e6: {  	v14 =	vor.u32 $0x25, v4;
	v10 =	vld.idx.msk [tilespmem:v17+s8+$0x0], $0xffff  }
0x1e7: {  	s26 =	sor.u32 s14, s24;
	v7 =	vshll.u32 v19, $0x6;
	s2 =	sadd.s32 $0x15480, s16;
	[tilespmem:s21+$0x0] =	vst v8;
	v15 =	vld.idx.msk [tilespmem:v21+s8+$0x0], $0xffff  }
0x1e8: {  	v16 =	vor.u32 $0x25, v0;
	v17 =	vld.idx.msk [tilespmem:v6+s8+$0x0], $0xffff;
	[tilespmem:s26+$0x0] =	vst v20;
	s0 =	sor.u32 s12, s2  }
0x1e9: {  	s25 =	sor.u32 s23, s18;
	v8 =	vor.u32 $0x38, v1;
	[tilespmem:s0+$0x0] =	vst v12  }
0x1ea: {  	s10 =	sadd.s32 $0x17E00, s13;
	v18 =	vor.u32 $0x13, v5;
	s7 =	sor.u32 s11, s2;
	v11 =	vld.idx.msk [tilespmem:v11+s8+$0x0], $0xffff;
	[tilespmem:s25+$0x0] =	vst v9  }
0x1eb: {  	s1 =	sor.u32 s4, s10;
	s18 =	sadd.s32 $0x12B80, s5;
	v12 =	vld.idx.msk [tilespmem:v14+s8+$0x0], $0xffff;
	v9 =	vor.u32 $0x37, v2;
	[tilespmem:s7+$0x0] =	vst v13  }
0x1ec: {  	v19 =	vor.u32 $0x13, v3;
	s6 =	sor.u32 s15, s18;
	v14 =	vld.idx.msk [tilespmem:v7+s8+$0x0], $0xffff;
	[tilespmem:s1+$0x0] =	vst v10  }
0x1ed: {  	s29 =	sadd.s32 $0x100, s29;
	v13 =	vld.idx.msk [tilespmem:v16+s8+$0x0], $0xffff;
	v16 =	vor.u32 $0x26, v4;
	[tilespmem:s6+$0x0] =	vst v15  }
0x1ee: {  	s31 =	sand.u32 $0x1C00, s29;
	s24 =	sor.u32 s14, s18;
	s26 =	sadd.s32 $0x15500, s16;
	v10 =	vor.u32 $0x1, v7;
	v15 =	vld.idx.msk [tilespmem:v8+s8+$0x0], $0xffff  }
0x1ef: {  	s21 =	sor.u32 s23, s10;
	v20 =	vor.u32 $0x1, v6;
	s2 =	sor.u32 s12, s26;
	s0 =	sor.u32 $0x10280, s31;
	v18 =	vld.idx.msk [tilespmem:v18+s8+$0x0], $0xffff;
	[tilespmem:s24+$0x0] =	vst v11  }
0x1f0: {  	[dreg:$0x3] =	wrdreg s21;
	s25 =	sor.u32 s29, s20;
	s24 =	sor.u32 s17, s0;
	[tilespmem:s2+$0x0] =	vst v12;
	v8 =	vld.idx.msk [tilespmem:v9+s8+$0x0], $0xffff;
	v9 =	vor.u32 $0x39, v1  }
0x1f1: {  	s21 =	sor.u32 $0x380, s25;
	s25 =	sadd.s32 $0x18E80, s13;
	s6 =	sor.u32 s19, s0;
	v11 =	vld.idx.msk [tilespmem:v19+s8+$0x0], $0xffff;
	v19 =	vor.u32 $0x14, v5;
	[tilespmem:s24+$0x0] =	vst v14  }
0x1f2: {  	s18 =	sor.u32 s11, s26;
	s26 =	sadd.s32 $0x12C00, s5;
	s7 =	sor.u32 s4, s25;
	v12 =	vor.u32 $0x26, v0;
	[tilespmem:s6+$0x0] =	vst v17;
	v14 =	vld.idx.msk [tilespmem:v16+s8+$0x0], $0xffff  }
0x1f3: {  	s10 =	sor.u32 s15, s26;
	v10 =	vld.idx.msk [tilespmem:v10+s8+$0x0], $0xffff;
	v16 =	vor.u32 $0x14, v3;
	[tilespmem:s7+$0x0] =	vst v15  }
0x1f4: {  	v17 =	vld.idx.msk [tilespmem:v20+s8+$0x0], $0xffff;
	v20 =	vor.u32 $0x27, v4;
	[tilespmem:s10+$0x0] =	vst v18  }
0x1f5: {  	s1 =	sor.u32 s14, s26;
	[tilespmem:s18+$0x0] =	vst v13;
	v15 =	vor.u32 $0x2, v7;
	s10 =	sadd.s32 $0x15580, s16;
	v9 =	vld.idx.msk [tilespmem:v9+s8+$0x0], $0xffff  }
0x1f6: {  	v18 =	vor.u32 $0x2, v6;
	[tilespmem:s1+$0x0] =	vst v11;
	v19 =	vld.idx.msk [tilespmem:v19+s8+$0x0], $0xffff;
	s2 =	sor.u32 s12, s10  }
0x1f7: {  	v11 =	vld.idx.msk [tilespmem:v12+s8+$0x0], $0xffff;
	v12 =	vor.u32 $0x3A, v1;
	[tilespmem:s2+$0x0] =	vst v14  }
0x1f8: {  	s18 =	sadd.s32 $0x18F00, s13;
	v13 =	vld.idx.msk [tilespmem:v16+s8+$0x0], $0xffff;
	v16 =	vor.u32 $0x15, v5;
	[tilespmem:s24+$0x80] =	vst v10  }
0x1f9: {  	s0 =	sor.u32 s23, s25;
	s25 =	sadd.s32 $0x12C80, s5;
	[tilespmem:s6+$0x80] =	vst v17;
	s2 =	sor.u32 s4, s18;
	v10 =	vor.u32 $0x27, v0;
	v14 =	vld.idx.msk [tilespmem:v20+s8+$0x0], $0xffff  }
0x1fa: {  	s7 =	sor.u32 s11, s10;
	s10 =	sor.u32 s15, s25;
	v17 =	vor.u32 $0x15, v3;
	v15 =	vld.idx.msk [tilespmem:v15+s8+$0x0], $0xffff;
	[tilespmem:s2+$0x0] =	vst v9  }
0x1fb: {  	v18 =	vld.idx.msk [tilespmem:v18+s8+$0x0], $0xffff;
	v20 =	vor.u32 $0x28, v4;
	[tilespmem:s10+$0x0] =	vst v19  }
0x1fc: {  	s26 =	sor.u32 s14, s25;
	v9 =	vor.u32 $0x3, v7;
	[tilespmem:s7+$0x0] =	vst v11;
	s10 =	sadd.s32 $0x15600, s16;
	v12 =	vld.idx.msk [tilespmem:v12+s8+$0x0], $0xffff  }
0x1fd: {  	v19 =	vor.u32 $0x3, v6;
	v16 =	vld.idx.msk [tilespmem:v16+s8+$0x0], $0xffff;
	[tilespmem:s26+$0x0] =	vst v13;
	s2 =	sor.u32 s12, s10  }
0x1fe: {  	v11 =	vor.u32 $0x3B, v1;
	v10 =	vld.idx.msk [tilespmem:v10+s8+$0x0], $0xffff;
	[tilespmem:s2+$0x0] =	vst v14  }
0x1ff: {  	s1 =	sor.u32 s23, s18;
	s18 =	sadd.s32 $0x18F80, s13;
	v13 =	vld.idx.msk [tilespmem:v17+s8+$0x0], $0xffff;
	v17 =	vor.u32 $0x16, v5;
	[tilespmem:s24+$0x100] =	vst v15  }
0x200: {  	s25 =	sadd.s32 $0x12D00, s5;
	v14 =	vor.u32 $0x28, v0;
	[tilespmem:s6+$0x100] =	vst v18;
	s2 =	sor.u32 s4, s18;
	v15 =	vld.idx.msk [tilespmem:v20+s8+$0x0], $0xffff  }
0x201: {  	s7 =	sor.u32 s11, s10;
	s10 =	sor.u32 s15, s25;
	v18 =	vor.u32 $0x16, v3;
	v9 =	vld.idx.msk [tilespmem:v9+s8+$0x0], $0xffff;
	[tilespmem:s2+$0x0] =	vst v12  }
0x202: {  	v19 =	vld.idx.msk [tilespmem:v19+s8+$0x0], $0xffff;
	v20 =	vor.u32 $0x29, v4;
	[tilespmem:s10+$0x0] =	vst v16  }
0x203: {  	s30 =	sor.u32 s23, s18;
	s26 =	sor.u32 s14, s25;
	s18 =	sadd.s32 $0x16680, s16;
	v12 =	vor.u32 $0x4, v7;
	[tilespmem:s7+$0x0] =	vst v10;
	v11 =	vld.idx.msk [tilespmem:v11+s8+$0x0], $0xffff  }
0x204: {  	s2 =	sor.u32 s12, s18;
	v16 =	vor.u32 $0x4, v6;
	v17 =	vld.idx.msk [tilespmem:v17+s8+$0x0], $0xffff;
	[tilespmem:s26+$0x0] =	vst v13  }
0x205: {  	v13 =	vor.u32 $0x3C, v1;
	v10 =	vld.idx.msk [tilespmem:v14+s8+$0x0], $0xffff;
	[tilespmem:s2+$0x0] =	vst v15  }
0x206: {  	s25 =	sadd.s32 $0x19000, s13;
	v14 =	vld.idx.msk [tilespmem:v18+s8+$0x0], $0xffff;
	v18 =	vor.u32 $0x17, v5;
	[tilespmem:s24+$0x180] =	vst v9  }
0x207: {  	s26 =	sadd.s32 $0x12D80, s5;
	[tilespmem:s6+$0x180] =	vst v19;
	s2 =	sor.u32 s4, s25;
	v9 =	vor.u32 $0x29, v0;
	v15 =	vld.idx.msk [tilespmem:v20+s8+$0x0], $0xffff  }
0x208: {  	s10 =	sor.u32 s15, s26;
	v19 =	vor.u32 $0x17, v3;
	v12 =	vld.idx.msk [tilespmem:v12+s8+$0x0], $0xffff;
	[tilespmem:s2+$0x0] =	vst v11  }
0x209: {  	s7 =	sor.u32 s11, s18;
	v16 =	vld.idx.msk [tilespmem:v16+s8+$0x0], $0xffff;
	v20 =	vor.u32 $0x2A, v4;
	[tilespmem:s10+$0x0] =	vst v17  }
0x20a: {  	s18 =	sor.u32 s14, s26;
	s26 =	sadd.s32 $0x16700, s16;
	v11 =	vor.u32 $0x5, v7;
	[tilespmem:s7+$0x0] =	vst v10;
	v13 =	vld.idx.msk [tilespmem:v13+s8+$0x0], $0xffff  }
0x20b: {  	s2 =	sor.u32 s12, s26;
	v17 =	vor.u32 $0x5, v6;
	v18 =	vld.idx.msk [tilespmem:v18+s8+$0x0], $0xffff;
	[tilespmem:s18+$0x0] =	vst v14  }
0x20c: {  	v10 =	vor.u32 $0x3D, v1;
	v9 =	vld.idx.msk [tilespmem:v9+s8+$0x0], $0xffff;
	[tilespmem:s2+$0x0] =	vst v15  }
0x20d: {  	s10 =	sadd.s32 $0x19080, s13;
	v14 =	vld.idx.msk [tilespmem:v19+s8+$0x0], $0xffff;
	v19 =	vor.u32 $0x18, v5;
	[tilespmem:s24+$0x200] =	vst v12  }
0x20e: {  	s18 =	sadd.s32 $0x12E00, s5;
	[tilespmem:s6+$0x200] =	vst v16;
	s2 =	sor.u32 s4, s10;
	v12 =	vor.u32 $0x2A, v0;
	v15 =	vld.idx.msk [tilespmem:v20+s8+$0x0], $0xffff  }
0x20f: {  	s7 =	sor.u32 s11, s26;
	s26 =	sor.u32 s23, s10;
	v16 =	vor.u32 $0x18, v3;
	s10 =	sor.u32 s15, s18;
	v11 =	vld.idx.msk [tilespmem:v11+s8+$0x0], $0xffff;
	[tilespmem:s2+$0x0] =	vst v13  }
0x210: {  	v17 =	vld.idx.msk [tilespmem:v17+s8+$0x0], $0xffff;
	v20 =	vor.u32 $0x2B, v4;
	[tilespmem:s10+$0x0] =	vst v18  }
0x211: {  	s28 =	sor.u32 s23, s25;
	s25 =	sor.u32 s14, s18;
	s18 =	sadd.s32 $0x16780, s16;
	v13 =	vor.u32 $0x6, v7;
	[tilespmem:s7+$0x0] =	vst v9;
	v10 =	vld.idx.msk [tilespmem:v10+s8+$0x0], $0xffff  }
0x212: {  	s2 =	sor.u32 s12, s18;
	v18 =	vor.u32 $0x6, v6;
	v19 =	vld.idx.msk [tilespmem:v19+s8+$0x0], $0xffff;
	[tilespmem:s25+$0x0] =	vst v14  }
0x213: {  	v9 =	vld.idx.msk [tilespmem:v12+s8+$0x0], $0xffff;
	v12 =	vor.u32 $0x3E, v1;
	[tilespmem:s2+$0x0] =	vst v15  }
0x214: {  	v14 =	vld.idx.msk [tilespmem:v16+s8+$0x0], $0xffff;
	v16 =	vor.u32 $0x19, v5;
	s2 =	sadd.s32 $0x19100, s13;
	[tilespmem:s24+$0x280] =	vst v11  }
0x215: {  	s9 =	sadd.s32 $0x1, s9;
	s10 =	sadd.s32 $0x13E80, s5;
	[tilespmem:s6+$0x280] =	vst v17;
	v11 =	vor.u32 $0x2B, v0;
	s24 =	sor.u32 s4, s2;
	v15 =	vld.idx.msk [tilespmem:v20+s8+$0x0], $0xffff  }
0x216: {  	s25 =	sand.u32 $0x3, s9;
	v17 =	vor.u32 $0x19, v3;
	s6 =	sor.u32 s15, s10;
	v13 =	vld.idx.msk [tilespmem:v13+s8+$0x0], $0xffff;
	[tilespmem:s24+$0x0] =	vst v10  }
0x217: {  	s7 =	sor.u32 s11, s18;
	v18 =	vld.idx.msk [tilespmem:v18+s8+$0x0], $0xffff;
	v20 =	vor.u32 $0x2C, v4;
	s24 =	sshll.u32 s25, $0x5;
	[tilespmem:s6+$0x0] =	vst v19  }
0x218: {  	s18 =	sor.u32 s14, s10;
	s10 =	sadd.s32 $0x16800, s16;
	v10 =	vor.u32 $0x7, v7;
	s6 =	sadd.s32 s24, s29;
	[tilespmem:s7+$0x0] =	vst v9;
	v12 =	vld.idx.msk [tilespmem:v12+s8+$0x0], $0xffff  }
0x219: {  	s25 =	sor.u32 s23, s2;
	v19 =	vor.u32 $0x7, v6;
	v16 =	vld.idx.msk [tilespmem:v16+s8+$0x0], $0xffff;
	s2 =	sadd.s32 $0x10, s6;
	[tilespmem:s18+$0x0] =	vst v14;
	s18 =	sor.u32 s12, s10  }
0x21a: {  	v9 =	vld.idx.msk [tilespmem:v11+s8+$0x0], $0xffff;
	s24 =	sor.u32 $0x300, s2;
	[tilespmem:s18+$0x0] =	vst v15  }
0x21b: {  	v11 =	vor.u32 $0x3F, v1;
	v1 =	vmovc v4;
	v4 =	vmov v5;
	v5 =	vmov v7;
	v7 =	vld.idx.msk [tilespmem:v17+s8+$0x0], $0xffff;
	[tilespmem:s24+$0x10280] =	vst v13  }
0x21c: {  	s7 =	sor.u32 $0x300, s6;
	v14 =	vor.u32 $0x1A, v4;
	s18 =	sadd.s32 $0x19180, s13;
	v17 =	vld.idx.msk [tilespmem:v20+s8+$0x0], $0xffff  }
0x21d: {  	s6 =	sor.u32 s11, s10;
	v15 =	vor.u32 $0x2C, v0;
	[tilespmem:s7+$0x10280] =	vst v18;
	s7 =	sadd.s32 $0x13F00, s5;
	s10 =	sor.u32 s4, s18;
	v10 =	vld.idx.msk [tilespmem:v10+s8+$0x0], $0xffff  }
0x21e: {  	v18 =	vor.u32 $0x1A, v3;
	s24 =	sor.u32 s23, s18;
	s18 =	sor.u32 s14, s7;
	s7 =	sor.u32 s15, s7;
	v19 =	vld.idx.msk [tilespmem:v19+s8+$0x0], $0xffff;
	[tilespmem:s10+$0x0] =	vst v12  }
0x21f: {  	v22 =	vor.u32 $0x8, v6;
	[tilespmem:s7+$0x0] =	vst v16  }
0x220: {  	s3 =	sadd.s32 $0x2, s3;
	s22 =	sadd.s32 $0x20, s22;
	v20 =	vor.u32 $0x2D, v1;
	s10 =	sadd.s32 $0x16880, s16;
	[tilespmem:s6+$0x0] =	vst v9;
	v63 =	vld.idx.msk [tilespmem:v11+s8+$0x0], $0xffff  }
0x221: {  	p0 =	slt.u32 s3, $0x22;
	s2 =	sor.u32 $0x380, s2;
	v12 =	vor.u32 $0x8, v5;
	s7 =	sor.u32 s12, s10;
	v13 =	vld.idx.msk [tilespmem:v14+s8+$0x0], $0xffff;
	[tilespmem:s18+$0x0] =	vst v7  }
.Ltmp0:
0x222: {  	s6 =	sor.u32 s11, s10;
	s18 =	smov.u32 s19;
	v7 =	vld.idx.msk [tilespmem:v15+s8+$0x0], $0xffff;
	[tilespmem:s7+$0x0] =	vst v17;
	(pc) =	sbr.rel @p0 .LBB2_2-.Ltmp0, $4  }
0x223: {  	s19 =	smov.u32 s31;
	s31 =	smov.u32 s1;
	s1 =	smov.u32 s0;
	v14 =	vld.idx.msk [tilespmem:v18+s8+$0x0], $0xffff;
	[tilespmem:s21+$0x10280] =	vst v19  }
0x224: {  	s7 =	sadd.s32 $0x19200, s13;
	s13 =	smov.u32 s16;
	s16 =	smov.u32 s5;
	[tilespmem:s2+$0x10280] =	vst v10;
	v18 =	vld.idx.msk [tilespmem:v22+s8+$0x0], $0xffff  }
0x225: {  	v16 =	vor.u32 $0x1B, v3;
	s0 =	rddreg [dreg:$0x3];
	s10 =	sadd.s32 $0x13F80, s16;
	s2 =	sor.u32 s4, s7;
	v9 =	vld.idx.msk [tilespmem:v20+s8+$0x0], $0xffff  }
0x226: {  	v11 =	vor.u32 $0x2D, v0;
	v15 =	vor.u32 $0x1B, v4;
	s21 =	sor.u32 s23, s7;
	v10 =	vor.u32 $0x2E, v1;
	v17 =	vld.idx.msk [tilespmem:v12+s8+$0x0], $0xffff;
	s5 =	sor.u32 s14, s10;
	s4 =	sor.u32 s15, s10;
	[tilespmem:s2+$0x0] =	vst v63  }
0x227: {  	v12 =	vor.u32 $0x9, v5  }
0x228: {  	v19 =	vor.u32 $0x9, v6  }
0x229: {  	s2 =	sadd.s32 $0x11680, s19  }
0x22a: {  	s3 =	sor.u32 s17, s2  }
0x22b: {  	s2 =	sor.u32 s18, s2;
	[tilespmem:s3+$0x0] =	vst v17  }
0x22c: {  	[tilespmem:s2+$0x0] =	vst v18;
	v12 =	vld.idx.msk [tilespmem:v12+s8+$0x0], $0xffff  }
0x22d: {  	v39 =	vor.u32 $0xA, v5;
	v38 =	vld.idx.msk [tilespmem:v19+s8+$0x0], $0xffff  }
0x22e: {  	v40 =	vor.u32 $0xA, v6  }
0x22f: {  	s3 =	sadd.s32 $0x11700, s19  }
0x230: {  	s7 =	sor.u32 s17, s3  }
0x231: {  	s2 =	sor.u32 s18, s3;
	[tilespmem:s7+$0x0] =	vst v12  }
0x232: {  	[tilespmem:s2+$0x0] =	vst v38;
	v12 =	vld.idx.msk [tilespmem:v39+s8+$0x0], $0xffff  }
0x233: {  	v41 =	vor.u32 $0xB, v5;
	v17 =	vld.idx.msk [tilespmem:v40+s8+$0x0], $0xffff  }
0x234: {  	v42 =	vor.u32 $0xB, v6  }
0x235: {  	s9 =	sadd.s32 $0x11780, s19  }
0x236: {  	s10 =	sor.u32 s17, s9  }
0x237: {  	s2 =	sor.u32 s18, s9;
	[tilespmem:s10+$0x0] =	vst v12  }
0x238: {  	[tilespmem:s2+$0x0] =	vst v17;
	v12 =	vld.idx.msk [tilespmem:v41+s8+$0x0], $0xffff  }
0x239: {  	v43 =	vor.u32 $0xC, v5;
	v17 =	vld.idx.msk [tilespmem:v42+s8+$0x0], $0xffff  }
0x23a: {  	v44 =	vor.u32 $0xC, v6  }
0x23b: {  	s20 =	sadd.s32 $0x11800, s19  }
0x23c: {  	s22 =	sor.u32 s17, s20  }
0x23d: {  	s2 =	sor.u32 s18, s20;
	[tilespmem:s22+$0x0] =	vst v12  }
0x23e: {  	[tilespmem:s2+$0x0] =	vst v17;
	v12 =	vld.idx.msk [tilespmem:v43+s8+$0x0], $0xffff  }
0x23f: {  	v45 =	vor.u32 $0xD, v5;
	v17 =	vld.idx.msk [tilespmem:v44+s8+$0x0], $0xffff  }
0x240: {  	v46 =	vor.u32 $0xD, v6  }
0x241: {  	s23 =	sadd.s32 $0x11880, s19  }
0x242: {  	s29 =	sor.u32 s17, s23  }
0x243: {  	s2 =	sor.u32 s18, s23;
	[tilespmem:s29+$0x0] =	vst v12  }
0x244: {  	[tilespmem:s2+$0x0] =	vst v17;
	v12 =	vld.idx.msk [tilespmem:v45+s8+$0x0], $0xffff  }
0x245: {  	v47 =	vor.u32 $0xE, v5;
	v17 =	vld.idx.msk [tilespmem:v46+s8+$0x0], $0xffff  }
0x246: {  	v48 =	vor.u32 $0xE, v6  }
0x247: {  	s7 =	sadd.s32 $0x11900, s19  }
0x248: {  	s9 =	sor.u32 s17, s7  }
0x249: {  	s2 =	sor.u32 s18, s7;
	[tilespmem:s9+$0x0] =	vst v12  }
0x24a: {  	[tilespmem:s2+$0x0] =	vst v17;
	v12 =	vld.idx.msk [tilespmem:v47+s8+$0x0], $0xffff  }
0x24b: {  	v49 =	vor.u32 $0xF, v5;
	v17 =	vld.idx.msk [tilespmem:v48+s8+$0x0], $0xffff  }
0x24c: {  	v50 =	vor.u32 $0xF, v6  }
0x24d: {  	s10 =	sadd.s32 $0x11980, s19  }
0x24e: {  	s20 =	sor.u32 s17, s10  }
0x24f: {  	s2 =	sor.u32 s18, s10;
	[tilespmem:s20+$0x0] =	vst v12  }
0x250: {  	[tilespmem:s2+$0x0] =	vst v17;
	v12 =	vld.idx.msk [tilespmem:v49+s8+$0x0], $0xffff  }
0x251: {  	v51 =	vor.u32 $0x10, v5;
	v17 =	vld.idx.msk [tilespmem:v50+s8+$0x0], $0xffff  }
0x252: {  	v52 =	vor.u32 $0x10, v6  }
0x253: {  	s22 =	sadd.s32 $0x11A00, s19  }
0x254: {  	s23 =	sor.u32 s17, s22  }
0x255: {  	s2 =	sor.u32 s18, s22;
	[tilespmem:s23+$0x0] =	vst v12  }
0x256: {  	[tilespmem:s2+$0x0] =	vst v17;
	v12 =	vld.idx.msk [tilespmem:v51+s8+$0x0], $0xffff  }
0x257: {  	v53 =	vor.u32 $0x11, v5;
	v17 =	vld.idx.msk [tilespmem:v52+s8+$0x0], $0xffff  }
0x258: {  	v54 =	vor.u32 $0x11, v6  }
0x259: {  	s29 =	sadd.s32 $0x12A80, s19  }
0x25a: {  	s7 =	sor.u32 s17, s29  }
0x25b: {  	s2 =	sor.u32 s18, s29;
	[tilespmem:s7+$0x0] =	vst v12  }
0x25c: {  	[tilespmem:s2+$0x0] =	vst v17;
	v12 =	vld.idx.msk [tilespmem:v53+s8+$0x0], $0xffff  }
0x25d: {  	v55 =	vor.u32 $0x12, v5;
	v17 =	vld.idx.msk [tilespmem:v54+s8+$0x0], $0xffff  }
0x25e: {  	v56 =	vor.u32 $0x12, v6  }
0x25f: {  	s9 =	sadd.s32 $0x12B00, s19  }
0x260: {  	s10 =	sor.u32 s17, s9  }
0x261: {  	s2 =	sor.u32 s18, s9;
	[tilespmem:s10+$0x0] =	vst v12  }
0x262: {  	[tilespmem:s2+$0x0] =	vst v17;
	v12 =	vld.idx.msk [tilespmem:v55+s8+$0x0], $0xffff  }
0x263: {  	v57 =	vor.u32 $0x13, v5;
	v17 =	vld.idx.msk [tilespmem:v56+s8+$0x0], $0xffff  }
0x264: {  	v58 =	vor.u32 $0x13, v6  }
0x265: {  	s20 =	sadd.s32 $0x12B80, s19  }
0x266: {  	s22 =	sor.u32 s17, s20  }
0x267: {  	s2 =	sor.u32 s18, s20;
	[tilespmem:s22+$0x0] =	vst v12  }
0x268: {  	[tilespmem:s2+$0x0] =	vst v17;
	v12 =	vld.idx.msk [tilespmem:v57+s8+$0x0], $0xffff  }
0x269: {  	v59 =	vor.u32 $0x14, v5;
	v17 =	vld.idx.msk [tilespmem:v58+s8+$0x0], $0xffff  }
0x26a: {  	v60 =	vor.u32 $0x14, v6  }
0x26b: {  	s23 =	sadd.s32 $0x12C00, s19  }
0x26c: {  	s29 =	sor.u32 s17, s23  }
0x26d: {  	s2 =	sor.u32 s18, s23;
	[tilespmem:s29+$0x0] =	vst v12  }
0x26e: {  	[tilespmem:s2+$0x0] =	vst v17;
	v12 =	vld.idx.msk [tilespmem:v59+s8+$0x0], $0xffff  }
0x26f: {  	v61 =	vor.u32 $0x15, v5;
	v17 =	vld.idx.msk [tilespmem:v60+s8+$0x0], $0xffff  }
0x270: {  	v62 =	vor.u32 $0x15, v6  }
0x271: {  	s3 =	sadd.s32 $0x12C80, s19  }
0x272: {  	s7 =	sor.u32 s17, s3  }
0x273: {  	s2 =	sor.u32 s18, s3;
	[tilespmem:s7+$0x0] =	vst v12  }
0x274: {  	[tilespmem:s2+$0x0] =	vst v17;
	v12 =	vld.idx.msk [tilespmem:v61+s8+$0x0], $0xffff  }
0x275: {  	v63 =	vor.u32 $0x16, v5;
	v17 =	vld.idx.msk [tilespmem:v62+s8+$0x0], $0xffff  }
0x276: {  	v21 =	vor.u32 $0x16, v6  }
0x277: {  	s9 =	sadd.s32 $0x12D00, s19  }
0x278: {  	s10 =	sor.u32 s17, s9  }
0x279: {  	s2 =	sor.u32 s18, s9;
	[tilespmem:s10+$0x0] =	vst v12  }
0x27a: {  	[tilespmem:s2+$0x0] =	vst v17;
	v12 =	vld.idx.msk [tilespmem:v63+s8+$0x0], $0xffff  }
0x27b: {  	v22 =	vor.u32 $0x17, v5;
	v17 =	vld.idx.msk [tilespmem:v21+s8+$0x0], $0xffff  }
0x27c: {  	v23 =	vor.u32 $0x17, v6  }
0x27d: {  	s20 =	sadd.s32 $0x12D80, s19  }
0x27e: {  	s22 =	sor.u32 s17, s20  }
0x27f: {  	s2 =	sor.u32 s18, s20;
	[tilespmem:s22+$0x0] =	vst v12  }
0x280: {  	[tilespmem:s2+$0x0] =	vst v17;
	v12 =	vld.idx.msk [tilespmem:v22+s8+$0x0], $0xffff  }
0x281: {  	v24 =	vor.u32 $0x18, v5;
	v17 =	vld.idx.msk [tilespmem:v23+s8+$0x0], $0xffff  }
0x282: {  	v25 =	vor.u32 $0x18, v6  }
0x283: {  	s23 =	sadd.s32 $0x12E00, s19  }
0x284: {  	s29 =	sor.u32 s17, s23  }
0x285: {  	s2 =	sor.u32 s18, s23;
	[tilespmem:s29+$0x0] =	vst v12  }
0x286: {  	[tilespmem:s2+$0x0] =	vst v17;
	v12 =	vld.idx.msk [tilespmem:v24+s8+$0x0], $0xffff  }
0x287: {  	v26 =	vor.u32 $0x19, v5;
	v17 =	vld.idx.msk [tilespmem:v25+s8+$0x0], $0xffff  }
0x288: {  	v27 =	vor.u32 $0x19, v6  }
0x289: {  	s3 =	sadd.s32 $0x13E80, s19  }
0x28a: {  	s7 =	sor.u32 s17, s3  }
0x28b: {  	s2 =	sor.u32 s18, s3;
	[tilespmem:s7+$0x0] =	vst v12  }
0x28c: {  	[tilespmem:s2+$0x0] =	vst v17;
	v12 =	vld.idx.msk [tilespmem:v26+s8+$0x0], $0xffff  }
0x28d: {  	v28 =	vor.u32 $0x1A, v5;
	v17 =	vld.idx.msk [tilespmem:v27+s8+$0x0], $0xffff  }
0x28e: {  	v29 =	vor.u32 $0x1A, v6  }
0x28f: {  	s9 =	sadd.s32 $0x13F00, s19  }
0x290: {  	s10 =	sor.u32 s17, s9  }
0x291: {  	s2 =	sor.u32 s18, s9;
	[tilespmem:s10+$0x0] =	vst v12  }
0x292: {  	[tilespmem:s2+$0x0] =	vst v17;
	v12 =	vld.idx.msk [tilespmem:v28+s8+$0x0], $0xffff  }
0x293: {  	v30 =	vor.u32 $0x1B, v5;
	v17 =	vld.idx.msk [tilespmem:v29+s8+$0x0], $0xffff  }
0x294: {  	v31 =	vor.u32 $0x1B, v6  }
0x295: {  	[tilespmem:s4+$0x0] =	vst v13;
	s20 =	sadd.s32 $0x13F80, s19  }
0x296: {  	v13 =	vld.idx.msk [tilespmem:v15+s8+$0x0], $0xffff;
	[tilespmem:s5+$0x0] =	vst v14;
	s22 =	sor.u32 s17, s20  }
0x297: {  	v32 =	vor.u32 $0x1C, v4;
	v14 =	vld.idx.msk [tilespmem:v16+s8+$0x0], $0xffff;
	s2 =	sor.u32 s18, s20;
	[tilespmem:s22+$0x0] =	vst v12  }
0x298: {  	v33 =	vor.u32 $0x1C, v3;
	[tilespmem:s2+$0x0] =	vst v17;
	v34 =	vld.idx.msk [tilespmem:v30+s8+$0x0], $0xffff  }
0x299: {  	v35 =	vor.u32 $0x1C, v5;
	s23 =	sor.u32 $0x14000, s16;
	v17 =	vld.idx.msk [tilespmem:v31+s8+$0x0], $0xffff  }
0x29a: {  	v36 =	vor.u32 $0x1C, v6;
	s29 =	sor.u32 s15, s23  }
0x29b: {  	s4 =	sor.u32 $0x14000, s19;
	[tilespmem:s29+$0x0] =	vst v13;
	s2 =	sor.u32 s14, s23  }
0x29c: {  	s5 =	sor.u32 s17, s4;
	v13 =	vld.idx.msk [tilespmem:v32+s8+$0x0], $0xffff;
	[tilespmem:s2+$0x0] =	vst v14  }
0x29d: {  	v37 =	vor.u32 $0x1D, v4;
	s3 =	sor.u32 s18, s4;
	v12 =	vld.idx.msk [tilespmem:v33+s8+$0x0], $0xffff;
	[tilespmem:s5+$0x0] =	vst v34  }
0x29e: {  	v38 =	vor.u32 $0x1D, v3;
	[tilespmem:s3+$0x0] =	vst v17;
	v16 =	vld.idx.msk [tilespmem:v35+s8+$0x0], $0xffff  }
0x29f: {  	v39 =	vor.u32 $0x1D, v5;
	s7 =	sor.u32 $0x14080, s16;
	v17 =	vld.idx.msk [tilespmem:v36+s8+$0x0], $0xffff  }
0x2a0: {  	v40 =	vor.u32 $0x1D, v6;
	s9 =	sor.u32 s15, s7  }
0x2a1: {  	[tilespmem:s9+$0x0] =	vst v13;
	s10 =	sor.u32 $0x14080, s19;
	s2 =	sor.u32 s14, s7  }
0x2a2: {  	v13 =	vld.idx.msk [tilespmem:v37+s8+$0x0], $0xffff;
	s20 =	sor.u32 s17, s10;
	[tilespmem:s2+$0x0] =	vst v12  }
0x2a3: {  	v41 =	vor.u32 $0x1E, v4;
	s3 =	sor.u32 s18, s10;
	v12 =	vld.idx.msk [tilespmem:v38+s8+$0x0], $0xffff;
	[tilespmem:s20+$0x0] =	vst v16  }
0x2a4: {  	v42 =	vor.u32 $0x1E, v3;
	[tilespmem:s3+$0x0] =	vst v17;
	v16 =	vld.idx.msk [tilespmem:v39+s8+$0x0], $0xffff  }
0x2a5: {  	v43 =	vor.u32 $0x1E, v5;
	s22 =	sor.u32 $0x14100, s16;
	v17 =	vld.idx.msk [tilespmem:v40+s8+$0x0], $0xffff  }
0x2a6: {  	v44 =	vor.u32 $0x1E, v6;
	s23 =	sor.u32 s15, s22  }
0x2a7: {  	s29 =	sor.u32 $0x14100, s19;
	[tilespmem:s23+$0x0] =	vst v13;
	s2 =	sor.u32 s14, s22  }
0x2a8: {  	s4 =	sor.u32 s17, s29;
	v13 =	vld.idx.msk [tilespmem:v41+s8+$0x0], $0xffff;
	[tilespmem:s2+$0x0] =	vst v12  }
0x2a9: {  	v45 =	vor.u32 $0x1F, v4;
	s3 =	sor.u32 s18, s29;
	v12 =	vld.idx.msk [tilespmem:v42+s8+$0x0], $0xffff;
	[tilespmem:s4+$0x0] =	vst v16  }
0x2aa: {  	v46 =	vor.u32 $0x1F, v3;
	[tilespmem:s3+$0x0] =	vst v17;
	v16 =	vld.idx.msk [tilespmem:v43+s8+$0x0], $0xffff  }
0x2ab: {  	v47 =	vor.u32 $0x1F, v5;
	s5 =	sor.u32 $0x14180, s16;
	v17 =	vld.idx.msk [tilespmem:v44+s8+$0x0], $0xffff  }
0x2ac: {  	v48 =	vor.u32 $0x1F, v6;
	s7 =	sor.u32 s15, s5  }
0x2ad: {  	s9 =	sor.u32 $0x14180, s19;
	[tilespmem:s7+$0x0] =	vst v13;
	s2 =	sor.u32 s14, s5  }
0x2ae: {  	s10 =	sor.u32 s17, s9;
	v13 =	vld.idx.msk [tilespmem:v45+s8+$0x0], $0xffff;
	[tilespmem:s2+$0x0] =	vst v12  }
0x2af: {  	v49 =	vor.u32 $0x20, v4;
	s3 =	sor.u32 s18, s9;
	v12 =	vld.idx.msk [tilespmem:v46+s8+$0x0], $0xffff;
	[tilespmem:s10+$0x0] =	vst v16  }
0x2b0: {  	v50 =	vor.u32 $0x20, v3;
	[tilespmem:s3+$0x0] =	vst v17;
	v16 =	vld.idx.msk [tilespmem:v47+s8+$0x0], $0xffff  }
0x2b1: {  	v51 =	vor.u32 $0x20, v5;
	s20 =	sor.u32 $0x14200, s16;
	v17 =	vld.idx.msk [tilespmem:v48+s8+$0x0], $0xffff  }
0x2b2: {  	v52 =	vor.u32 $0x20, v6;
	s22 =	sor.u32 s15, s20  }
0x2b3: {  	s23 =	sor.u32 $0x14200, s19;
	[tilespmem:s22+$0x0] =	vst v13;
	s2 =	sor.u32 s14, s20  }
0x2b4: {  	s29 =	sor.u32 s17, s23;
	v13 =	vld.idx.msk [tilespmem:v49+s8+$0x0], $0xffff;
	[tilespmem:s2+$0x0] =	vst v12  }
0x2b5: {  	v53 =	vor.u32 $0x21, v4;
	s3 =	sor.u32 s18, s23;
	v12 =	vld.idx.msk [tilespmem:v50+s8+$0x0], $0xffff;
	[tilespmem:s29+$0x0] =	vst v16  }
0x2b6: {  	v54 =	vor.u32 $0x21, v3;
	[tilespmem:s3+$0x0] =	vst v17;
	v16 =	vld.idx.msk [tilespmem:v51+s8+$0x0], $0xffff  }
0x2b7: {  	v55 =	vor.u32 $0x21, v5;
	s3 =	sadd.s32 $0x15280, s16;
	v17 =	vld.idx.msk [tilespmem:v52+s8+$0x0], $0xffff  }
0x2b8: {  	v56 =	vor.u32 $0x21, v6;
	s4 =	sor.u32 s15, s3  }
0x2b9: {  	s5 =	sadd.s32 $0x15280, s19;
	s2 =	sor.u32 s14, s3;
	[tilespmem:s4+$0x0] =	vst v13  }
0x2ba: {  	s7 =	sor.u32 s17, s5;
	[tilespmem:s2+$0x0] =	vst v12;
	v13 =	vld.idx.msk [tilespmem:v53+s8+$0x0], $0xffff  }
0x2bb: {  	v57 =	vor.u32 $0x22, v4;
	s3 =	sor.u32 s18, s5;
	v12 =	vld.idx.msk [tilespmem:v54+s8+$0x0], $0xffff;
	[tilespmem:s7+$0x0] =	vst v16  }
0x2bc: {  	v58 =	vor.u32 $0x22, v3;
	[tilespmem:s3+$0x0] =	vst v17;
	v16 =	vld.idx.msk [tilespmem:v55+s8+$0x0], $0xffff  }
0x2bd: {  	v59 =	vor.u32 $0x22, v5;
	s9 =	sadd.s32 $0x15300, s16;
	v17 =	vld.idx.msk [tilespmem:v56+s8+$0x0], $0xffff  }
0x2be: {  	v60 =	vor.u32 $0x22, v6;
	s10 =	sor.u32 s15, s9  }
0x2bf: {  	s20 =	sadd.s32 $0x15300, s19;
	s2 =	sor.u32 s14, s9;
	[tilespmem:s10+$0x0] =	vst v13  }
0x2c0: {  	s22 =	sor.u32 s17, s20;
	[tilespmem:s2+$0x0] =	vst v12;
	v13 =	vld.idx.msk [tilespmem:v57+s8+$0x0], $0xffff  }
0x2c1: {  	v61 =	vor.u32 $0x23, v4;
	s3 =	sor.u32 s18, s20;
	v12 =	vld.idx.msk [tilespmem:v58+s8+$0x0], $0xffff;
	[tilespmem:s22+$0x0] =	vst v16  }
0x2c2: {  	v62 =	vor.u32 $0x23, v3;
	[tilespmem:s3+$0x0] =	vst v17;
	v16 =	vld.idx.msk [tilespmem:v59+s8+$0x0], $0xffff  }
0x2c3: {  	v63 =	vor.u32 $0x23, v5;
	s23 =	sadd.s32 $0x15380, s16;
	v17 =	vld.idx.msk [tilespmem:v60+s8+$0x0], $0xffff  }
0x2c4: {  	v21 =	vor.u32 $0x23, v6;
	s29 =	sor.u32 s15, s23  }
0x2c5: {  	s4 =	sadd.s32 $0x15380, s19;
	s2 =	sor.u32 s14, s23;
	[tilespmem:s29+$0x0] =	vst v13  }
0x2c6: {  	s5 =	sor.u32 s17, s4;
	[tilespmem:s2+$0x0] =	vst v12;
	v13 =	vld.idx.msk [tilespmem:v61+s8+$0x0], $0xffff  }
0x2c7: {  	v22 =	vor.u32 $0x24, v4;
	s3 =	sor.u32 s18, s4;
	v12 =	vld.idx.msk [tilespmem:v62+s8+$0x0], $0xffff;
	[tilespmem:s5+$0x0] =	vst v16  }
0x2c8: {  	v23 =	vor.u32 $0x24, v3;
	[tilespmem:s3+$0x0] =	vst v17;
	v16 =	vld.idx.msk [tilespmem:v63+s8+$0x0], $0xffff  }
0x2c9: {  	v24 =	vor.u32 $0x24, v5;
	s7 =	sadd.s32 $0x15400, s16;
	v17 =	vld.idx.msk [tilespmem:v21+s8+$0x0], $0xffff  }
0x2ca: {  	v25 =	vor.u32 $0x24, v6;
	s9 =	sor.u32 s15, s7  }
0x2cb: {  	s10 =	sadd.s32 $0x15400, s19;
	s2 =	sor.u32 s14, s7;
	[tilespmem:s9+$0x0] =	vst v13  }
0x2cc: {  	s20 =	sor.u32 s17, s10;
	[tilespmem:s2+$0x0] =	vst v12;
	v13 =	vld.idx.msk [tilespmem:v22+s8+$0x0], $0xffff  }
0x2cd: {  	v26 =	vor.u32 $0x25, v4;
	s3 =	sor.u32 s18, s10;
	v12 =	vld.idx.msk [tilespmem:v23+s8+$0x0], $0xffff;
	[tilespmem:s20+$0x0] =	vst v16  }
0x2ce: {  	v27 =	vor.u32 $0x25, v3;
	[tilespmem:s3+$0x0] =	vst v17;
	v16 =	vld.idx.msk [tilespmem:v24+s8+$0x0], $0xffff  }
0x2cf: {  	v28 =	vor.u32 $0x25, v5;
	s22 =	sadd.s32 $0x15480, s16;
	v17 =	vld.idx.msk [tilespmem:v25+s8+$0x0], $0xffff  }
0x2d0: {  	v29 =	vor.u32 $0x25, v6;
	s23 =	sor.u32 s15, s22  }
0x2d1: {  	s29 =	sadd.s32 $0x15480, s19;
	s2 =	sor.u32 s14, s22;
	[tilespmem:s23+$0x0] =	vst v13  }
0x2d2: {  	s4 =	sor.u32 s17, s29;
	[tilespmem:s2+$0x0] =	vst v12;
	v13 =	vld.idx.msk [tilespmem:v26+s8+$0x0], $0xffff  }
0x2d3: {  	v30 =	vor.u32 $0x26, v4;
	s3 =	sor.u32 s18, s29;
	v12 =	vld.idx.msk [tilespmem:v27+s8+$0x0], $0xffff;
	[tilespmem:s4+$0x0] =	vst v16  }
0x2d4: {  	v31 =	vor.u32 $0x26, v3;
	[tilespmem:s3+$0x0] =	vst v17;
	v16 =	vld.idx.msk [tilespmem:v28+s8+$0x0], $0xffff  }
0x2d5: {  	v32 =	vor.u32 $0x26, v5;
	s5 =	sadd.s32 $0x15500, s16;
	v17 =	vld.idx.msk [tilespmem:v29+s8+$0x0], $0xffff  }
0x2d6: {  	v33 =	vor.u32 $0x26, v6;
	s7 =	sor.u32 s15, s5  }
0x2d7: {  	s9 =	sadd.s32 $0x15500, s19;
	s2 =	sor.u32 s14, s5;
	[tilespmem:s7+$0x0] =	vst v13  }
0x2d8: {  	s10 =	sor.u32 s17, s9;
	[tilespmem:s2+$0x0] =	vst v12;
	v13 =	vld.idx.msk [tilespmem:v30+s8+$0x0], $0xffff  }
0x2d9: {  	v34 =	vor.u32 $0x27, v4;
	s3 =	sor.u32 s18, s9;
	v35 =	vld.idx.msk [tilespmem:v31+s8+$0x0], $0xffff;
	[tilespmem:s10+$0x0] =	vst v16  }
0x2da: {  	v36 =	vor.u32 $0x27, v3;
	[tilespmem:s3+$0x0] =	vst v17;
	v16 =	vld.idx.msk [tilespmem:v32+s8+$0x0], $0xffff  }
0x2db: {  	v37 =	vor.u32 $0x27, v5;
	s20 =	sadd.s32 $0x15580, s16;
	v38 =	vld.idx.msk [tilespmem:v33+s8+$0x0], $0xffff  }
0x2dc: {  	v39 =	vor.u32 $0x27, v6;
	s22 =	sor.u32 s15, s20  }
0x2dd: {  	s23 =	sadd.s32 $0x15580, s19;
	s2 =	sor.u32 s14, s20;
	[tilespmem:s22+$0x0] =	vst v13  }
0x2de: {  	s29 =	sor.u32 s17, s23;
	[tilespmem:s2+$0x0] =	vst v35;
	v12 =	vld.idx.msk [tilespmem:v34+s8+$0x0], $0xffff  }
0x2df: {  	v40 =	vor.u32 $0x28, v4;
	s3 =	sor.u32 s18, s23;
	v14 =	vld.idx.msk [tilespmem:v36+s8+$0x0], $0xffff;
	[tilespmem:s29+$0x0] =	vst v16  }
0x2e0: {  	v41 =	vor.u32 $0x28, v3;
	[tilespmem:s3+$0x0] =	vst v38;
	v16 =	vld.idx.msk [tilespmem:v37+s8+$0x0], $0xffff  }
0x2e1: {  	v42 =	vor.u32 $0x28, v5;
	s4 =	sadd.s32 $0x15600, s16;
	v18 =	vld.idx.msk [tilespmem:v39+s8+$0x0], $0xffff  }
0x2e2: {  	v43 =	vor.u32 $0x28, v6;
	s5 =	sor.u32 s15, s4  }
0x2e3: {  	s7 =	sadd.s32 $0x15600, s19;
	s2 =	sor.u32 s14, s4;
	[tilespmem:s5+$0x0] =	vst v12  }
0x2e4: {  	s9 =	sor.u32 s17, s7;
	[tilespmem:s2+$0x0] =	vst v14;
	v12 =	vld.idx.msk [tilespmem:v40+s8+$0x0], $0xffff  }
0x2e5: {  	v44 =	vor.u32 $0x29, v4;
	s3 =	sor.u32 s18, s7;
	v14 =	vld.idx.msk [tilespmem:v41+s8+$0x0], $0xffff;
	[tilespmem:s9+$0x0] =	vst v16  }
0x2e6: {  	v45 =	vor.u32 $0x29, v3;
	[tilespmem:s3+$0x0] =	vst v18;
	v16 =	vld.idx.msk [tilespmem:v42+s8+$0x0], $0xffff  }
0x2e7: {  	[tilespmem:s6+$0x0] =	vst v7;
	v46 =	vor.u32 $0x29, v5;
	s22 =	sadd.s32 $0x16680, s16;
	v47 =	vld.idx.msk [tilespmem:v43+s8+$0x0], $0xffff  }
0x2e8: {  	[tilespmem:s0+$0x0] =	vst v8;
	v48 =	vor.u32 $0x29, v6;
	s23 =	sor.u32 s15, s22  }
0x2e9: {  	v11 =	vld.idx.msk [tilespmem:v11+s8+$0x0], $0xffff;
	s4 =	sor.u32 s14, s22;
	s29 =	sadd.s32 $0x16680, s19;
	[tilespmem:s23+$0x0] =	vst v12  }
0x2ea: {  	v49 =	vor.u32 $0x38, v2;
	s5 =	sor.u32 s17, s29;
	[tilespmem:s4+$0x0] =	vst v14;
	v13 =	vld.idx.msk [tilespmem:v44+s8+$0x0], $0xffff  }
0x2eb: {  	v50 =	vor.u32 $0x2A, v4;
	s10 =	sadd.s32 $0x16900, s13;
	s3 =	sor.u32 s18, s29;
	v15 =	vld.idx.msk [tilespmem:v45+s8+$0x0], $0xffff;
	[tilespmem:s5+$0x0] =	vst v16  }
0x2ec: {  	v51 =	vor.u32 $0x2A, v3;
	s20 =	sor.u32 s12, s10;
	[tilespmem:s3+$0x0] =	vst v47;
	v7 =	vld.idx.msk [tilespmem:v46+s8+$0x0], $0xffff  }
0x2ed: {  	s6 =	sadd.s32 $0x16700, s16;
	v52 =	vor.u32 $0x2A, v5;
	[tilespmem:s20+$0x0] =	vst v9;
	s2 =	sor.u32 s11, s10;
	v9 =	vld.idx.msk [tilespmem:v48+s8+$0x0], $0xffff  }
0x2ee: {  	v53 =	vor.u32 $0x2A, v6;
	v10 =	vld.idx.msk [tilespmem:v10+s8+$0x0], $0xffff;
	s7 =	sor.u32 s15, s6;
	[tilespmem:s2+$0x0] =	vst v11  }
0x2ef: {  	s0 =	sor.u32 s14, s6;
	v54 =	vor.u32 $0x2E, v0;
	s9 =	sadd.s32 $0x16700, s19;
	v12 =	vld.idx.msk [tilespmem:v49+s8+$0x0], $0xffff;
	[tilespmem:s7+$0x0] =	vst v13  }
0x2f0: {  	v55 =	vor.u32 $0x2F, v1;
	s10 =	sor.u32 s17, s9;
	[tilespmem:s0+$0x0] =	vst v15;
	v14 =	vld.idx.msk [tilespmem:v50+s8+$0x0], $0xffff  }
0x2f1: {  	v56 =	vor.u32 $0x2B, v4;
	s20 =	sadd.s32 $0x16980, s13;
	s2 =	sor.u32 s18, s9;
	v15 =	vld.idx.msk [tilespmem:v51+s8+$0x0], $0xffff;
	[tilespmem:s10+$0x0] =	vst v7  }
0x2f2: {  	v57 =	vor.u32 $0x2B, v3;
	s22 =	sor.u32 s12, s20;
	[tilespmem:s2+$0x0] =	vst v9;
	v8 =	vld.idx.msk [tilespmem:v52+s8+$0x0], $0xffff  }
0x2f3: {  	v58 =	vor.u32 $0x2B, v5;
	[tilespmem:s22+$0x0] =	vst v10;
	s23 =	sadd.s32 $0x16780, s16;
	v11 =	vld.idx.msk [tilespmem:v53+s8+$0x0], $0xffff  }
0x2f4: {  	v60 =	vor.u32 $0x2B, v6;
	v59 =	vld.idx.msk [tilespmem:v54+s8+$0x0], $0xffff;
	s29 =	sor.u32 s15, s23;
	[tilespmem:s1+$0x0] =	vst v12  }
0x2f5: {  	v61 =	vor.u32 $0x39, v2;
	s3 =	sadd.s32 $0x16780, s19;
	v13 =	vld.idx.msk [tilespmem:v55+s8+$0x0], $0xffff;
	s2 =	sor.u32 s14, s23;
	[tilespmem:s29+$0x0] =	vst v14  }
0x2f6: {  	v62 =	vor.u32 $0x2F, v0;
	s4 =	sor.u32 s17, s3;
	[tilespmem:s2+$0x0] =	vst v15;
	v7 =	vld.idx.msk [tilespmem:v56+s8+$0x0], $0xffff  }
0x2f7: {  	v63 =	vor.u32 $0x2C, v4;
	s1 =	sor.u32 s18, s3;
	v9 =	vld.idx.msk [tilespmem:v57+s8+$0x0], $0xffff;
	[tilespmem:s4+$0x0] =	vst v8  }
0x2f8: {  	v20 =	vor.u32 $0x2C, v3;
	s5 =	sadd.s32 $0x16A00, s13;
	s0 =	sor.u32 s11, s20;
	[tilespmem:s1+$0x0] =	vst v11;
	v10 =	vld.idx.msk [tilespmem:v58+s8+$0x0], $0xffff  }
0x2f9: {  	v21 =	vor.u32 $0x2C, v5;
	s6 =	sor.u32 s12, s5;
	s7 =	sadd.s32 $0x16800, s16;
	[tilespmem:s0+$0x0] =	vst v59;
	v12 =	vld.idx.msk [tilespmem:v60+s8+$0x0], $0xffff  }
0x2fa: {  	v23 =	vor.u32 $0x2C, v6;
	v22 =	vld.idx.msk [tilespmem:v61+s8+$0x0], $0xffff;
	s9 =	sor.u32 s15, s7;
	[tilespmem:s6+$0x0] =	vst v13  }
0x2fb: {  	v24 =	vor.u32 $0x30, v1;
	s10 =	sadd.s32 $0x16800, s19;
	v14 =	vld.idx.msk [tilespmem:v62+s8+$0x0], $0xffff;
	s1 =	sor.u32 s14, s7;
	[tilespmem:s9+$0x0] =	vst v7  }
0x2fc: {  	v25 =	vor.u32 $0x3A, v2;
	s20 =	sor.u32 s17, s10;
	[tilespmem:s1+$0x0] =	vst v9;
	v15 =	vld.idx.msk [tilespmem:v63+s8+$0x0], $0xffff  }
0x2fd: {  	v26 =	vor.u32 $0x2D, v4;
	s0 =	sor.u32 s18, s10;
	v8 =	vld.idx.msk [tilespmem:v20+s8+$0x0], $0xffff;
	[tilespmem:s20+$0x0] =	vst v10  }
0x2fe: {  	v27 =	vor.u32 $0x2D, v3;
	[tilespmem:s0+$0x0] =	vst v12;
	v11 =	vld.idx.msk [tilespmem:v21+s8+$0x0], $0xffff  }
0x2ff: {  	v28 =	vor.u32 $0x2D, v5;
	s22 =	sor.u32 s11, s5;
	s23 =	sadd.s32 $0x16880, s16;
	[tilespmem:s31+$0x0] =	vst v22;
	v13 =	vld.idx.msk [tilespmem:v23+s8+$0x0], $0xffff  }
0x300: {  	v30 =	vor.u32 $0x2D, v6;
	v29 =	vld.idx.msk [tilespmem:v24+s8+$0x0], $0xffff;
	s29 =	sor.u32 s15, s23;
	[tilespmem:s22+$0x0] =	vst v14  }
0x301: {  	v31 =	vor.u32 $0x30, v0;
	s31 =	sadd.s32 $0x16880, s19;
	v7 =	vld.idx.msk [tilespmem:v25+s8+$0x0], $0xffff;
	s1 =	sor.u32 s14, s23;
	[tilespmem:s29+$0x0] =	vst v15  }
0x302: {  	v32 =	vor.u32 $0x31, v1;
	s2 =	sor.u32 s17, s31;
	[tilespmem:s1+$0x0] =	vst v8;
	v9 =	vld.idx.msk [tilespmem:v26+s8+$0x0], $0xffff  }
0x303: {  	v33 =	vor.u32 $0x2E, v4;
	s3 =	sadd.s32 $0x17A80, s13;
	s0 =	sor.u32 s18, s31;
	v10 =	vld.idx.msk [tilespmem:v27+s8+$0x0], $0xffff;
	[tilespmem:s2+$0x0] =	vst v11  }
0x304: {  	v34 =	vor.u32 $0x2E, v3;
	s4 =	sor.u32 s12, s3;
	[tilespmem:s0+$0x0] =	vst v13;
	v12 =	vld.idx.msk [tilespmem:v28+s8+$0x0], $0xffff  }
0x305: {  	v35 =	vor.u32 $0x2E, v5;
	s5 =	sadd.s32 $0x16900, s16;
	[tilespmem:s4+$0x0] =	vst v29;
	v14 =	vld.idx.msk [tilespmem:v30+s8+$0x0], $0xffff  }
0x306: {  	v37 =	vor.u32 $0x2E, v6;
	s6 =	sor.u32 s15, s5;
	v36 =	vld.idx.msk [tilespmem:v31+s8+$0x0], $0xffff;
	[tilespmem:s30+$0x0] =	vst v7  }
0x307: {  	v38 =	vor.u32 $0x3B, v2;
	s7 =	sadd.s32 $0x16900, s19;
	v15 =	vld.idx.msk [tilespmem:v32+s8+$0x0], $0xffff;
	s0 =	sor.u32 s14, s5;
	[tilespmem:s6+$0x0] =	vst v9  }
0x308: {  	v39 =	vor.u32 $0x31, v0;
	s9 =	sor.u32 s17, s7;
	[tilespmem:s0+$0x0] =	vst v10;
	v8 =	vld.idx.msk [tilespmem:v33+s8+$0x0], $0xffff  }
0x309: {  	v40 =	vor.u32 $0x2F, v4;
	s2 =	sor.u32 s18, s7;
	v11 =	vld.idx.msk [tilespmem:v34+s8+$0x0], $0xffff;
	[tilespmem:s9+$0x0] =	vst v12  }
0x30a: {  	v41 =	vor.u32 $0x2F, v3;
	s10 =	sor.u32 s11, s3;
	s20 =	sadd.s32 $0x17B00, s13;
	[tilespmem:s2+$0x0] =	vst v14;
	v13 =	vld.idx.msk [tilespmem:v35+s8+$0x0], $0xffff  }
0x30b: {  	v42 =	vor.u32 $0x2F, v5;
	s23 =	sadd.s32 $0x16980, s16;
	[tilespmem:s10+$0x0] =	vst v36;
	s22 =	sor.u32 s12, s20;
	v7 =	vld.idx.msk [tilespmem:v37+s8+$0x0], $0xffff  }
0x30c: {  	v44 =	vor.u32 $0x2F, v6;
	v43 =	vld.idx.msk [tilespmem:v38+s8+$0x0], $0xffff;
	s29 =	sor.u32 s15, s23;
	[tilespmem:s22+$0x0] =	vst v15  }
0x30d: {  	v45 =	vor.u32 $0x32, v1;
	s30 =	sadd.s32 $0x16980, s19;
	v9 =	vld.idx.msk [tilespmem:v39+s8+$0x0], $0xffff;
	s2 =	sor.u32 s14, s23;
	[tilespmem:s29+$0x0] =	vst v8  }
0x30e: {  	v46 =	vor.u32 $0x3C, v2;
	s31 =	sor.u32 s17, s30;
	[tilespmem:s2+$0x0] =	vst v11;
	v10 =	vld.idx.msk [tilespmem:v40+s8+$0x0], $0xffff  }
0x30f: {  	v47 =	vor.u32 $0x30, v4;
	s0 =	sor.u32 s18, s30;
	v12 =	vld.idx.msk [tilespmem:v41+s8+$0x0], $0xffff;
	[tilespmem:s31+$0x0] =	vst v13  }
0x310: {  	v48 =	vor.u32 $0x30, v3;
	[tilespmem:s0+$0x0] =	vst v7;
	v13 =	vld.idx.msk [tilespmem:v42+s8+$0x0], $0xffff  }
0x311: {  	v49 =	vor.u32 $0x30, v5;
	s1 =	sor.u32 s11, s20;
	[tilespmem:s28+$0x0] =	vst v43;
	s2 =	sadd.s32 $0x16A00, s16;
	v15 =	vld.idx.msk [tilespmem:v44+s8+$0x0], $0xffff  }
0x312: {  	v51 =	vor.u32 $0x30, v6;
	v50 =	vld.idx.msk [tilespmem:v45+s8+$0x0], $0xffff;
	[tilespmem:s1+$0x0] =	vst v9;
	s3 =	sor.u32 s15, s2  }
0x313: {  	v52 =	vor.u32 $0x32, v0;
	s4 =	sadd.s32 $0x16A00, s19;
	v8 =	vld.idx.msk [tilespmem:v46+s8+$0x0], $0xffff;
	s1 =	sor.u32 s14, s2;
	[tilespmem:s3+$0x0] =	vst v10  }
0x314: {  	v53 =	vor.u32 $0x33, v1;
	s5 =	sor.u32 s17, s4;
	[tilespmem:s1+$0x0] =	vst v12;
	v11 =	vld.idx.msk [tilespmem:v47+s8+$0x0], $0xffff  }
0x315: {  	v54 =	vor.u32 $0x31, v4;
	s6 =	sadd.s32 $0x17B80, s13;
	s0 =	sor.u32 s18, s4;
	v7 =	vld.idx.msk [tilespmem:v48+s8+$0x0], $0xffff;
	[tilespmem:s5+$0x0] =	vst v13  }
0x316: {  	v55 =	vor.u32 $0x31, v3;
	s7 =	sor.u32 s12, s6;
	[tilespmem:s0+$0x0] =	vst v15;
	v14 =	vld.idx.msk [tilespmem:v49+s8+$0x0], $0xffff  }
0x317: {  	v56 =	vor.u32 $0x31, v5;
	s9 =	sadd.s32 $0x17A80, s16;
	[tilespmem:s7+$0x0] =	vst v50;
	v9 =	vld.idx.msk [tilespmem:v51+s8+$0x0], $0xffff  }
0x318: {  	v58 =	vor.u32 $0x31, v6;
	s10 =	sor.u32 s15, s9;
	v57 =	vld.idx.msk [tilespmem:v52+s8+$0x0], $0xffff;
	[tilespmem:s26+$0x0] =	vst v8  }
0x319: {  	v59 =	vor.u32 $0x3D, v2;
	s20 =	sadd.s32 $0x17A80, s19;
	v10 =	vld.idx.msk [tilespmem:v53+s8+$0x0], $0xffff;
	s0 =	sor.u32 s14, s9;
	[tilespmem:s10+$0x0] =	vst v11  }
0x31a: {  	v60 =	vor.u32 $0x33, v0;
	s22 =	sor.u32 s17, s20;
	[tilespmem:s0+$0x0] =	vst v7;
	v12 =	vld.idx.msk [tilespmem:v54+s8+$0x0], $0xffff  }
0x31b: {  	v61 =	vor.u32 $0x32, v4;
	s2 =	sor.u32 s18, s20;
	v13 =	vld.idx.msk [tilespmem:v55+s8+$0x0], $0xffff;
	[tilespmem:s22+$0x0] =	vst v14  }
0x31c: {  	v62 =	vor.u32 $0x32, v3;
	s23 =	sor.u32 s11, s6;
	s26 =	sadd.s32 $0x17C00, s13;
	[tilespmem:s2+$0x0] =	vst v9;
	v15 =	vld.idx.msk [tilespmem:v56+s8+$0x0], $0xffff  }
0x31d: {  	v63 =	vor.u32 $0x32, v5;
	s29 =	sadd.s32 $0x17B00, s16;
	[tilespmem:s23+$0x0] =	vst v57;
	s28 =	sor.u32 s12, s26;
	v8 =	vld.idx.msk [tilespmem:v58+s8+$0x0], $0xffff  }
0x31e: {  	v21 =	vor.u32 $0x32, v6;
	s30 =	sor.u32 s15, s29;
	v20 =	vld.idx.msk [tilespmem:v59+s8+$0x0], $0xffff;
	[tilespmem:s28+$0x0] =	vst v10  }
0x31f: {  	v22 =	vor.u32 $0x34, v1;
	s31 =	sadd.s32 $0x17B00, s19;
	v11 =	vld.idx.msk [tilespmem:v60+s8+$0x0], $0xffff;
	s2 =	sor.u32 s14, s29;
	[tilespmem:s30+$0x0] =	vst v12  }
0x320: {  	v23 =	vor.u32 $0x3E, v2;
	s3 =	sor.u32 s17, s31;
	[tilespmem:s2+$0x0] =	vst v13;
	v7 =	vld.idx.msk [tilespmem:v61+s8+$0x0], $0xffff  }
0x321: {  	v24 =	vor.u32 $0x33, v4;
	s0 =	sor.u32 s18, s31;
	v14 =	vld.idx.msk [tilespmem:v62+s8+$0x0], $0xffff;
	[tilespmem:s3+$0x0] =	vst v15  }
0x322: {  	v25 =	vor.u32 $0x33, v3;
	[tilespmem:s0+$0x0] =	vst v8;
	v9 =	vld.idx.msk [tilespmem:v63+s8+$0x0], $0xffff  }
0x323: {  	v26 =	vor.u32 $0x33, v5;
	s4 =	sor.u32 s11, s26;
	s5 =	sadd.s32 $0x17B80, s16;
	[tilespmem:s25+$0x0] =	vst v20;
	v10 =	vld.idx.msk [tilespmem:v21+s8+$0x0], $0xffff  }
0x324: {  	v28 =	vor.u32 $0x33, v6;
	s6 =	sor.u32 s15, s5;
	v27 =	vld.idx.msk [tilespmem:v22+s8+$0x0], $0xffff;
	[tilespmem:s4+$0x0] =	vst v11  }
0x325: {  	v29 =	vor.u32 $0x34, v0;
	s7 =	sadd.s32 $0x17B80, s19;
	s1 =	sor.u32 s14, s5;
	v12 =	vld.idx.msk [tilespmem:v23+s8+$0x0], $0xffff;
	[tilespmem:s6+$0x0] =	vst v7  }
0x326: {  	v30 =	vor.u32 $0x35, v1;
	s9 =	sor.u32 s17, s7;
	[tilespmem:s1+$0x0] =	vst v14;
	v13 =	vld.idx.msk [tilespmem:v24+s8+$0x0], $0xffff  }
0x327: {  	v31 =	vor.u32 $0x34, v4;
	s10 =	sadd.s32 $0x17C80, s13;
	s0 =	sor.u32 s18, s7;
	v8 =	vld.idx.msk [tilespmem:v25+s8+$0x0], $0xffff;
	[tilespmem:s9+$0x0] =	vst v9  }
0x328: {  	v32 =	vor.u32 $0x34, v3;
	s20 =	sor.u32 s12, s10;
	[tilespmem:s0+$0x0] =	vst v10;
	v33 =	vld.idx.msk [tilespmem:v26+s8+$0x0], $0xffff  }
0x329: {  	v34 =	vor.u32 $0x34, v5;
	s22 =	sadd.s32 $0x17C00, s16;
	[tilespmem:s20+$0x0] =	vst v27;
	v11 =	vld.idx.msk [tilespmem:v28+s8+$0x0], $0xffff  }
0x32a: {  	v36 =	vor.u32 $0x34, v6;
	s23 =	sor.u32 s15, s22;
	v35 =	vld.idx.msk [tilespmem:v29+s8+$0x0], $0xffff;
	[tilespmem:s24+$0x0] =	vst v12  }
0x32b: {  	v37 =	vor.u32 $0x35, v0;
	s24 =	sadd.s32 $0x17C00, s19;
	v7 =	vld.idx.msk [tilespmem:v30+s8+$0x0], $0xffff;
	s0 =	sor.u32 s14, s22;
	[tilespmem:s23+$0x0] =	vst v13  }
0x32c: {  	v43 =	vor.u32 $0x3F, v2;
	s25 =	sor.u32 s17, s24;
	[tilespmem:s0+$0x0] =	vst v8;
	v9 =	vld.idx.msk [tilespmem:v31+s8+$0x0], $0xffff  }
0x32d: {  	v39 =	vor.u32 $0x35, v4;
	s2 =	sor.u32 s18, s24;
	v10 =	vld.idx.msk [tilespmem:v32+s8+$0x0], $0xffff;
	[tilespmem:s25+$0x0] =	vst v33  }
0x32e: {  	v40 =	vor.u32 $0x35, v3;
	s28 =	sadd.s32 $0x17D00, s13;
	s26 =	sor.u32 s11, s10;
	[tilespmem:s2+$0x0] =	vst v11;
	v15 =	vld.idx.msk [tilespmem:v34+s8+$0x0], $0xffff  }
0x32f: {  	v41 =	vor.u32 $0x35, v5;
	s29 =	sor.u32 s12, s28;
	s30 =	sadd.s32 $0x17C80, s16;
	[tilespmem:s26+$0x0] =	vst v35;
	v12 =	vld.idx.msk [tilespmem:v36+s8+$0x0], $0xffff  }
0x330: {  	v42 =	vor.u32 $0x35, v6;
	s31 =	sor.u32 s15, s30;
	v16 =	vld.idx.msk [tilespmem:v37+s8+$0x0], $0xffff;
	[tilespmem:s29+$0x0] =	vst v7  }
0x331: {  	v38 =	vor.u32 $0x36, v1;
	s3 =	sadd.s32 $0x17C80, s19;
	v2 =	vld.idx.msk [tilespmem:v43+s8+$0x0], $0xffff;
	s2 =	sor.u32 s14, s30;
	[tilespmem:s31+$0x0] =	vst v9  }
0x332: {  	v44 =	vor.u32 $0x36, v0;
	s4 =	sor.u32 s17, s3;
	[tilespmem:s2+$0x0] =	vst v10;
	v8 =	vld.idx.msk [tilespmem:v39+s8+$0x0], $0xffff  }
0x333: {  	v45 =	vor.u32 $0x36, v4;
	s0 =	sor.u32 s18, s3;
	v14 =	vld.idx.msk [tilespmem:v40+s8+$0x0], $0xffff;
	[tilespmem:s4+$0x0] =	vst v15  }
0x334: {  	v46 =	vor.u32 $0x36, v3;
	s1 =	sor.u32 s11, s28;
	[tilespmem:s0+$0x0] =	vst v12;
	v11 =	vld.idx.msk [tilespmem:v41+s8+$0x0], $0xffff  }
0x335: {  	v47 =	vor.u32 $0x36, v5;
	s7 =	sadd.s32 $0x17D00, s16;
	[tilespmem:s1+$0x0] =	vst v16;
	v7 =	vld.idx.msk [tilespmem:v42+s8+$0x0], $0xffff  }
0x336: {  	v48 =	vor.u32 $0x36, v6;
	s9 =	sor.u32 s15, s7;
	[tilespmem:s21+$0x0] =	vst v2;
	v13 =	vld.idx.msk [tilespmem:v38+s8+$0x0], $0xffff  }
0x337: {  	v49 =	vor.u32 $0x37, v1;
	s20 =	sadd.s32 $0x17D00, s19;
	s10 =	sor.u32 s14, s7;
	v9 =	vld.idx.msk [tilespmem:v44+s8+$0x0], $0xffff;
	[tilespmem:s9+$0x0] =	vst v8  }
0x338: {  	v50 =	vor.u32 $0x37, v0;
	s22 =	sor.u32 s17, s20;
	[tilespmem:s10+$0x0] =	vst v14;
	v10 =	vld.idx.msk [tilespmem:v45+s8+$0x0], $0xffff  }
0x339: {  	s5 =	sadd.s32 $0x17D80, s13;
	v51 =	vor.u32 $0x37, v4;
	s23 =	sor.u32 s18, s20;
	v14 =	vld.idx.msk [tilespmem:v46+s8+$0x0], $0xffff;
	[tilespmem:s22+$0x0] =	vst v11  }
0x33a: {  	v52 =	vor.u32 $0x37, v3;
	s6 =	sor.u32 s12, s5;
	[tilespmem:s23+$0x0] =	vst v7;
	v12 =	vld.idx.msk [tilespmem:v47+s8+$0x0], $0xffff  }
0x33b: {  	v53 =	vor.u32 $0x37, v5;
	s24 =	sor.u32 s11, s5;
	s25 =	sadd.s32 $0x17D80, s16;
	[tilespmem:s6+$0x0] =	vst v13;
	v13 =	vld.idx.msk [tilespmem:v48+s8+$0x0], $0xffff  }
0x33c: {  	v55 =	vor.u32 $0x37, v6;
	s26 =	sor.u32 s15, s25;
	v54 =	vld.idx.msk [tilespmem:v49+s8+$0x0], $0xffff;
	[tilespmem:s24+$0x0] =	vst v9  }
0x33d: {  	v56 =	vor.u32 $0x38, v1;
	s28 =	sadd.s32 $0x17D80, s19;
	s1 =	sor.u32 s14, s25;
	v8 =	vld.idx.msk [tilespmem:v50+s8+$0x0], $0xffff;
	[tilespmem:s26+$0x0] =	vst v10  }
0x33e: {  	v57 =	vor.u32 $0x38, v0;
	s29 =	sor.u32 s17, s28;
	[tilespmem:s1+$0x0] =	vst v14;
	v11 =	vld.idx.msk [tilespmem:v51+s8+$0x0], $0xffff  }
0x33f: {  	v58 =	vor.u32 $0x38, v4;
	s30 =	sadd.s32 $0x17E00, s13;
	s0 =	sor.u32 s18, s28;
	v7 =	vld.idx.msk [tilespmem:v52+s8+$0x0], $0xffff;
	[tilespmem:s29+$0x0] =	vst v12  }
0x340: {  	v59 =	vor.u32 $0x38, v3;
	s31 =	sor.u32 s12, s30;
	[tilespmem:s0+$0x0] =	vst v13;
	v2 =	vld.idx.msk [tilespmem:v53+s8+$0x0], $0xffff  }
0x341: {  	v60 =	vor.u32 $0x38, v5;
	s2 =	sadd.s32 $0x17E00, s16;
	[tilespmem:s31+$0x0] =	vst v54;
	s1 =	sor.u32 s11, s30;
	v9 =	vld.idx.msk [tilespmem:v55+s8+$0x0], $0xffff  }
0x342: {  	v61 =	vor.u32 $0x38, v6;
	s3 =	sor.u32 s15, s2;
	v15 =	vld.idx.msk [tilespmem:v56+s8+$0x0], $0xffff;
	[tilespmem:s1+$0x0] =	vst v8  }
0x343: {  	v62 =	vor.u32 $0x39, v1;
	s4 =	sadd.s32 $0x17E00, s19;
	v10 =	vld.idx.msk [tilespmem:v57+s8+$0x0], $0xffff;
	s0 =	sor.u32 s14, s2;
	[tilespmem:s3+$0x0] =	vst v11  }
0x344: {  	v63 =	vor.u32 $0x39, v0;
	s5 =	sor.u32 s17, s4;
	[tilespmem:s0+$0x0] =	vst v7;
	v12 =	vld.idx.msk [tilespmem:v58+s8+$0x0], $0xffff  }
0x345: {  	v20 =	vor.u32 $0x39, v4;
	s6 =	sadd.s32 $0x18E80, s13;
	s1 =	sor.u32 s18, s4;
	v7 =	vld.idx.msk [tilespmem:v59+s8+$0x0], $0xffff;
	[tilespmem:s5+$0x0] =	vst v2  }
0x346: {  	v21 =	vor.u32 $0x39, v3;
	s7 =	sor.u32 s12, s6;
	[tilespmem:s1+$0x0] =	vst v9;
	v22 =	vld.idx.msk [tilespmem:v60+s8+$0x0], $0xffff  }
0x347: {  	v23 =	vor.u32 $0x39, v5;
	s9 =	sadd.s32 $0x18E80, s16;
	[tilespmem:s7+$0x0] =	vst v15;
	s0 =	sor.u32 s11, s6;
	v8 =	vld.idx.msk [tilespmem:v61+s8+$0x0], $0xffff  }
0x348: {  	v24 =	vor.u32 $0x39, v6;
	s10 =	sor.u32 s15, s9;
	v15 =	vld.idx.msk [tilespmem:v62+s8+$0x0], $0xffff;
	[tilespmem:s0+$0x0] =	vst v10  }
0x349: {  	v25 =	vor.u32 $0x3A, v1;
	s20 =	sadd.s32 $0x18E80, s19;
	v11 =	vld.idx.msk [tilespmem:v63+s8+$0x0], $0xffff;
	s1 =	sor.u32 s14, s9;
	[tilespmem:s10+$0x0] =	vst v12  }
0x34a: {  	v26 =	vor.u32 $0x3A, v0;
	s21 =	sor.u32 s17, s20;
	[tilespmem:s1+$0x0] =	vst v7;
	v2 =	vld.idx.msk [tilespmem:v20+s8+$0x0], $0xffff  }
0x34b: {  	v27 =	vor.u32 $0x3A, v4;
	s22 =	sadd.s32 $0x18F00, s13;
	s0 =	sor.u32 s18, s20;
	v9 =	vld.idx.msk [tilespmem:v21+s8+$0x0], $0xffff;
	[tilespmem:s21+$0x0] =	vst v22  }
0x34c: {  	v28 =	vor.u32 $0x3A, v3;
	s23 =	sor.u32 s12, s22;
	[tilespmem:s0+$0x0] =	vst v8;
	v13 =	vld.idx.msk [tilespmem:v23+s8+$0x0], $0xffff  }
0x34d: {  	v29 =	vor.u32 $0x3A, v5;
	s24 =	sadd.s32 $0x18F00, s16;
	[tilespmem:s23+$0x0] =	vst v15;
	s1 =	sor.u32 s11, s22;
	v10 =	vld.idx.msk [tilespmem:v24+s8+$0x0], $0xffff  }
0x34e: {  	v30 =	vor.u32 $0x3A, v6;
	s25 =	sor.u32 s15, s24;
	v15 =	vld.idx.msk [tilespmem:v25+s8+$0x0], $0xffff;
	[tilespmem:s1+$0x0] =	vst v11  }
0x34f: {  	v31 =	vor.u32 $0x3B, v1;
	s26 =	sadd.s32 $0x18F00, s19;
	v12 =	vld.idx.msk [tilespmem:v26+s8+$0x0], $0xffff;
	s0 =	sor.u32 s14, s24;
	[tilespmem:s25+$0x0] =	vst v2  }
0x350: {  	v32 =	vor.u32 $0x3B, v0;
	s28 =	sor.u32 s17, s26;
	[tilespmem:s0+$0x0] =	vst v9;
	v7 =	vld.idx.msk [tilespmem:v27+s8+$0x0], $0xffff  }
0x351: {  	v33 =	vor.u32 $0x3B, v4;
	s29 =	sadd.s32 $0x18F80, s13;
	s1 =	sor.u32 s18, s26;
	v8 =	vld.idx.msk [tilespmem:v28+s8+$0x0], $0xffff;
	[tilespmem:s28+$0x0] =	vst v13  }
0x352: {  	v34 =	vor.u32 $0x3B, v3;
	s30 =	sor.u32 s12, s29;
	[tilespmem:s1+$0x0] =	vst v10;
	v13 =	vld.idx.msk [tilespmem:v29+s8+$0x0], $0xffff  }
0x353: {  	v35 =	vor.u32 $0x3B, v5;
	s31 =	sadd.s32 $0x18F80, s16;
	[tilespmem:s30+$0x0] =	vst v15;
	s0 =	sor.u32 s11, s29;
	v11 =	vld.idx.msk [tilespmem:v30+s8+$0x0], $0xffff  }
0x354: {  	v36 =	vor.u32 $0x3B, v6;
	s2 =	sor.u32 s15, s31;
	v15 =	vld.idx.msk [tilespmem:v31+s8+$0x0], $0xffff;
	[tilespmem:s0+$0x0] =	vst v12  }
0x355: {  	v37 =	vor.u32 $0x3C, v1;
	s3 =	sadd.s32 $0x18F80, s19;
	v2 =	vld.idx.msk [tilespmem:v32+s8+$0x0], $0xffff;
	s1 =	sor.u32 s14, s31;
	[tilespmem:s2+$0x0] =	vst v7  }
0x356: {  	v38 =	vor.u32 $0x3C, v0;
	s4 =	sor.u32 s17, s3;
	[tilespmem:s1+$0x0] =	vst v8;
	v9 =	vld.idx.msk [tilespmem:v33+s8+$0x0], $0xffff  }
0x357: {  	v39 =	vor.u32 $0x3C, v4;
	s5 =	sadd.s32 $0x19000, s13;
	s0 =	sor.u32 s18, s3;
	v10 =	vld.idx.msk [tilespmem:v34+s8+$0x0], $0xffff;
	[tilespmem:s4+$0x0] =	vst v13  }
0x358: {  	v40 =	vor.u32 $0x3C, v3;
	s6 =	sor.u32 s12, s5;
	[tilespmem:s0+$0x0] =	vst v11;
	v13 =	vld.idx.msk [tilespmem:v35+s8+$0x0], $0xffff  }
0x359: {  	v41 =	vor.u32 $0x3C, v5;
	s7 =	sadd.s32 $0x19000, s16;
	[tilespmem:s6+$0x0] =	vst v15;
	s1 =	sor.u32 s11, s5;
	v12 =	vld.idx.msk [tilespmem:v36+s8+$0x0], $0xffff  }
0x35a: {  	v42 =	vor.u32 $0x3C, v6;
	s9 =	sor.u32 s15, s7;
	v15 =	vld.idx.msk [tilespmem:v37+s8+$0x0], $0xffff;
	[tilespmem:s1+$0x0] =	vst v2  }
0x35b: {  	v43 =	vor.u32 $0x3D, v1;
	s10 =	sadd.s32 $0x19000, s19;
	v7 =	vld.idx.msk [tilespmem:v38+s8+$0x0], $0xffff;
	s0 =	sor.u32 s14, s7;
	[tilespmem:s9+$0x0] =	vst v9  }
0x35c: {  	v44 =	vor.u32 $0x3D, v0;
	s20 =	sor.u32 s17, s10;
	[tilespmem:s0+$0x0] =	vst v10;
	v8 =	vld.idx.msk [tilespmem:v39+s8+$0x0], $0xffff  }
0x35d: {  	v45 =	vor.u32 $0x3D, v4;
	s21 =	sadd.s32 $0x19080, s13;
	s1 =	sor.u32 s18, s10;
	v11 =	vld.idx.msk [tilespmem:v40+s8+$0x0], $0xffff;
	[tilespmem:s20+$0x0] =	vst v13  }
0x35e: {  	v46 =	vor.u32 $0x3D, v3;
	s22 =	sor.u32 s12, s21;
	[tilespmem:s1+$0x0] =	vst v12;
	v13 =	vld.idx.msk [tilespmem:v41+s8+$0x0], $0xffff  }
0x35f: {  	v47 =	vor.u32 $0x3D, v5;
	s23 =	sadd.s32 $0x19080, s16;
	[tilespmem:s22+$0x0] =	vst v15;
	s0 =	sor.u32 s11, s21;
	v2 =	vld.idx.msk [tilespmem:v42+s8+$0x0], $0xffff  }
0x360: {  	v48 =	vor.u32 $0x3D, v6;
	s24 =	sor.u32 s15, s23;
	v15 =	vld.idx.msk [tilespmem:v43+s8+$0x0], $0xffff;
	[tilespmem:s0+$0x0] =	vst v7  }
0x361: {  	v49 =	vor.u32 $0x3E, v1;
	s25 =	sadd.s32 $0x19080, s19;
	v9 =	vld.idx.msk [tilespmem:v44+s8+$0x0], $0xffff;
	s1 =	sor.u32 s14, s23;
	[tilespmem:s24+$0x0] =	vst v8  }
0x362: {  	v50 =	vor.u32 $0x3E, v0;
	s26 =	sor.u32 s17, s25;
	[tilespmem:s1+$0x0] =	vst v11;
	v10 =	vld.idx.msk [tilespmem:v45+s8+$0x0], $0xffff  }
0x363: {  	v51 =	vor.u32 $0x3E, v4;
	s28 =	sadd.s32 $0x19100, s13;
	s0 =	sor.u32 s18, s25;
	v12 =	vld.idx.msk [tilespmem:v46+s8+$0x0], $0xffff;
	[tilespmem:s26+$0x0] =	vst v13  }
0x364: {  	v52 =	vor.u32 $0x3E, v3;
	s29 =	sor.u32 s12, s28;
	[tilespmem:s0+$0x0] =	vst v2;
	v13 =	vld.idx.msk [tilespmem:v47+s8+$0x0], $0xffff  }
0x365: {  	v53 =	vor.u32 $0x3E, v5;
	s31 =	sadd.s32 $0x19100, s16;
	s30 =	sor.u32 s11, s28;
	[tilespmem:s29+$0x0] =	vst v15;
	v7 =	vld.idx.msk [tilespmem:v48+s8+$0x0], $0xffff  }
0x366: {  	v54 =	vor.u32 $0x3E, v6;
	s2 =	sor.u32 s15, s31;
	v15 =	vld.idx.msk [tilespmem:v49+s8+$0x0], $0xffff;
	[tilespmem:s30+$0x0] =	vst v9  }
0x367: {  	v55 =	vor.u32 $0x3F, v1;
	s3 =	sor.u32 s14, s31;
	s4 =	sadd.s32 $0x19100, s19;
	v8 =	vld.idx.msk [tilespmem:v50+s8+$0x0], $0xffff;
	[tilespmem:s2+$0x0] =	vst v10  }
0x368: {  	v56 =	vor.u32 $0x3F, v0;
	s5 =	sor.u32 s17, s4;
	[tilespmem:s3+$0x0] =	vst v12;
	v10 =	vld.idx.msk [tilespmem:v51+s8+$0x0], $0xffff  }
0x369: {  	v57 =	vor.u32 $0x3F, v4;
	s6 =	sadd.s32 $0x19180, s13;
	s1 =	sor.u32 s18, s4;
	v2 =	vld.idx.msk [tilespmem:v52+s8+$0x0], $0xffff;
	[tilespmem:s5+$0x0] =	vst v13  }
0x36a: {  	v58 =	vor.u32 $0x3F, v3;
	s7 =	sor.u32 s12, s6;
	[tilespmem:s1+$0x0] =	vst v7;
	v59 =	vld.idx.msk [tilespmem:v53+s8+$0x0], $0xffff  }
0x36b: {  	v60 =	vor.u32 $0x3F, v5;
	s9 =	sadd.s32 $0x19180, s16;
	[tilespmem:s7+$0x0] =	vst v15;
	s0 =	sor.u32 s11, s6;
	v9 =	vld.idx.msk [tilespmem:v54+s8+$0x0], $0xffff  }
0x36c: {  	v61 =	vor.u32 $0x3F, v6;
	s10 =	sor.u32 s15, s9;
	v1 =	vld.idx.msk [tilespmem:v55+s8+$0x0], $0xffff;
	[tilespmem:s0+$0x0] =	vst v8  }
0x36d: {  	s20 =	sadd.s32 $0x19180, s19;
	v0 =	vld.idx.msk [tilespmem:v56+s8+$0x0], $0xffff;
	s1 =	sor.u32 s14, s9;
	[tilespmem:s10+$0x0] =	vst v10  }
0x36e: {  	s21 =	sor.u32 s17, s20;
	[tilespmem:s1+$0x0] =	vst v2;
	v4 =	vld.idx.msk [tilespmem:v57+s8+$0x0], $0xffff  }
0x36f: {  	s22 =	sadd.s32 $0x19200, s13;
	s0 =	sor.u32 s18, s20;
	v2 =	vld.idx.msk [tilespmem:v58+s8+$0x0], $0xffff;
	[tilespmem:s21+$0x0] =	vst v59  }
0x370: {  	s23 =	sor.u32 s12, s22;
	[tilespmem:s0+$0x0] =	vst v9;
	v62 =	vld.idx.msk [tilespmem:v60+s8+$0x0], $0xffff  }
0x371: {  	s24 =	sadd.s32 $0x19200, s16;
	[tilespmem:s23+$0x0] =	vst v1;
	s1 =	sor.u32 s11, s22;
	v63 =	vld.idx.msk [tilespmem:v61+s8+$0x0], $0xffff  }
0x372: {  	s25 =	sor.u32 s15, s24;
	[tilespmem:s1+$0x0] =	vst v0  }
0x373: {  	s26 =	sadd.s32 $0x19200, s19;
	s0 =	sor.u32 s14, s24;
	[tilespmem:s25+$0x0] =	vst v4  }
0x374: {  	s28 =	sor.u32 s17, s26;
	[tilespmem:s0+$0x0] =	vst v2  }
0x375: {  	s1 =	sor.u32 s18, s26;
	[tilespmem:s28+$0x0] =	vst v62  }
0x376: {  	s29 =	simm.s32 $0x10280;
	[tilespmem:s1+$0x0] =	vst v63  }
0x377: {  	s2 =	simm.s32 $0x0;
	s1 =	simm.s32 $0x1;
	s0 =	rddreg [dreg:$0x6]  }
0x378: {  	[hbm4b:s0+s2] =	stream.linear.scatter [tilespmem:s29], [sflag:$0x1], $0xA000, $0x38;
	[tilespmem:$0x1A280] =	vst v63  }
0x379: {  	_ =	swait.ge [sflag:s1], $0xA000  }
0x37a: {  	s30 =	rddreg [dreg:$0x8]  }
0x37b: {  	s31 =	rddreg [dreg:$0x7];
	s3 =	sadd.s32 $0x1, s30  }
0x37c: {  	p0 =	sne.s32 s3, s31  }
.Ltmp1:
0x37d: {  	_ = 	snop;
	(pc) =	sbr.rel @p0 .LBB2_1-.Ltmp1, $3  }
0x37e: {  	_ =	sdelay $0x1  }
0x37f: {  	[sflag:s1] =	ssyncset.done $0x0  }
0x380: {  	[sflag:s1] =	ssyncadd.s32 $0xFFFF6000  }
0x381: {  	_ =	sfence.sel $0x180000  }
0x382: {  	[bflag:$0x0] =	sbarrier.arrive $0xFFFF  }
0x383: {  	_ =	strace $0x90000047  }
0x384: {  	s0 =	stileid.u32;
	[bflag:$0x2] =	sbarrier.arrive $0xFFFF  }
0x385: {  	p0 =	sne.s32 s0, $0x0;
	s0 =	rddreg [dreg:$0x2]  }
0x386: {  	s0 =	sadd.s32 @!p0 $0x100000, s0  }
0x387: {  	[sflag:s0] =	ssyncadd.tile.s32 @!p0 $0x1;
	_ =	shalt  }
.Lfunc_end2:
_tile_overlayer_lowered:
.L_overlay_start_2:
0x388: {  	(tag) =	ssettag $0x2  }
0x389: {  	s0 =	rddreg [dreg:$0x0];
	s2 =	stileid.u32  }
0x38a: {  	s1 =	rddreg [dreg:$0x1];
	p0 =	sne.s32 s2, $0x0  }
0x38b: {  	s3 =	rddreg [dreg:$0x2];
	[bflag:$0x3] =	sbarrier.arrive $0xFFFF;
	s2 =	simm.s32 @!p0 $0x1C01  }
0x38c: {  	[timem:s3], [sflag:s2] =	dma.local @!p0 [hbm:s0], s1  }
0x38d: {  	s0 =	simm.s32 @!p0 $0x1  }
0x38e: {  	_ =	swait.ge @!p0 [sflag:s0], s1  }
0x38f: {  	s1 =	ssub.s32 @!p0 $0x0, s1;
	[sflag:s0] =	ssyncset.done @!p0 $0x0  }
0x390: {  	[sflag:s0] =	ssyncadd.s32 @!p0 s1  }
0x391: {  	[bflag:$0x3] =	sbarrier.arrive $0xFFFF  }
0x392: {  	_ =	shalt  }

</sc_bundles>
